<compile_context>
chip_gen: v7x
topology: tpu7x:2x2x1
jax: 0.10.2.dev20260603
libtpu: 0.0.44.dev20260713+nightly
codegen_flags: <defaults>
</compile_context>

<pallas_src>
import functools

import jax
import jax.numpy as jnp
from jax import lax
from jax.experimental import pallas as pl
from jax.experimental.pallas import tpu as pltpu
from jax.experimental.pallas import tpu_sc as plsc

EMBEDDING_DIM = 32
BATCH = 16384
NROWS = 1000000
LANES = 128
TILE_COLS = 7813
FULL_T = 7812
TAIL_I0 = FULL_T * LANES
TAIL_N = NROWS - TAIL_I0
TILE_WORDS = EMBEDDING_DIM * LANES
APP0 = FULL_T * TILE_WORDS
DEPTH = 16


def _memcpy_kernel(info, mesh):
    SLAB = 4
    N_SLABS = 244 // SLAB

    @functools.partial(
        pl.kernel,
        mesh=mesh,
        out_type=jax.ShapeDtypeStruct(
            (TILE_COLS, EMBEDDING_DIM, LANES), jnp.float32
        ),
        scratch_types=[
            pltpu.VMEM((2, EMBEDDING_DIM, SLAB * LANES), jnp.float32),
            pltpu.SemaphoreType.DMA,
            pltpu.SemaphoreType.DMA,
            pltpu.SemaphoreType.DMA,
        ],
    )
    def k1(table_t_hbm, tail_app_hbm, raw_hbm, buf, sem_r0, sem_r1, sem_w):
        wid = lax.axis_index("s") * info.num_cores + lax.axis_index("c")
        t0 = wid * 244 + jnp.minimum(wid, 4)

        def read_slab(s, p):
            for q, sem in ((0, sem_r0), (1, sem_r1)):
                @pl.when(p == q)
                def _(sem=sem):
                    pltpu.async_copy(
                        table_t_hbm.at[
                            :, pl.ds((t0 + s * SLAB) * LANES, SLAB * LANES)
                        ],
                        buf.at[p],
                        sem,
                    )

        read_slab(0, 0)

        def body(s, _):
            p = s & 1
            @pl.when(s >= 1)
            def _():
                for _i in range(SLAB):
                    pltpu.make_async_copy(
                        buf.at[0].at[:, pl.ds(0, LANES)],
                        raw_hbm.at[0],
                        sem_w,
                    ).wait()
            @pl.when(s + 1 < N_SLABS)
            def _():
                read_slab(s + 1, 1 - p)
            for q, sem in ((0, sem_r0), (1, sem_r1)):
                @pl.when(p == q)
                def _(sem=sem):
                    pltpu.make_async_copy(
                        table_t_hbm.at[:, pl.ds(0, SLAB * LANES)],
                        buf.at[0],
                        sem,
                    ).wait()
            for i in range(SLAB):
                pltpu.async_copy(
                    buf.at[p].at[:, pl.ds(i * LANES, LANES)],
                    raw_hbm.at[t0 + s * SLAB + i],
                    sem_w,
                )
            return ()

        lax.fori_loop(0, N_SLABS, body, ())
        for _i in range(SLAB):
            pltpu.make_async_copy(
                buf.at[0].at[:, pl.ds(0, LANES)],
                raw_hbm.at[0],
                sem_w,
            ).wait()

        @pl.when(wid < 4)
        def _():
            t_x = t0 + 244
            pltpu.sync_copy(
                table_t_hbm.at[:, pl.ds(t_x * LANES, LANES)],
                buf.at[0].at[:, pl.ds(0, LANES)],
            )
            pltpu.sync_copy(buf.at[0].at[:, pl.ds(0, LANES)], raw_hbm.at[t_x])

        @pl.when(wid == 0)
        def _():
            pltpu.sync_copy(
                tail_app_hbm, raw_hbm.at[FULL_T].at[pl.ds(0, 16), :]
            )

    return k1


def _gather_kernel(info, mesh, b_per_w):
    n_vregs = b_per_w // 16

    @functools.partial(
        pl.kernel,
        mesh=mesh,
        out_type=jax.ShapeDtypeStruct((EMBEDDING_DIM, BATCH), jnp.float32),
        scratch_types=[
            pltpu.VMEM((b_per_w,), jnp.int32),
            pltpu.VMEM((EMBEDDING_DIM * b_per_w,), jnp.int32),
            pltpu.VMEM((EMBEDDING_DIM * b_per_w,), jnp.float32),
            pltpu.SemaphoreType.DMA,
        ],
        compiler_params=pltpu.CompilerParams(use_tc_tiling_on_sc=False),
    )
    def k2(x_hbm, flat_hbm, out_t_hbm, xv, offs_v, rows_v, sem):
        wid = lax.axis_index("s") * info.num_cores + lax.axis_index("c")
        base = wid * b_per_w
        pltpu.sync_copy(x_hbm.at[pl.ds(base, b_per_w)], xv)

        def offs_body(jv, _):
            xq = xv[pl.ds(jv * 16, 16)]
            bad = xq >= TAIL_I0
            q = (xq >> 7) * TILE_WORDS + (xq & 127)
            bbq = (xq - TAIL_I0) * EMBEDDING_DIM + APP0
            for d in range(EMBEDDING_DIM):
                woff = jnp.where(bad, bbq + d, q + d * LANES)
                offs_v[pl.ds(d * b_per_w + jv * 16, 16)] = woff
            return ()

        lax.fori_loop(0, n_vregs, offs_body, ())

        pltpu.async_copy(flat_hbm.at[offs_v], rows_v, sem).wait()

        for d in range(EMBEDDING_DIM):
            pltpu.sync_copy(
                rows_v.at[pl.ds(d * b_per_w, b_per_w)],
                out_t_hbm.at[d].at[pl.ds(base, b_per_w)],
            )

    return k2


def kernel(x, table):
    info = plsc.get_sparse_core_info()
    nw = info.num_cores * info.num_subcores
    b_per_w = BATCH // nw

    mesh = plsc.VectorSubcoreMesh(core_axis_name="c", subcore_axis_name="s")

    tail_app = jnp.reshape(
        lax.slice(table, (TAIL_I0, 0), (NROWS, EMBEDDING_DIM)),
        (TAIL_N * EMBEDDING_DIM // LANES, LANES),
    )
    raw = _memcpy_kernel(info, mesh)(table.T, tail_app)
    flat = jnp.reshape(raw, (-1,))
    out_t = _gather_kernel(info, mesh, b_per_w)(x, flat)
    return out_t.T

# --- scband reference (transcript-rebuilt; emitter-appended) ---
"""Pipeline reference for scband-glo-embed-6528350290190 (READ-ONLY COPY).

The authoritative reference and input builder live on the scoring server;
editing this copy changes nothing except your own understanding.
"""

import jax, jax.numpy as jnp
import numpy as np

NUM_EMBEDDINGS = 1000000
EMBEDDING_DIM = 32
BATCH = 16384


def setup_inputs(seed: int = 0) -> dict:
    key = jax.random.key(seed)
    k_idx, k_tab = jax.random.split(key)
    x = jax.random.randint(k_idx, (BATCH,), 0, NUM_EMBEDDINGS, dtype=jnp.int64 if jax.config.read('jax_enable_x64') else jnp.int32)
    table = jax.random.normal(k_tab, (NUM_EMBEDDINGS, EMBEDDING_DIM), dtype=jnp.float32) * 0.02
    return {"x": x, "table": table}


def reference(x, table):
    # GloEmbed.forward: plain embedding lookup (gather rows of the table)
    return jnp.take(table, x, axis=0)

if __name__ == "__main__":
    import jax
    _d = setup_inputs()
    print(jax.jit(kernel)(*tuple(_d.values())))

</pallas_src>

<mosaic_0001>
#map = affine_map<(d0, d1) -> (0)>
#map1 = affine_map<(d0, d1) -> (0, 0)>
module attributes {stable_mosaic.version = 14 : i64} {
  func.func @k2(%arg0: i32, %arg1: i32, %arg2: memref<16384xi32, #tpu.memory_space<hbm>>, %arg3: memref<32002048xf32, #tpu.memory_space<hbm>>, %arg4: memref<32x16384xf32, #tpu.memory_space<hbm>>, %arg5: memref<512xi32, #tpu.memory_space<vmem>>, %arg6: memref<16384xi32, #tpu.memory_space<vmem>>, %arg7: memref<16384xf32, #tpu.memory_space<vmem>>, %arg8: memref<!tpu.dma_semaphore, #tpu.memory_space<semaphore_mem>>) attributes {dimension_semantics = [#tpu.dimension_semantics<core_parallel>, #tpu.dimension_semantics<subcore_parallel>], iteration_bounds = array<i64: 2, 16>, scalar_prefetch = 0 : i64, scratch_operands = 4 : i64, tpu.core_type = #tpu.core_type<sc_vector_subcore>, window_params = [{transform_indices = #map}, {transform_indices = #map}, {transform_indices = #map1}]} {
    %mul3A = arith.constant 2 : i32
    %mul3A_0 = arith.muli %arg1, %mul3A : i32
    %add3A = arith.addi %mul3A_0, %arg0 : i32
    %mul3A_1 = arith.constant 512 : i32
    %mul3A_2 = arith.muli %add3A, %mul3A_1 : i32
    "tpu.region"() ({
      %run_scoped3A_40 = tpu.sem_alloc : memref<!tpu.dma_semaphore, #tpu.memory_space<semaphore_mem>>
      %dma_start3A_41 = tpu.memref_slice %arg2[%mul3A_2] : memref<16384xi32, #tpu.memory_space<hbm>> -> memref<512xi32, #tpu.memory_space<hbm>>
      %dma_start3A_42 = tpu.memref_slice %arg2[%mul3A_2] : memref<16384xi32, #tpu.memory_space<hbm>> -> memref<512xi32, #tpu.memory_space<hbm>>
      tpu.enqueue_dma source(%dma_start3A_42 : memref<512xi32, #tpu.memory_space<hbm>>) target(%arg5 : memref<512xi32, #tpu.memory_space<vmem>>) target_semaphore(%run_scoped3A_40 : memref<!tpu.dma_semaphore, #tpu.memory_space<semaphore_mem>>)
      %dma_wait3A_43 = tpu.memref_slice %arg2[%mul3A_2] : memref<16384xi32, #tpu.memory_space<hbm>> -> memref<512xi32, #tpu.memory_space<hbm>>
      %dma_wait3A_44 = tpu.memref_slice %arg2[%mul3A_2] : memref<16384xi32, #tpu.memory_space<hbm>> -> memref<512xi32, #tpu.memory_space<hbm>>
      tpu.wait_dma2 semaphore(%run_scoped3A_40 : memref<!tpu.dma_semaphore, #tpu.memory_space<semaphore_mem>>) src(%dma_wait3A_44 : memref<512xi32, #tpu.memory_space<hbm>>) dst(%arg5 : memref<512xi32, #tpu.memory_space<vmem>>)
      tpu.yield
    }) : () -> ()
    %scan3A = arith.constant 0 : i32
    %scan3A_3 = arith.constant 32 : i32
    %scan3A_4 = arith.addi %scan3A, %scan3A_3 : i32
    %scan3A_5 = arith.constant 1 : i32
    scf.for %scan3A_40 = %scan3A to %scan3A_4 step %scan3A_5  : i32 {
      %mul3A_41 = arith.constant 16 : i32
      %mul3A_42 = arith.muli %scan3A_40, %mul3A_41 : i32
      %get3A = arith.index_cast %mul3A_42 : i32 to index
      %get3A_43 = tpu.vector_load %arg5[%get3A] {strides = array<i32>} : memref<512xi32, #tpu.memory_space<vmem>>, vector<16xi32>,
      %get3A_44 = vector.shape_cast %get3A_43 : vector<16xi32> to vector<16xi32>
      %ge3A = arith.constant 999936 : i32
      %ge3A_45 = vector.broadcast %ge3A : i32 to vector<16xi32>
      %ge3A_46 = arith.cmpi sge, %get3A_44, %ge3A_45 : vector<16xi32>
      %shift_right_arithmetic3A = arith.constant 7 : i32
      %shift_right_arithmetic3A_47 = vector.broadcast %shift_right_arithmetic3A : i32 to vector<16xi32>
      %shift_right_arithmetic3A_48 = arith.shrsi %get3A_44, %shift_right_arithmetic3A_47 : vector<16xi32>
      %mul3A_49 = arith.constant 4096 : i32
      %mul3A_50 = vector.broadcast %mul3A_49 : i32 to vector<16xi32>
      %mul3A_51 = arith.muli %shift_right_arithmetic3A_48, %mul3A_50 : vector<16xi32>
      %and3A = arith.constant 127 : i32
      %and3A_52 = vector.broadcast %and3A : i32 to vector<16xi32>
      %and3A_53 = arith.andi %get3A_44, %and3A_52 : vector<16xi32>
      %add3A_54 = arith.addi %mul3A_51, %and3A_53 : vector<16xi32>
      %sub3A = arith.constant 999936 : i32
      %sub3A_55 = vector.broadcast %sub3A : i32 to vector<16xi32>
      %sub3A_56 = arith.subi %get3A_44, %sub3A_55 : vector<16xi32>
      %mul3A_57 = arith.constant 32 : i32
      %mul3A_58 = vector.broadcast %mul3A_57 : i32 to vector<16xi32>
      %mul3A_59 = arith.muli %sub3A_56, %mul3A_58 : vector<16xi32>
      %add3A_60 = arith.constant 31997952 : i32
      %add3A_61 = vector.broadcast %add3A_60 : i32 to vector<16xi32>
      %add3A_62 = arith.addi %mul3A_59, %add3A_61 : vector<16xi32>
      %add3A_63 = arith.constant 0 : i32
      %add3A_64 = vector.broadcast %add3A_63 : i32 to vector<16xi32>
      %add3A_65 = arith.addi %add3A_62, %add3A_64 : vector<16xi32>
      %add3A_66 = arith.constant 0 : i32
      %add3A_67 = vector.broadcast %add3A_66 : i32 to vector<16xi32>
      %add3A_68 = arith.addi %add3A_54, %add3A_67 : vector<16xi32>
      %select_n3A = arith.select %ge3A_46, %add3A_65, %add3A_68 : vector<16xi1>, vector<16xi32>
      %mul3A_69 = arith.constant 16 : i32
      %mul3A_70 = arith.muli %scan3A_40, %mul3A_69 : i32
      %add3A_71 = arith.constant 0 : i32
      %add3A_72 = arith.addi %add3A_71, %mul3A_70 : i32
      %swap3A = arith.index_cast %add3A_72 : i32 to index
      %swap3A_73 = tpu.vector_load %arg6[%swap3A] {strides = array<i32>} : memref<16384xi32, #tpu.memory_space<vmem>>, vector<16xi32>,
      %swap3A_74 = vector.shape_cast %swap3A_73 : vector<16xi32> to vector<16xi32>
      %swap3A_75 = vector.shape_cast %select_n3A : vector<16xi32> to vector<16xi32>
      tpu.vector_store %arg6[%swap3A], %swap3A_75 {strides = array<i32>} : memref<16384xi32, #tpu.memory_space<vmem>>, vector<16xi32>,
      %add3A_76 = arith.constant 1 : i32
      %add3A_77 = vector.broadcast %add3A_76 : i32 to vector<16xi32>
      %add3A_78 = arith.addi %add3A_62, %add3A_77 : vector<16xi32>
      %add3A_79 = arith.constant 128 : i32
      %add3A_80 = vector.broadcast %add3A_79 : i32 to vector<16xi32>
      %add3A_81 = arith.addi %add3A_54, %add3A_80 : vector<16xi32>
      %select_n3A_82 = arith.select %ge3A_46, %add3A_78, %add3A_81 : vector<16xi1>, vector<16xi32>
      %mul3A_83 = arith.constant 16 : i32
      %mul3A_84 = arith.muli %scan3A_40, %mul3A_83 : i32
      %add3A_85 = arith.constant 512 : i32
      %add3A_86 = arith.addi %add3A_85, %mul3A_84 : i32
      %swap3A_87 = arith.index_cast %add3A_86 : i32 to index
      %swap3A_88 = tpu.vector_load %arg6[%swap3A_87] {strides = array<i32>} : memref<16384xi32, #tpu.memory_space<vmem>>, vector<16xi32>,
      %swap3A_89 = vector.shape_cast %swap3A_88 : vector<16xi32> to vector<16xi32>
      %swap3A_90 = vector.shape_cast %select_n3A_82 : vector<16xi32> to vector<16xi32>
      tpu.vector_store %arg6[%swap3A_87], %swap3A_90 {strides = array<i32>} : memref<16384xi32, #tpu.memory_space<vmem>>, vector<16xi32>,
      %add3A_91 = arith.constant 2 : i32
      %add3A_92 = vector.broadcast %add3A_91 : i32 to vector<16xi32>
      %add3A_93 = arith.addi %add3A_62, %add3A_92 : vector<16xi32>
      %add3A_94 = arith.constant 256 : i32
      %add3A_95 = vector.broadcast %add3A_94 : i32 to vector<16xi32>
      %add3A_96 = arith.addi %add3A_54, %add3A_95 : vector<16xi32>
      %select_n3A_97 = arith.select %ge3A_46, %add3A_93, %add3A_96 : vector<16xi1>, vector<16xi32>
      %mul3A_98 = arith.constant 16 : i32
      %mul3A_99 = arith.muli %scan3A_40, %mul3A_98 : i32
      %add3A_100 = arith.constant 1024 : i32
      %add3A_101 = arith.addi %add3A_100, %mul3A_99 : i32
      %swap3A_102 = arith.index_cast %add3A_101 : i32 to index
      %swap3A_103 = tpu.vector_load %arg6[%swap3A_102] {strides = array<i32>} : memref<16384xi32, #tpu.memory_space<vmem>>, vector<16xi32>,
      %swap3A_104 = vector.shape_cast %swap3A_103 : vector<16xi32> to vector<16xi32>
      %swap3A_105 = vector.shape_cast %select_n3A_97 : vector<16xi32> to vector<16xi32>
      tpu.vector_store %arg6[%swap3A_102], %swap3A_105 {strides = array<i32>} : memref<16384xi32, #tpu.memory_space<vmem>>, vector<16xi32>,
      %add3A_106 = arith.constant 3 : i32
      %add3A_107 = vector.broadcast %add3A_106 : i32 to vector<16xi32>
      %add3A_108 = arith.addi %add3A_62, %add3A_107 : vector<16xi32>
      %add3A_109 = arith.constant 384 : i32
      %add3A_110 = vector.broadcast %add3A_109 : i32 to vector<16xi32>
      %add3A_111 = arith.addi %add3A_54, %add3A_110 : vector<16xi32>
      %select_n3A_112 = arith.select %ge3A_46, %add3A_108, %add3A_111 : vector<16xi1>, vector<16xi32>
      %mul3A_113 = arith.constant 16 : i32
      %mul3A_114 = arith.muli %scan3A_40, %mul3A_113 : i32
      %add3A_115 = arith.constant 1536 : i32
      %add3A_116 = arith.addi %add3A_115, %mul3A_114 : i32
      %swap3A_117 = arith.index_cast %add3A_116 : i32 to index
      %swap3A_118 = tpu.vector_load %arg6[%swap3A_117] {strides = array<i32>} : memref<16384xi32, #tpu.memory_space<vmem>>, vector<16xi32>,
      %swap3A_119 = vector.shape_cast %swap3A_118 : vector<16xi32> to vector<16xi32>
      %swap3A_120 = vector.shape_cast %select_n3A_112 : vector<16xi32> to vector<16xi32>
      tpu.vector_store %arg6[%swap3A_117], %swap3A_120 {strides = array<i32>} : memref<16384xi32, #tpu.memory_space<vmem>>, vector<16xi32>,
      %add3A_121 = arith.constant 4 : i32
      %add3A_122 = vector.broadcast %add3A_121 : i32 to vector<16xi32>
      %add3A_123 = arith.addi %add3A_62, %add3A_122 : vector<16xi32>
      %add3A_124 = arith.constant 512 : i32
      %add3A_125 = vector.broadcast %add3A_124 : i32 to vector<16xi32>
      %add3A_126 = arith.addi %add3A_54, %add3A_125 : vector<16xi32>
      %select_n3A_127 = arith.select %ge3A_46, %add3A_123, %add3A_126 : vector<16xi1>, vector<16xi32>
      %mul3A_128 = arith.constant 16 : i32
      %mul3A_129 = arith.muli %scan3A_40, %mul3A_128 : i32
      %add3A_130 = arith.constant 2048 : i32
      %add3A_131 = arith.addi %add3A_130, %mul3A_129 : i32
      %swap3A_132 = arith.index_cast %add3A_131 : i32 to index
      %swap3A_133 = tpu.vector_load %arg6[%swap3A_132] {strides = array<i32>} : memref<16384xi32, #tpu.memory_space<vmem>>, vector<16xi32>,
      %swap3A_134 = vector.shape_cast %swap3A_133 : vector<16xi32> to vector<16xi32>
      %swap3A_135 = vector.shape_cast %select_n3A_127 : vector<16xi32> to vector<16xi32>
      tpu.vector_store %arg6[%swap3A_132], %swap3A_135 {strides = array<i32>} : memref<16384xi32, #tpu.memory_space<vmem>>, vector<16xi32>,
      %add3A_136 = arith.constant 5 : i32
      %add3A_137 = vector.broadcast %add3A_136 : i32 to vector<16xi32>
      %add3A_138 = arith.addi %add3A_62, %add3A_137 : vector<16xi32>
      %add3A_139 = arith.constant 640 : i32
      %add3A_140 = vector.broadcast %add3A_139 : i32 to vector<16xi32>
      %add3A_141 = arith.addi %add3A_54, %add3A_140 : vector<16xi32>
      %select_n3A_142 = arith.select %ge3A_46, %add3A_138, %add3A_141 : vector<16xi1>, vector<16xi32>
      %mul3A_143 = arith.constant 16 : i32
      %mul3A_144 = arith.muli %scan3A_40, %mul3A_143 : i32
      %add3A_145 = arith.constant 2560 : i32
      %add3A_146 = arith.addi %add3A_145, %mul3A_144 : i32
      %swap3A_147 = arith.index_cast %add3A_146 : i32 to index
      %swap3A_148 = tpu.vector_load %arg6[%swap3A_147] {strides = array<i32>} : memref<16384xi32, #tpu.memory_space<vmem>>, vector<16xi32>,
      %swap3A_149 = vector.shape_cast %swap3A_148 : vector<16xi32> to vector<16xi32>
      %swap3A_150 = vector.shape_cast %select_n3A_142 : vector<16xi32> to vector<16xi32>
      tpu.vector_store %arg6[%swap3A_147], %swap3A_150 {strides = array<i32>} : memref<16384xi32, #tpu.memory_space<vmem>>, vector<16xi32>,
      %add3A_151 = arith.constant 6 : i32
      %add3A_152 = vector.broadcast %add3A_151 : i32 to vector<16xi32>
      %add3A_153 = arith.addi %add3A_62, %add3A_152 : vector<16xi32>
      %add3A_154 = arith.constant 768 : i32
      %add3A_155 = vector.broadcast %add3A_154 : i32 to vector<16xi32>
      %add3A_156 = arith.addi %add3A_54, %add3A_155 : vector<16xi32>
      %select_n3A_157 = arith.select %ge3A_46, %add3A_153, %add3A_156 : vector<16xi1>, vector<16xi32>
      %mul3A_158 = arith.constant 16 : i32
      %mul3A_159 = arith.muli %scan3A_40, %mul3A_158 : i32
      %add3A_160 = arith.constant 3072 : i32
      %add3A_161 = arith.addi %add3A_160, %mul3A_159 : i32
      %swap3A_162 = arith.index_cast %add3A_161 : i32 to index
      %swap3A_163 = tpu.vector_load %arg6[%swap3A_162] {strides = array<i32>} : memref<16384xi32, #tpu.memory_space<vmem>>, vector<16xi32>,
      %swap3A_164 = vector.shape_cast %swap3A_163 : vector<16xi32> to vector<16xi32>
      %swap3A_165 = vector.shape_cast %select_n3A_157 : vector<16xi32> to vector<16xi32>
      tpu.vector_store %arg6[%swap3A_162], %swap3A_165 {strides = array<i32>} : memref<16384xi32, #tpu.memory_space<vmem>>, vector<16xi32>,
      %add3A_166 = arith.constant 7 : i32
      %add3A_167 = vector.broadcast %add3A_166 : i32 to vector<16xi32>
      %add3A_168 = arith.addi %add3A_62, %add3A_167 : vector<16xi32>
      %add3A_169 = arith.constant 896 : i32
      %add3A_170 = vector.broadcast %add3A_169 : i32 to vector<16xi32>
      %add3A_171 = arith.addi %add3A_54, %add3A_170 : vector<16xi32>
      %select_n3A_172 = arith.select %ge3A_46, %add3A_168, %add3A_171 : vector<16xi1>, vector<16xi32>
      %mul3A_173 = arith.constant 16 : i32
      %mul3A_174 = arith.muli %scan3A_40, %mul3A_173 : i32
      %add3A_175 = arith.constant 3584 : i32
      %add3A_176 = arith.addi %add3A_175, %mul3A_174 : i32
      %swap3A_177 = arith.index_cast %add3A_176 : i32 to index
      %swap3A_178 = tpu.vector_load %arg6[%swap3A_177] {strides = array<i32>} : memref<16384xi32, #tpu.memory_space<vmem>>, vector<16xi32>,
      %swap3A_179 = vector.shape_cast %swap3A_178 : vector<16xi32> to vector<16xi32>
      %swap3A_180 = vector.shape_cast %select_n3A_172 : vector<16xi32> to vector<16xi32>
      tpu.vector_store %arg6[%swap3A_177], %swap3A_180 {strides = array<i32>} : memref<16384xi32, #tpu.memory_space<vmem>>, vector<16xi32>,
      %add3A_181 = arith.constant 8 : i32
      %add3A_182 = vector.broadcast %add3A_181 : i32 to vector<16xi32>
      %add3A_183 = arith.addi %add3A_62, %add3A_182 : vector<16xi32>
      %add3A_184 = arith.constant 1024 : i32
      %add3A_185 = vector.broadcast %add3A_184 : i32 to vector<16xi32>
      %add3A_186 = arith.addi %add3A_54, %add3A_185 : vector<16xi32>
      %select_n3A_187 = arith.select %ge3A_46, %add3A_183, %add3A_186 : vector<16xi1>, vector<16xi32>
      %mul3A_188 = arith.constant 16 : i32
      %mul3A_189 = arith.muli %scan3A_40, %mul3A_188 : i32
      %add3A_190 = arith.constant 4096 : i32
      %add3A_191 = arith.addi %add3A_190, %mul3A_189 : i32
      %swap3A_192 = arith.index_cast %add3A_191 : i32 to index
      %swap3A_193 = tpu.vector_load %arg6[%swap3A_192] {strides = array<i32>} : memref<16384xi32, #tpu.memory_space<vmem>>, vector<16xi32>,
      %swap3A_194 = vector.shape_cast %swap3A_193 : vector<16xi32> to vector<16xi32>
      %swap3A_195 = vector.shape_cast %select_n3A_187 : vector<16xi32> to vector<16xi32>
      tpu.vector_store %arg6[%swap3A_192], %swap3A_195 {strides = array<i32>} : memref<16384xi32, #tpu.memory_space<vmem>>, vector<16xi32>,
      %add3A_196 = arith.constant 9 : i32
      %add3A_197 = vector.broadcast %add3A_196 : i32 to vector<16xi32>
      %add3A_198 = arith.addi %add3A_62, %add3A_197 : vector<16xi32>
      %add3A_199 = arith.constant 1152 : i32
      %add3A_200 = vector.broadcast %add3A_199 : i32 to vector<16xi32>
      %add3A_201 = arith.addi %add3A_54, %add3A_200 : vector<16xi32>
      %select_n3A_202 = arith.select %ge3A_46, %add3A_198, %add3A_201 : vector<16xi1>, vector<16xi32>
      %mul3A_203 = arith.constant 16 : i32
      %mul3A_204 = arith.muli %scan3A_40, %mul3A_203 : i32
      %add3A_205 = arith.constant 4608 : i32
      %add3A_206 = arith.addi %add3A_205, %mul3A_204 : i32
      %swap3A_207 = arith.index_cast %add3A_206 : i32 to index
      %swap3A_208 = tpu.vector_load %arg6[%swap3A_207] {strides = array<i32>} : memref<16384xi32, #tpu.memory_space<vmem>>, vector<16xi32>,
      %swap3A_209 = vector.shape_cast %swap3A_208 : vector<16xi32> to vector<16xi32>
      %swap3A_210 = vector.shape_cast %select_n3A_202 : vector<16xi32> to vector<16xi32>
      tpu.vector_store %arg6[%swap3A_207], %swap3A_210 {strides = array<i32>} : memref<16384xi32, #tpu.memory_space<vmem>>, vector<16xi32>,
      %add3A_211 = arith.constant 10 : i32
      %add3A_212 = vector.broadcast %add3A_211 : i32 to vector<16xi32>
      %add3A_213 = arith.addi %add3A_62, %add3A_212 : vector<16xi32>
      %add3A_214 = arith.constant 1280 : i32
      %add3A_215 = vector.broadcast %add3A_214 : i32 to vector<16xi32>
      %add3A_216 = arith.addi %add3A_54, %add3A_215 : vector<16xi32>
      %select_n3A_217 = arith.select %ge3A_46, %add3A_213, %add3A_216 : vector<16xi1>, vector<16xi32>
      %mul3A_218 = arith.constant 16 : i32
      %mul3A_219 = arith.muli %scan3A_40, %mul3A_218 : i32
      %add3A_220 = arith.constant 5120 : i32
      %add3A_221 = arith.addi %add3A_220, %mul3A_219 : i32
      %swap3A_222 = arith.index_cast %add3A_221 : i32 to index
      %swap3A_223 = tpu.vector_load %arg6[%swap3A_222] {strides = array<i32>} : memref<16384xi32, #tpu.memory_space<vmem>>, vector<16xi32>,
      %swap3A_224 = vector.shape_cast %swap3A_223 : vector<16xi32> to vector<16xi32>
      %swap3A_225 = vector.shape_cast %select_n3A_217 : vector<16xi32> to vector<16xi32>
      tpu.vector_store %arg6[%swap3A_222], %swap3A_225 {strides = array<i32>} : memref<16384xi32, #tpu.memory_space<vmem>>, vector<16xi32>,
      %add3A_226 = arith.constant 11 : i32
      %add3A_227 = vector.broadcast %add3A_226 : i32 to vector<16xi32>
      %add3A_228 = arith.addi %add3A_62, %add3A_227 : vector<16xi32>
      %add3A_229 = arith.constant 1408 : i32
      %add3A_230 = vector.broadcast %add3A_229 : i32 to vector<16xi32>
      %add3A_231 = arith.addi %add3A_54, %add3A_230 : vector<16xi32>
      %select_n3A_232 = arith.select %ge3A_46, %add3A_228, %add3A_231 : vector<16xi1>, vector<16xi32>
      %mul3A_233 = arith.constant 16 : i32
      %mul3A_234 = arith.muli %scan3A_40, %mul3A_233 : i32
      %add3A_235 = arith.constant 5632 : i32
      %add3A_236 = arith.addi %add3A_235, %mul3A_234 : i32
      %swap3A_237 = arith.index_cast %add3A_236 : i32 to index
      %swap3A_238 = tpu.vector_load %arg6[%swap3A_237] {strides = array<i32>} : memref<16384xi32, #tpu.memory_space<vmem>>, vector<16xi32>,
      %swap3A_239 = vector.shape_cast %swap3A_238 : vector<16xi32> to vector<16xi32>
      %swap3A_240 = vector.shape_cast %select_n3A_232 : vector<16xi32> to vector<16xi32>
      tpu.vector_store %arg6[%swap3A_237], %swap3A_240 {strides = array<i32>} : memref<16384xi32, #tpu.memory_space<vmem>>, vector<16xi32>,
      %add3A_241 = arith.constant 12 : i32
      %add3A_242 = vector.broadcast %add3A_241 : i32 to vector<16xi32>
      %add3A_243 = arith.addi %add3A_62, %add3A_242 : vector<16xi32>
      %add3A_244 = arith.constant 1536 : i32
      %add3A_245 = vector.broadcast %add3A_244 : i32 to vector<16xi32>
      %add3A_246 = arith.addi %add3A_54, %add3A_245 : vector<16xi32>
      %select_n3A_247 = arith.select %ge3A_46, %add3A_243, %add3A_246 : vector<16xi1>, vector<16xi32>
      %mul3A_248 = arith.constant 16 : i32
      %mul3A_249 = arith.muli %scan3A_40, %mul3A_248 : i32
      %add3A_250 = arith.constant 6144 : i32
      %add3A_251 = arith.addi %add3A_250, %mul3A_249 : i32
      %swap3A_252 = arith.index_cast %add3A_251 : i32 to index
      %swap3A_253 = tpu.vector_load %arg6[%swap3A_252] {strides = array<i32>} : memref<16384xi32, #tpu.memory_space<vmem>>, vector<16xi32>,
      %swap3A_254 = vector.shape_cast %swap3A_253 : vector<16xi32> to vector<16xi32>
      %swap3A_255 = vector.shape_cast %select_n3A_247 : vector<16xi32> to vector<16xi32>
      tpu.vector_store %arg6[%swap3A_252], %swap3A_255 {strides = array<i32>} : memref<16384xi32, #tpu.memory_space<vmem>>, vector<16xi32>,
      %add3A_256 = arith.constant 13 : i32
      %add3A_257 = vector.broadcast %add3A_256 : i32 to vector<16xi32>
      %add3A_258 = arith.addi %add3A_62, %add3A_257 : vector<16xi32>
      %add3A_259 = arith.constant 1664 : i32
      %add3A_260 = vector.broadcast %add3A_259 : i32 to vector<16xi32>
      %add3A_261 = arith.addi %add3A_54, %add3A_260 : vector<16xi32>
      %select_n3A_262 = arith.select %ge3A_46, %add3A_258, %add3A_261 : vector<16xi1>, vector<16xi32>
      %mul3A_263 = arith.constant 16 : i32
      %mul3A_264 = arith.muli %scan3A_40, %mul3A_263 : i32
      %add3A_265 = arith.constant 6656 : i32
      %add3A_266 = arith.addi %add3A_265, %mul3A_264 : i32
      %swap3A_267 = arith.index_cast %add3A_266 : i32 to index
      %swap3A_268 = tpu.vector_load %arg6[%swap3A_267] {strides = array<i32>} : memref<16384xi32, #tpu.memory_space<vmem>>, vector<16xi32>,
      %swap3A_269 = vector.shape_cast %swap3A_268 : vector<16xi32> to vector<16xi32>
      %swap3A_270 = vector.shape_cast %select_n3A_262 : vector<16xi32> to vector<16xi32>
      tpu.vector_store %arg6[%swap3A_267], %swap3A_270 {strides = array<i32>} : memref<16384xi32, #tpu.memory_space<vmem>>, vector<16xi32>,
      %add3A_271 = arith.constant 14 : i32
      %add3A_272 = vector.broadcast %add3A_271 : i32 to vector<16xi32>
      %add3A_273 = arith.addi %add3A_62, %add3A_272 : vector<16xi32>
      %add3A_274 = arith.constant 1792 : i32
      %add3A_275 = vector.broadcast %add3A_274 : i32 to vector<16xi32>
      %add3A_276 = arith.addi %add3A_54, %add3A_275 : vector<16xi32>
      %select_n3A_277 = arith.select %ge3A_46, %add3A_273, %add3A_276 : vector<16xi1>, vector<16xi32>
      %mul3A_278 = arith.constant 16 : i32
      %mul3A_279 = arith.muli %scan3A_40, %mul3A_278 : i32
      %add3A_280 = arith.constant 7168 : i32
      %add3A_281 = arith.addi %add3A_280, %mul3A_279 : i32
      %swap3A_282 = arith.index_cast %add3A_281 : i32 to index
      %swap3A_283 = tpu.vector_load %arg6[%swap3A_282] {strides = array<i32>} : memref<16384xi32, #tpu.memory_space<vmem>>, vector<16xi32>,
      %swap3A_284 = vector.shape_cast %swap3A_283 : vector<16xi32> to vector<16xi32>
      %swap3A_285 = vector.shape_cast %select_n3A_277 : vector<16xi32> to vector<16xi32>
      tpu.vector_store %arg6[%swap3A_282], %swap3A_285 {strides = array<i32>} : memref<16384xi32, #tpu.memory_space<vmem>>, vector<16xi32>,
      %add3A_286 = arith.constant 15 : i32
      %add3A_287 = vector.broadcast %add3A_286 : i32 to vector<16xi32>
      %add3A_288 = arith.addi %add3A_62, %add3A_287 : vector<16xi32>
      %add3A_289 = arith.constant 1920 : i32
      %add3A_290 = vector.broadcast %add3A_289 : i32 to vector<16xi32>
      %add3A_291 = arith.addi %add3A_54, %add3A_290 : vector<16xi32>
      %select_n3A_292 = arith.select %ge3A_46, %add3A_288, %add3A_291 : vector<16xi1>, vector<16xi32>
      %mul3A_293 = arith.constant 16 : i32
      %mul3A_294 = arith.muli %scan3A_40, %mul3A_293 : i32
      %add3A_295 = arith.constant 7680 : i32
      %add3A_296 = arith.addi %add3A_295, %mul3A_294 : i32
      %swap3A_297 = arith.index_cast %add3A_296 : i32 to index
      %swap3A_298 = tpu.vector_load %arg6[%swap3A_297] {strides = array<i32>} : memref<16384xi32, #tpu.memory_space<vmem>>, vector<16xi32>,
      %swap3A_299 = vector.shape_cast %swap3A_298 : vector<16xi32> to vector<16xi32>
      %swap3A_300 = vector.shape_cast %select_n3A_292 : vector<16xi32> to vector<16xi32>
      tpu.vector_store %arg6[%swap3A_297], %swap3A_300 {strides = array<i32>} : memref<16384xi32, #tpu.memory_space<vmem>>, vector<16xi32>,
      %add3A_301 = arith.constant 16 : i32
      %add3A_302 = vector.broadcast %add3A_301 : i32 to vector<16xi32>
      %add3A_303 = arith.addi %add3A_62, %add3A_302 : vector<16xi32>
      %add3A_304 = arith.constant 2048 : i32
      %add3A_305 = vector.broadcast %add3A_304 : i32 to vector<16xi32>
      %add3A_306 = arith.addi %add3A_54, %add3A_305 : vector<16xi32>
      %select_n3A_307 = arith.select %ge3A_46, %add3A_303, %add3A_306 : vector<16xi1>, vector<16xi32>
      %mul3A_308 = arith.constant 16 : i32
      %mul3A_309 = arith.muli %scan3A_40, %mul3A_308 : i32
      %add3A_310 = arith.constant 8192 : i32
      %add3A_311 = arith.addi %add3A_310, %mul3A_309 : i32
      %swap3A_312 = arith.index_cast %add3A_311 : i32 to index
      %swap3A_313 = tpu.vector_load %arg6[%swap3A_312] {strides = array<i32>} : memref<16384xi32, #tpu.memory_space<vmem>>, vector<16xi32>,
      %swap3A_314 = vector.shape_cast %swap3A_313 : vector<16xi32> to vector<16xi32>
      %swap3A_315 = vector.shape_cast %select_n3A_307 : vector<16xi32> to vector<16xi32>
      tpu.vector_store %arg6[%swap3A_312], %swap3A_315 {strides = array<i32>} : memref<16384xi32, #tpu.memory_space<vmem>>, vector<16xi32>,
      %add3A_316 = arith.constant 17 : i32
      %add3A_317 = vector.broadcast %add3A_316 : i32 to vector<16xi32>
      %add3A_318 = arith.addi %add3A_62, %add3A_317 : vector<16xi32>
      %add3A_319 = arith.constant 2176 : i32
      %add3A_320 = vector.broadcast %add3A_319 : i32 to vector<16xi32>
      %add3A_321 = arith.addi %add3A_54, %add3A_320 : vector<16xi32>
      %select_n3A_322 = arith.select %ge3A_46, %add3A_318, %add3A_321 : vector<16xi1>, vector<16xi32>
      %mul3A_323 = arith.constant 16 : i32
      %mul3A_324 = arith.muli %scan3A_40, %mul3A_323 : i32
      %add3A_325 = arith.constant 8704 : i32
      %add3A_326 = arith.addi %add3A_325, %mul3A_324 : i32
      %swap3A_327 = arith.index_cast %add3A_326 : i32 to index
      %swap3A_328 = tpu.vector_load %arg6[%swap3A_327] {strides = array<i32>} : memref<16384xi32, #tpu.memory_space<vmem>>, vector<16xi32>,
      %swap3A_329 = vector.shape_cast %swap3A_328 : vector<16xi32> to vector<16xi32>
      %swap3A_330 = vector.shape_cast %select_n3A_322 : vector<16xi32> to vector<16xi32>
      tpu.vector_store %arg6[%swap3A_327], %swap3A_330 {strides = array<i32>} : memref<16384xi32, #tpu.memory_space<vmem>>, vector<16xi32>,
      %add3A_331 = arith.constant 18 : i32
      %add3A_332 = vector.broadcast %add3A_331 : i32 to vector<16xi32>
      %add3A_333 = arith.addi %add3A_62, %add3A_332 : vector<16xi32>
      %add3A_334 = arith.constant 2304 : i32
      %add3A_335 = vector.broadcast %add3A_334 : i32 to vector<16xi32>
      %add3A_336 = arith.addi %add3A_54, %add3A_335 : vector<16xi32>
      %select_n3A_337 = arith.select %ge3A_46, %add3A_333, %add3A_336 : vector<16xi1>, vector<16xi32>
      %mul3A_338 = arith.constant 16 : i32
      %mul3A_339 = arith.muli %scan3A_40, %mul3A_338 : i32
      %add3A_340 = arith.constant 9216 : i32
      %add3A_341 = arith.addi %add3A_340, %mul3A_339 : i32
      %swap3A_342 = arith.index_cast %add3A_341 : i32 to index
      %swap3A_343 = tpu.vector_load %arg6[%swap3A_342] {strides = array<i32>} : memref<16384xi32, #tpu.memory_space<vmem>>, vector<16xi32>,
      %swap3A_344 = vector.shape_cast %swap3A_343 : vector<16xi32> to vector<16xi32>
      %swap3A_345 = vector.shape_cast %select_n3A_337 : vector<16xi32> to vector<16xi32>
      tpu.vector_store %arg6[%swap3A_342], %swap3A_345 {strides = array<i32>} : memref<16384xi32, #tpu.memory_space<vmem>>, vector<16xi32>,
      %add3A_346 = arith.constant 19 : i32
      %add3A_347 = vector.broadcast %add3A_346 : i32 to vector<16xi32>
      %add3A_348 = arith.addi %add3A_62, %add3A_347 : vector<16xi32>
      %add3A_349 = arith.constant 2432 : i32
      %add3A_350 = vector.broadcast %add3A_349 : i32 to vector<16xi32>
      %add3A_351 = arith.addi %add3A_54, %add3A_350 : vector<16xi32>
      %select_n3A_352 = arith.select %ge3A_46, %add3A_348, %add3A_351 : vector<16xi1>, vector<16xi32>
      %mul3A_353 = arith.constant 16 : i32
      %mul3A_354 = arith.muli %scan3A_40, %mul3A_353 : i32
      %add3A_355 = arith.constant 9728 : i32
      %add3A_356 = arith.addi %add3A_355, %mul3A_354 : i32
      %swap3A_357 = arith.index_cast %add3A_356 : i32 to index
      %swap3A_358 = tpu.vector_load %arg6[%swap3A_357] {strides = array<i32>} : memref<16384xi32, #tpu.memory_space<vmem>>, vector<16xi32>,
      %swap3A_359 = vector.shape_cast %swap3A_358 : vector<16xi32> to vector<16xi32>
      %swap3A_360 = vector.shape_cast %select_n3A_352 : vector<16xi32> to vector<16xi32>
      tpu.vector_store %arg6[%swap3A_357], %swap3A_360 {strides = array<i32>} : memref<16384xi32, #tpu.memory_space<vmem>>, vector<16xi32>,
      %add3A_361 = arith.constant 20 : i32
      %add3A_362 = vector.broadcast %add3A_361 : i32 to vector<16xi32>
      %add3A_363 = arith.addi %add3A_62, %add3A_362 : vector<16xi32>
      %add3A_364 = arith.constant 2560 : i32
      %add3A_365 = vector.broadcast %add3A_364 : i32 to vector<16xi32>
      %add3A_366 = arith.addi %add3A_54, %add3A_365 : vector<16xi32>
      %select_n3A_367 = arith.select %ge3A_46, %add3A_363, %add3A_366 : vector<16xi1>, vector<16xi32>
      %mul3A_368 = arith.constant 16 : i32
      %mul3A_369 = arith.muli %scan3A_40, %mul3A_368 : i32
      %add3A_370 = arith.constant 10240 : i32
      %add3A_371 = arith.addi %add3A_370, %mul3A_369 : i32
      %swap3A_372 = arith.index_cast %add3A_371 : i32 to index
      %swap3A_373 = tpu.vector_load %arg6[%swap3A_372] {strides = array<i32>} : memref<16384xi32, #tpu.memory_space<vmem>>, vector<16xi32>,
      %swap3A_374 = vector.shape_cast %swap3A_373 : vector<16xi32> to vector<16xi32>
      %swap3A_375 = vector.shape_cast %select_n3A_367 : vector<16xi32> to vector<16xi32>
      tpu.vector_store %arg6[%swap3A_372], %swap3A_375 {strides = array<i32>} : memref<16384xi32, #tpu.memory_space<vmem>>, vector<16xi32>,
      %add3A_376 = arith.constant 21 : i32
      %add3A_377 = vector.broadcast %add3A_376 : i32 to vector<16xi32>
      %add3A_378 = arith.addi %add3A_62, %add3A_377 : vector<16xi32>
      %add3A_379 = arith.constant 2688 : i32
      %add3A_380 = vector.broadcast %add3A_379 : i32 to vector<16xi32>
      %add3A_381 = arith.addi %add3A_54, %add3A_380 : vector<16xi32>
      %select_n3A_382 = arith.select %ge3A_46, %add3A_378, %add3A_381 : vector<16xi1>, vector<16xi32>
      %mul3A_383 = arith.constant 16 : i32
      %mul3A_384 = arith.muli %scan3A_40, %mul3A_383 : i32
      %add3A_385 = arith.constant 10752 : i32
      %add3A_386 = arith.addi %add3A_385, %mul3A_384 : i32
      %swap3A_387 = arith.index_cast %add3A_386 : i32 to index
      %swap3A_388 = tpu.vector_load %arg6[%swap3A_387] {strides = array<i32>} : memref<16384xi32, #tpu.memory_space<vmem>>, vector<16xi32>,
      %swap3A_389 = vector.shape_cast %swap3A_388 : vector<16xi32> to vector<16xi32>
      %swap3A_390 = vector.shape_cast %select_n3A_382 : vector<16xi32> to vector<16xi32>
      tpu.vector_store %arg6[%swap3A_387], %swap3A_390 {strides = array<i32>} : memref<16384xi32, #tpu.memory_space<vmem>>, vector<16xi32>,
      %add3A_391 = arith.constant 22 : i32
      %add3A_392 = vector.broadcast %add3A_391 : i32 to vector<16xi32>
      %add3A_393 = arith.addi %add3A_62, %add3A_392 : vector<16xi32>
      %add3A_394 = arith.constant 2816 : i32
      %add3A_395 = vector.broadcast %add3A_394 : i32 to vector<16xi32>
      %add3A_396 = arith.addi %add3A_54, %add3A_395 : vector<16xi32>
      %select_n3A_397 = arith.select %ge3A_46, %add3A_393, %add3A_396 : vector<16xi1>, vector<16xi32>
      %mul3A_398 = arith.constant 16 : i32
      %mul3A_399 = arith.muli %scan3A_40, %mul3A_398 : i32
      %add3A_400 = arith.constant 11264 : i32
      %add3A_401 = arith.addi %add3A_400, %mul3A_399 : i32
      %swap3A_402 = arith.index_cast %add3A_401 : i32 to index
      %swap3A_403 = tpu.vector_load %arg6[%swap3A_402] {strides = array<i32>} : memref<16384xi32, #tpu.memory_space<vmem>>, vector<16xi32>,
      %swap3A_404 = vector.shape_cast %swap3A_403 : vector<16xi32> to vector<16xi32>
      %swap3A_405 = vector.shape_cast %select_n3A_397 : vector<16xi32> to vector<16xi32>
      tpu.vector_store %arg6[%swap3A_402], %swap3A_405 {strides = array<i32>} : memref<16384xi32, #tpu.memory_space<vmem>>, vector<16xi32>,
      %add3A_406 = arith.constant 23 : i32
      %add3A_407 = vector.broadcast %add3A_406 : i32 to vector<16xi32>
      %add3A_408 = arith.addi %add3A_62, %add3A_407 : vector<16xi32>
      %add3A_409 = arith.constant 2944 : i32
      %add3A_410 = vector.broadcast %add3A_409 : i32 to vector<16xi32>
      %add3A_411 = arith.addi %add3A_54, %add3A_410 : vector<16xi32>
      %select_n3A_412 = arith.select %ge3A_46, %add3A_408, %add3A_411 : vector<16xi1>, vector<16xi32>
      %mul3A_413 = arith.constant 16 : i32
      %mul3A_414 = arith.muli %scan3A_40, %mul3A_413 : i32
      %add3A_415 = arith.constant 11776 : i32
      %add3A_416 = arith.addi %add3A_415, %mul3A_414 : i32
      %swap3A_417 = arith.index_cast %add3A_416 : i32 to index
      %swap3A_418 = tpu.vector_load %arg6[%swap3A_417] {strides = array<i32>} : memref<16384xi32, #tpu.memory_space<vmem>>, vector<16xi32>,
      %swap3A_419 = vector.shape_cast %swap3A_418 : vector<16xi32> to vector<16xi32>
      %swap3A_420 = vector.shape_cast %select_n3A_412 : vector<16xi32> to vector<16xi32>
      tpu.vector_store %arg6[%swap3A_417], %swap3A_420 {strides = array<i32>} : memref<16384xi32, #tpu.memory_space<vmem>>, vector<16xi32>,
      %add3A_421 = arith.constant 24 : i32
      %add3A_422 = vector.broadcast %add3A_421 : i32 to vector<16xi32>
      %add3A_423 = arith.addi %add3A_62, %add3A_422 : vector<16xi32>
      %add3A_424 = arith.constant 3072 : i32
      %add3A_425 = vector.broadcast %add3A_424 : i32 to vector<16xi32>
      %add3A_426 = arith.addi %add3A_54, %add3A_425 : vector<16xi32>
      %select_n3A_427 = arith.select %ge3A_46, %add3A_423, %add3A_426 : vector<16xi1>, vector<16xi32>
      %mul3A_428 = arith.constant 16 : i32
      %mul3A_429 = arith.muli %scan3A_40, %mul3A_428 : i32
      %add3A_430 = arith.constant 12288 : i32
      %add3A_431 = arith.addi %add3A_430, %mul3A_429 : i32
      %swap3A_432 = arith.index_cast %add3A_431 : i32 to index
      %swap3A_433 = tpu.vector_load %arg6[%swap3A_432] {strides = array<i32>} : memref<16384xi32, #tpu.memory_space<vmem>>, vector<16xi32>,
      %swap3A_434 = vector.shape_cast %swap3A_433 : vector<16xi32> to vector<16xi32>
      %swap3A_435 = vector.shape_cast %select_n3A_427 : vector<16xi32> to vector<16xi32>
      tpu.vector_store %arg6[%swap3A_432], %swap3A_435 {strides = array<i32>} : memref<16384xi32, #tpu.memory_space<vmem>>, vector<16xi32>,
      %add3A_436 = arith.constant 25 : i32
      %add3A_437 = vector.broadcast %add3A_436 : i32 to vector<16xi32>
      %add3A_438 = arith.addi %add3A_62, %add3A_437 : vector<16xi32>
      %add3A_439 = arith.constant 3200 : i32
      %add3A_440 = vector.broadcast %add3A_439 : i32 to vector<16xi32>
      %add3A_441 = arith.addi %add3A_54, %add3A_440 : vector<16xi32>
      %select_n3A_442 = arith.select %ge3A_46, %add3A_438, %add3A_441 : vector<16xi1>, vector<16xi32>
      %mul3A_443 = arith.constant 16 : i32
      %mul3A_444 = arith.muli %scan3A_40, %mul3A_443 : i32
      %add3A_445 = arith.constant 12800 : i32
      %add3A_446 = arith.addi %add3A_445, %mul3A_444 : i32
      %swap3A_447 = arith.index_cast %add3A_446 : i32 to index
      %swap3A_448 = tpu.vector_load %arg6[%swap3A_447] {strides = array<i32>} : memref<16384xi32, #tpu.memory_space<vmem>>, vector<16xi32>,
      %swap3A_449 = vector.shape_cast %swap3A_448 : vector<16xi32> to vector<16xi32>
      %swap3A_450 = vector.shape_cast %select_n3A_442 : vector<16xi32> to vector<16xi32>
      tpu.vector_store %arg6[%swap3A_447], %swap3A_450 {strides = array<i32>} : memref<16384xi32, #tpu.memory_space<vmem>>, vector<16xi32>,
      %add3A_451 = arith.constant 26 : i32
      %add3A_452 = vector.broadcast %add3A_451 : i32 to vector<16xi32>
      %add3A_453 = arith.addi %add3A_62, %add3A_452 : vector<16xi32>
      %add3A_454 = arith.constant 3328 : i32
      %add3A_455 = vector.broadcast %add3A_454 : i32 to vector<16xi32>
      %add3A_456 = arith.addi %add3A_54, %add3A_455 : vector<16xi32>
      %select_n3A_457 = arith.select %ge3A_46, %add3A_453, %add3A_456 : vector<16xi1>, vector<16xi32>
      %mul3A_458 = arith.constant 16 : i32
      %mul3A_459 = arith.muli %scan3A_40, %mul3A_458 : i32
      %add3A_460 = arith.constant 13312 : i32
      %add3A_461 = arith.addi %add3A_460, %mul3A_459 : i32
      %swap3A_462 = arith.index_cast %add3A_461 : i32 to index
      %swap3A_463 = tpu.vector_load %arg6[%swap3A_462] {strides = array<i32>} : memref<16384xi32, #tpu.memory_space<vmem>>, vector<16xi32>,
      %swap3A_464 = vector.shape_cast %swap3A_463 : vector<16xi32> to vector<16xi32>
      %swap3A_465 = vector.shape_cast %select_n3A_457 : vector<16xi32> to vector<16xi32>
      tpu.vector_store %arg6[%swap3A_462], %swap3A_465 {strides = array<i32>} : memref<16384xi32, #tpu.memory_space<vmem>>, vector<16xi32>,
      %add3A_466 = arith.constant 27 : i32
      %add3A_467 = vector.broadcast %add3A_466 : i32 to vector<16xi32>
      %add3A_468 = arith.addi %add3A_62, %add3A_467 : vector<16xi32>
      %add3A_469 = arith.constant 3456 : i32
      %add3A_470 = vector.broadcast %add3A_469 : i32 to vector<16xi32>
      %add3A_471 = arith.addi %add3A_54, %add3A_470 : vector<16xi32>
      %select_n3A_472 = arith.select %ge3A_46, %add3A_468, %add3A_471 : vector<16xi1>, vector<16xi32>
      %mul3A_473 = arith.constant 16 : i32
      %mul3A_474 = arith.muli %scan3A_40, %mul3A_473 : i32
      %add3A_475 = arith.constant 13824 : i32
      %add3A_476 = arith.addi %add3A_475, %mul3A_474 : i32
      %swap3A_477 = arith.index_cast %add3A_476 : i32 to index
      %swap3A_478 = tpu.vector_load %arg6[%swap3A_477] {strides = array<i32>} : memref<16384xi32, #tpu.memory_space<vmem>>, vector<16xi32>,
      %swap3A_479 = vector.shape_cast %swap3A_478 : vector<16xi32> to vector<16xi32>
      %swap3A_480 = vector.shape_cast %select_n3A_472 : vector<16xi32> to vector<16xi32>
      tpu.vector_store %arg6[%swap3A_477], %swap3A_480 {strides = array<i32>} : memref<16384xi32, #tpu.memory_space<vmem>>, vector<16xi32>,
      %add3A_481 = arith.constant 28 : i32
      %add3A_482 = vector.broadcast %add3A_481 : i32 to vector<16xi32>
      %add3A_483 = arith.addi %add3A_62, %add3A_482 : vector<16xi32>
      %add3A_484 = arith.constant 3584 : i32
      %add3A_485 = vector.broadcast %add3A_484 : i32 to vector<16xi32>
      %add3A_486 = arith.addi %add3A_54, %add3A_485 : vector<16xi32>
      %select_n3A_487 = arith.select %ge3A_46, %add3A_483, %add3A_486 : vector<16xi1>, vector<16xi32>
      %mul3A_488 = arith.constant 16 : i32
      %mul3A_489 = arith.muli %scan3A_40, %mul3A_488 : i32
      %add3A_490 = arith.constant 14336 : i32
      %add3A_491 = arith.addi %add3A_490, %mul3A_489 : i32
      %swap3A_492 = arith.index_cast %add3A_491 : i32 to index
      %swap3A_493 = tpu.vector_load %arg6[%swap3A_492] {strides = array<i32>} : memref<16384xi32, #tpu.memory_space<vmem>>, vector<16xi32>,
      %swap3A_494 = vector.shape_cast %swap3A_493 : vector<16xi32> to vector<16xi32>
      %swap3A_495 = vector.shape_cast %select_n3A_487 : vector<16xi32> to vector<16xi32>
      tpu.vector_store %arg6[%swap3A_492], %swap3A_495 {strides = array<i32>} : memref<16384xi32, #tpu.memory_space<vmem>>, vector<16xi32>,
      %add3A_496 = arith.constant 29 : i32
      %add3A_497 = vector.broadcast %add3A_496 : i32 to vector<16xi32>
      %add3A_498 = arith.addi %add3A_62, %add3A_497 : vector<16xi32>
      %add3A_499 = arith.constant 3712 : i32
      %add3A_500 = vector.broadcast %add3A_499 : i32 to vector<16xi32>
      %add3A_501 = arith.addi %add3A_54, %add3A_500 : vector<16xi32>
      %select_n3A_502 = arith.select %ge3A_46, %add3A_498, %add3A_501 : vector<16xi1>, vector<16xi32>
      %mul3A_503 = arith.constant 16 : i32
      %mul3A_504 = arith.muli %scan3A_40, %mul3A_503 : i32
      %add3A_505 = arith.constant 14848 : i32
      %add3A_506 = arith.addi %add3A_505, %mul3A_504 : i32
      %swap3A_507 = arith.index_cast %add3A_506 : i32 to index
      %swap3A_508 = tpu.vector_load %arg6[%swap3A_507] {strides = array<i32>} : memref<16384xi32, #tpu.memory_space<vmem>>, vector<16xi32>,
      %swap3A_509 = vector.shape_cast %swap3A_508 : vector<16xi32> to vector<16xi32>
      %swap3A_510 = vector.shape_cast %select_n3A_502 : vector<16xi32> to vector<16xi32>
      tpu.vector_store %arg6[%swap3A_507], %swap3A_510 {strides = array<i32>} : memref<16384xi32, #tpu.memory_space<vmem>>, vector<16xi32>,
      %add3A_511 = arith.constant 30 : i32
      %add3A_512 = vector.broadcast %add3A_511 : i32 to vector<16xi32>
      %add3A_513 = arith.addi %add3A_62, %add3A_512 : vector<16xi32>
      %add3A_514 = arith.constant 3840 : i32
      %add3A_515 = vector.broadcast %add3A_514 : i32 to vector<16xi32>
      %add3A_516 = arith.addi %add3A_54, %add3A_515 : vector<16xi32>
      %select_n3A_517 = arith.select %ge3A_46, %add3A_513, %add3A_516 : vector<16xi1>, vector<16xi32>
      %mul3A_518 = arith.constant 16 : i32
      %mul3A_519 = arith.muli %scan3A_40, %mul3A_518 : i32
      %add3A_520 = arith.constant 15360 : i32
      %add3A_521 = arith.addi %add3A_520, %mul3A_519 : i32
      %swap3A_522 = arith.index_cast %add3A_521 : i32 to index
      %swap3A_523 = tpu.vector_load %arg6[%swap3A_522] {strides = array<i32>} : memref<16384xi32, #tpu.memory_space<vmem>>, vector<16xi32>,
      %swap3A_524 = vector.shape_cast %swap3A_523 : vector<16xi32> to vector<16xi32>
      %swap3A_525 = vector.shape_cast %select_n3A_517 : vector<16xi32> to vector<16xi32>
      tpu.vector_store %arg6[%swap3A_522], %swap3A_525 {strides = array<i32>} : memref<16384xi32, #tpu.memory_space<vmem>>, vector<16xi32>,
      %add3A_526 = arith.constant 31 : i32
      %add3A_527 = vector.broadcast %add3A_526 : i32 to vector<16xi32>
      %add3A_528 = arith.addi %add3A_62, %add3A_527 : vector<16xi32>
      %add3A_529 = arith.constant 3968 : i32
      %add3A_530 = vector.broadcast %add3A_529 : i32 to vector<16xi32>
      %add3A_531 = arith.addi %add3A_54, %add3A_530 : vector<16xi32>
      %select_n3A_532 = arith.select %ge3A_46, %add3A_528, %add3A_531 : vector<16xi1>, vector<16xi32>
      %mul3A_533 = arith.constant 16 : i32
      %mul3A_534 = arith.muli %scan3A_40, %mul3A_533 : i32
      %add3A_535 = arith.constant 15872 : i32
      %add3A_536 = arith.addi %add3A_535, %mul3A_534 : i32
      %swap3A_537 = arith.index_cast %add3A_536 : i32 to index
      %swap3A_538 = tpu.vector_load %arg6[%swap3A_537] {strides = array<i32>} : memref<16384xi32, #tpu.memory_space<vmem>>, vector<16xi32>,
      %swap3A_539 = vector.shape_cast %swap3A_538 : vector<16xi32> to vector<16xi32>
      %swap3A_540 = vector.shape_cast %select_n3A_532 : vector<16xi32> to vector<16xi32>
      tpu.vector_store %arg6[%swap3A_537], %swap3A_540 {strides = array<i32>} : memref<16384xi32, #tpu.memory_space<vmem>>, vector<16xi32>,
    }
    %scan3A_6 = arith.constant 32 : i32
    %dma_start3A = arith.constant 0 : i32
    %dma_start3A_7 = tpu.memref_slice %arg3[%dma_start3A] : memref<32002048xf32, #tpu.memory_space<hbm>> -> memref<32002048xf32, #tpu.memory_space<hbm>>
    tpu.enqueue_indirect_dma source(%dma_start3A_7 : memref<32002048xf32, #tpu.memory_space<hbm>>) target(%arg7 : memref<16384xf32, #tpu.memory_space<vmem>>) offsets(%arg6 : memref<16384xi32, #tpu.memory_space<vmem>>) semaphore(%arg8 : memref<!tpu.dma_semaphore, #tpu.memory_space<semaphore_mem>>)
    %dma_wait3A = arith.constant 0 : i32
    %dma_wait3A_8 = tpu.memref_slice %arg3[%dma_wait3A] : memref<32002048xf32, #tpu.memory_space<hbm>> -> memref<32002048xf32, #tpu.memory_space<hbm>>
    tpu.wait_indirect_dma semaphore(%arg8 : memref<!tpu.dma_semaphore, #tpu.memory_space<semaphore_mem>>) src(%dma_wait3A_8 : memref<32002048xf32, #tpu.memory_space<hbm>>) dst(%arg7 : memref<16384xf32, #tpu.memory_space<vmem>>)
    %run_scoped3A = arith.constant 0 : i32
    "tpu.region"() ({
      %run_scoped3A_40 = tpu.sem_alloc : memref<!tpu.dma_semaphore, #tpu.memory_space<semaphore_mem>>
      %dma_start3A_41 = arith.constant 0 : i32
      %dma_start3A_42 = tpu.memref_slice %arg7[%dma_start3A_41] : memref<16384xf32, #tpu.memory_space<vmem>> -> memref<512xf32, #tpu.memory_space<vmem>>
      %dma_start3A_43 = arith.constant 0 : i32
      %dma_start3A_44 = tpu.memref_slice %arg4[%run_scoped3A, %dma_start3A_43] : memref<32x16384xf32, #tpu.memory_space<hbm>> -> memref<1x16384xf32, #tpu.memory_space<hbm>>
      %dma_start3A_45 = tpu.memref_squeeze %dma_start3A_44 : memref<1x16384xf32, #tpu.memory_space<hbm>> -> memref<16384xf32, #tpu.memory_space<hbm>>
      %dma_start3A_46 = tpu.memref_slice %dma_start3A_45[%mul3A_2] : memref<16384xf32, #tpu.memory_space<hbm>> -> memref<512xf32, #tpu.memory_space<hbm>>
      %dma_start3A_47 = arith.constant 0 : i32
      %dma_start3A_48 = tpu.memref_slice %arg4[%run_scoped3A, %dma_start3A_47] : memref<32x16384xf32, #tpu.memory_space<hbm>> -> memref<1x16384xf32, #tpu.memory_space<hbm>>
      %dma_start3A_49 = tpu.memref_squeeze %dma_start3A_48 : memref<1x16384xf32, #tpu.memory_space<hbm>> -> memref<16384xf32, #tpu.memory_space<hbm>>
      %dma_start3A_50 = tpu.memref_slice %dma_start3A_49[%mul3A_2] : memref<16384xf32, #tpu.memory_space<hbm>> -> memref<512xf32, #tpu.memory_space<hbm>>
      %dma_start3A_51 = arith.constant 0 : i32
      %dma_start3A_52 = tpu.memref_slice %arg7[%dma_start3A_51] : memref<16384xf32, #tpu.memory_space<vmem>> -> memref<512xf32, #tpu.memory_space<vmem>>
      tpu.enqueue_dma source(%dma_start3A_52 : memref<512xf32, #tpu.memory_space<vmem>>) target(%dma_start3A_50 : memref<512xf32, #tpu.memory_space<hbm>>) target_semaphore(%run_scoped3A_40 : memref<!tpu.dma_semaphore, #tpu.memory_space<semaphore_mem>>)
      %dma_wait3A_53 = arith.constant 0 : i32
      %dma_wait3A_54 = tpu.memref_slice %arg7[%dma_wait3A_53] : memref<16384xf32, #tpu.memory_space<vmem>> -> memref<512xf32, #tpu.memory_space<vmem>>
      %dma_wait3A_55 = arith.constant 0 : i32
      %dma_wait3A_56 = tpu.memref_slice %arg4[%run_scoped3A, %dma_wait3A_55] : memref<32x16384xf32, #tpu.memory_space<hbm>> -> memref<1x16384xf32, #tpu.memory_space<hbm>>
      %dma_wait3A_57 = tpu.memref_squeeze %dma_wait3A_56 : memref<1x16384xf32, #tpu.memory_space<hbm>> -> memref<16384xf32, #tpu.memory_space<hbm>>
      %dma_wait3A_58 = tpu.memref_slice %dma_wait3A_57[%mul3A_2] : memref<16384xf32, #tpu.memory_space<hbm>> -> memref<512xf32, #tpu.memory_space<hbm>>
      %dma_wait3A_59 = arith.constant 0 : i32
      %dma_wait3A_60 = tpu.memref_slice %arg4[%run_scoped3A, %dma_wait3A_59] : memref<32x16384xf32, #tpu.memory_space<hbm>> -> memref<1x16384xf32, #tpu.memory_space<hbm>>
      %dma_wait3A_61 = tpu.memref_squeeze %dma_wait3A_60 : memref<1x16384xf32, #tpu.memory_space<hbm>> -> memref<16384xf32, #tpu.memory_space<hbm>>
      %dma_wait3A_62 = tpu.memref_slice %dma_wait3A_61[%mul3A_2] : memref<16384xf32, #tpu.memory_space<hbm>> -> memref<512xf32, #tpu.memory_space<hbm>>
      %dma_wait3A_63 = arith.constant 0 : i32
      %dma_wait3A_64 = tpu.memref_slice %arg7[%dma_wait3A_63] : memref<16384xf32, #tpu.memory_space<vmem>> -> memref<512xf32, #tpu.memory_space<vmem>>
      tpu.wait_dma2 semaphore(%run_scoped3A_40 : memref<!tpu.dma_semaphore, #tpu.memory_space<semaphore_mem>>) src(%dma_wait3A_64 : memref<512xf32, #tpu.memory_space<vmem>>) dst(%dma_wait3A_62 : memref<512xf32, #tpu.memory_space<hbm>>)
      tpu.yield
    }) : () -> ()
    %run_scoped3A_9 = arith.constant 1 : i32
    "tpu.region"() ({
      %run_scoped3A_40 = tpu.sem_alloc : memref<!tpu.dma_semaphore, #tpu.memory_space<semaphore_mem>>
      %dma_start3A_41 = arith.constant 512 : i32
      %dma_start3A_42 = tpu.memref_slice %arg7[%dma_start3A_41] : memref<16384xf32, #tpu.memory_space<vmem>> -> memref<512xf32, #tpu.memory_space<vmem>>
      %dma_start3A_43 = arith.constant 0 : i32
      %dma_start3A_44 = tpu.memref_slice %arg4[%run_scoped3A_9, %dma_start3A_43] : memref<32x16384xf32, #tpu.memory_space<hbm>> -> memref<1x16384xf32, #tpu.memory_space<hbm>>
      %dma_start3A_45 = tpu.memref_squeeze %dma_start3A_44 : memref<1x16384xf32, #tpu.memory_space<hbm>> -> memref<16384xf32, #tpu.memory_space<hbm>>
      %dma_start3A_46 = tpu.memref_slice %dma_start3A_45[%mul3A_2] : memref<16384xf32, #tpu.memory_space<hbm>> -> memref<512xf32, #tpu.memory_space<hbm>>
      %dma_start3A_47 = arith.constant 0 : i32
      %dma_start3A_48 = tpu.memref_slice %arg4[%run_scoped3A_9, %dma_start3A_47] : memref<32x16384xf32, #tpu.memory_space<hbm>> -> memref<1x16384xf32, #tpu.memory_space<hbm>>
      %dma_start3A_49 = tpu.memref_squeeze %dma_start3A_48 : memref<1x16384xf32, #tpu.memory_space<hbm>> -> memref<16384xf32, #tpu.memory_space<hbm>>
      %dma_start3A_50 = tpu.memref_slice %dma_start3A_49[%mul3A_2] : memref<16384xf32, #tpu.memory_space<hbm>> -> memref<512xf32, #tpu.memory_space<hbm>>
      %dma_start3A_51 = arith.constant 512 : i32
      %dma_start3A_52 = tpu.memref_slice %arg7[%dma_start3A_51] : memref<16384xf32, #tpu.memory_space<vmem>> -> memref<512xf32, #tpu.memory_space<vmem>>
      tpu.enqueue_dma source(%dma_start3A_52 : memref<512xf32, #tpu.memory_space<vmem>>) target(%dma_start3A_50 : memref<512xf32, #tpu.memory_space<hbm>>) target_semaphore(%run_scoped3A_40 : memref<!tpu.dma_semaphore, #tpu.memory_space<semaphore_mem>>)
      %dma_wait3A_53 = arith.constant 512 : i32
      %dma_wait3A_54 = tpu.memref_slice %arg7[%dma_wait3A_53] : memref<16384xf32, #tpu.memory_space<vmem>> -> memref<512xf32, #tpu.memory_space<vmem>>
      %dma_wait3A_55 = arith.constant 0 : i32
      %dma_wait3A_56 = tpu.memref_slice %arg4[%run_scoped3A_9, %dma_wait3A_55] : memref<32x16384xf32, #tpu.memory_space<hbm>> -> memref<1x16384xf32, #tpu.memory_space<hbm>>
      %dma_wait3A_57 = tpu.memref_squeeze %dma_wait3A_56 : memref<1x16384xf32, #tpu.memory_space<hbm>> -> memref<16384xf32, #tpu.memory_space<hbm>>
      %dma_wait3A_58 = tpu.memref_slice %dma_wait3A_57[%mul3A_2] : memref<16384xf32, #tpu.memory_space<hbm>> -> memref<512xf32, #tpu.memory_space<hbm>>
      %dma_wait3A_59 = arith.constant 0 : i32
      %dma_wait3A_60 = tpu.memref_slice %arg4[%run_scoped3A_9, %dma_wait3A_59] : memref<32x16384xf32, #tpu.memory_space<hbm>> -> memref<1x16384xf32, #tpu.memory_space<hbm>>
      %dma_wait3A_61 = tpu.memref_squeeze %dma_wait3A_60 : memref<1x16384xf32, #tpu.memory_space<hbm>> -> memref<16384xf32, #tpu.memory_space<hbm>>
      %dma_wait3A_62 = tpu.memref_slice %dma_wait3A_61[%mul3A_2] : memref<16384xf32, #tpu.memory_space<hbm>> -> memref<512xf32, #tpu.memory_space<hbm>>
      %dma_wait3A_63 = arith.constant 512 : i32
      %dma_wait3A_64 = tpu.memref_slice %arg7[%dma_wait3A_63] : memref<16384xf32, #tpu.memory_space<vmem>> -> memref<512xf32, #tpu.memory_space<vmem>>
      tpu.wait_dma2 semaphore(%run_scoped3A_40 : memref<!tpu.dma_semaphore, #tpu.memory_space<semaphore_mem>>) src(%dma_wait3A_64 : memref<512xf32, #tpu.memory_space<vmem>>) dst(%dma_wait3A_62 : memref<512xf32, #tpu.memory_space<hbm>>)
      tpu.yield
    }) : () -> ()
    %run_scoped3A_10 = arith.constant 2 : i32
    "tpu.region"() ({
      %run_scoped3A_40 = tpu.sem_alloc : memref<!tpu.dma_semaphore, #tpu.memory_space<semaphore_mem>>
      %dma_start3A_41 = arith.constant 1024 : i32
      %dma_start3A_42 = tpu.memref_slice %arg7[%dma_start3A_41] : memref<16384xf32, #tpu.memory_space<vmem>> -> memref<512xf32, #tpu.memory_space<vmem>>
      %dma_start3A_43 = arith.constant 0 : i32
      %dma_start3A_44 = tpu.memref_slice %arg4[%run_scoped3A_10, %dma_start3A_43] : memref<32x16384xf32, #tpu.memory_space<hbm>> -> memref<1x16384xf32, #tpu.memory_space<hbm>>
      %dma_start3A_45 = tpu.memref_squeeze %dma_start3A_44 : memref<1x16384xf32, #tpu.memory_space<hbm>> -> memref<16384xf32, #tpu.memory_space<hbm>>
      %dma_start3A_46 = tpu.memref_slice %dma_start3A_45[%mul3A_2] : memref<16384xf32, #tpu.memory_space<hbm>> -> memref<512xf32, #tpu.memory_space<hbm>>
      %dma_start3A_47 = arith.constant 0 : i32
      %dma_start3A_48 = tpu.memref_slice %arg4[%run_scoped3A_10, %dma_start3A_47] : memref<32x16384xf32, #tpu.memory_space<hbm>> -> memref<1x16384xf32, #tpu.memory_space<hbm>>
      %dma_start3A_49 = tpu.memref_squeeze %dma_start3A_48 : memref<1x16384xf32, #tpu.memory_space<hbm>> -> memref<16384xf32, #tpu.memory_space<hbm>>
      %dma_start3A_50 = tpu.memref_slice %dma_start3A_49[%mul3A_2] : memref<16384xf32, #tpu.memory_space<hbm>> -> memref<512xf32, #tpu.memory_space<hbm>>
      %dma_start3A_51 = arith.constant 1024 : i32
      %dma_start3A_52 = tpu.memref_slice %arg7[%dma_start3A_51] : memref<16384xf32, #tpu.memory_space<vmem>> -> memref<512xf32, #tpu.memory_space<vmem>>
      tpu.enqueue_dma source(%dma_start3A_52 : memref<512xf32, #tpu.memory_space<vmem>>) target(%dma_start3A_50 : memref<512xf32, #tpu.memory_space<hbm>>) target_semaphore(%run_scoped3A_40 : memref<!tpu.dma_semaphore, #tpu.memory_space<semaphore_mem>>)
      %dma_wait3A_53 = arith.constant 1024 : i32
      %dma_wait3A_54 = tpu.memref_slice %arg7[%dma_wait3A_53] : memref<16384xf32, #tpu.memory_space<vmem>> -> memref<512xf32, #tpu.memory_space<vmem>>
      %dma_wait3A_55 = arith.constant 0 : i32
      %dma_wait3A_56 = tpu.memref_slice %arg4[%run_scoped3A_10, %dma_wait3A_55] : memref<32x16384xf32, #tpu.memory_space<hbm>> -> memref<1x16384xf32, #tpu.memory_space<hbm>>
      %dma_wait3A_57 = tpu.memref_squeeze %dma_wait3A_56 : memref<1x16384xf32, #tpu.memory_space<hbm>> -> memref<16384xf32, #tpu.memory_space<hbm>>
      %dma_wait3A_58 = tpu.memref_slice %dma_wait3A_57[%mul3A_2] : memref<16384xf32, #tpu.memory_space<hbm>> -> memref<512xf32, #tpu.memory_space<hbm>>
      %dma_wait3A_59 = arith.constant 0 : i32
      %dma_wait3A_60 = tpu.memref_slice %arg4[%run_scoped3A_10, %dma_wait3A_59] : memref<32x16384xf32, #tpu.memory_space<hbm>> -> memref<1x16384xf32, #tpu.memory_space<hbm>>
      %dma_wait3A_61 = tpu.memref_squeeze %dma_wait3A_60 : memref<1x16384xf32, #tpu.memory_space<hbm>> -> memref<16384xf32, #tpu.memory_space<hbm>>
      %dma_wait3A_62 = tpu.memref_slice %dma_wait3A_61[%mul3A_2] : memref<16384xf32, #tpu.memory_space<hbm>> -> memref<512xf32, #tpu.memory_space<hbm>>
      %dma_wait3A_63 = arith.constant 1024 : i32
      %dma_wait3A_64 = tpu.memref_slice %arg7[%dma_wait3A_63] : memref<16384xf32, #tpu.memory_space<vmem>> -> memref<512xf32, #tpu.memory_space<vmem>>
      tpu.wait_dma2 semaphore(%run_scoped3A_40 : memref<!tpu.dma_semaphore, #tpu.memory_space<semaphore_mem>>) src(%dma_wait3A_64 : memref<512xf32, #tpu.memory_space<vmem>>) dst(%dma_wait3A_62 : memref<512xf32, #tpu.memory_space<hbm>>)
      tpu.yield
    }) : () -> ()
    %run_scoped3A_11 = arith.constant 3 : i32
    "tpu.region"() ({
      %run_scoped3A_40 = tpu.sem_alloc : memref<!tpu.dma_semaphore, #tpu.memory_space<semaphore_mem>>
      %dma_start3A_41 = arith.constant 1536 : i32
      %dma_start3A_42 = tpu.memref_slice %arg7[%dma_start3A_41] : memref<16384xf32, #tpu.memory_space<vmem>> -> memref<512xf32, #tpu.memory_space<vmem>>
      %dma_start3A_43 = arith.constant 0 : i32
      %dma_start3A_44 = tpu.memref_slice %arg4[%run_scoped3A_11, %dma_start3A_43] : memref<32x16384xf32, #tpu.memory_space<hbm>> -> memref<1x16384xf32, #tpu.memory_space<hbm>>
      %dma_start3A_45 = tpu.memref_squeeze %dma_start3A_44 : memref<1x16384xf32, #tpu.memory_space<hbm>> -> memref<16384xf32, #tpu.memory_space<hbm>>
      %dma_start3A_46 = tpu.memref_slice %dma_start3A_45[%mul3A_2] : memref<16384xf32, #tpu.memory_space<hbm>> -> memref<512xf32, #tpu.memory_space<hbm>>
      %dma_start3A_47 = arith.constant 0 : i32
      %dma_start3A_48 = tpu.memref_slice %arg4[%run_scoped3A_11, %dma_start3A_47] : memref<32x16384xf32, #tpu.memory_space<hbm>> -> memref<1x16384xf32, #tpu.memory_space<hbm>>
      %dma_start3A_49 = tpu.memref_squeeze %dma_start3A_48 : memref<1x16384xf32, #tpu.memory_space<hbm>> -> memref<16384xf32, #tpu.memory_space<hbm>>
      %dma_start3A_50 = tpu.memref_slice %dma_start3A_49[%mul3A_2] : memref<16384xf32, #tpu.memory_space<hbm>> -> memref<512xf32, #tpu.memory_space<hbm>>
      %dma_start3A_51 = arith.constant 1536 : i32
      %dma_start3A_52 = tpu.memref_slice %arg7[%dma_start3A_51] : memref<16384xf32, #tpu.memory_space<vmem>> -> memref<512xf32, #tpu.memory_space<vmem>>
      tpu.enqueue_dma source(%dma_start3A_52 : memref<512xf32, #tpu.memory_space<vmem>>) target(%dma_start3A_50 : memref<512xf32, #tpu.memory_space<hbm>>) target_semaphore(%run_scoped3A_40 : memref<!tpu.dma_semaphore, #tpu.memory_space<semaphore_mem>>)
      %dma_wait3A_53 = arith.constant 1536 : i32
      %dma_wait3A_54 = tpu.memref_slice %arg7[%dma_wait3A_53] : memref<16384xf32, #tpu.memory_space<vmem>> -> memref<512xf32, #tpu.memory_space<vmem>>
      %dma_wait3A_55 = arith.constant 0 : i32
      %dma_wait3A_56 = tpu.memref_slice %arg4[%run_scoped3A_11, %dma_wait3A_55] : memref<32x16384xf32, #tpu.memory_space<hbm>> -> memref<1x16384xf32, #tpu.memory_space<hbm>>
      %dma_wait3A_57 = tpu.memref_squeeze %dma_wait3A_56 : memref<1x16384xf32, #tpu.memory_space<hbm>> -> memref<16384xf32, #tpu.memory_space<hbm>>
      %dma_wait3A_58 = tpu.memref_slice %dma_wait3A_57[%mul3A_2] : memref<16384xf32, #tpu.memory_space<hbm>> -> memref<512xf32, #tpu.memory_space<hbm>>
      %dma_wait3A_59 = arith.constant 0 : i32
      %dma_wait3A_60 = tpu.memref_slice %arg4[%run_scoped3A_11, %dma_wait3A_59] : memref<32x16384xf32, #tpu.memory_space<hbm>> -> memref<1x16384xf32, #tpu.memory_space<hbm>>
      %dma_wait3A_61 = tpu.memref_squeeze %dma_wait3A_60 : memref<1x16384xf32, #tpu.memory_space<hbm>> -> memref<16384xf32, #tpu.memory_space<hbm>>
      %dma_wait3A_62 = tpu.memref_slice %dma_wait3A_61[%mul3A_2] : memref<16384xf32, #tpu.memory_space<hbm>> -> memref<512xf32, #tpu.memory_space<hbm>>
      %dma_wait3A_63 = arith.constant 1536 : i32
      %dma_wait3A_64 = tpu.memref_slice %arg7[%dma_wait3A_63] : memref<16384xf32, #tpu.memory_space<vmem>> -> memref<512xf32, #tpu.memory_space<vmem>>
      tpu.wait_dma2 semaphore(%run_scoped3A_40 : memref<!tpu.dma_semaphore, #tpu.memory_space<semaphore_mem>>) src(%dma_wait3A_64 : memref<512xf32, #tpu.memory_space<vmem>>) dst(%dma_wait3A_62 : memref<512xf32, #tpu.memory_space<hbm>>)
      tpu.yield
    }) : () -> ()
    %run_scoped3A_12 = arith.constant 4 : i32
    "tpu.region"() ({
      %run_scoped3A_40 = tpu.sem_alloc : memref<!tpu.dma_semaphore, #tpu.memory_space<semaphore_mem>>
      %dma_start3A_41 = arith.constant 2048 : i32
      %dma_start3A_42 = tpu.memref_slice %arg7[%dma_start3A_41] : memref<16384xf32, #tpu.memory_space<vmem>> -> memref<512xf32, #tpu.memory_space<vmem>>
      %dma_start3A_43 = arith.constant 0 : i32
      %dma_start3A_44 = tpu.memref_slice %arg4[%run_scoped3A_12, %dma_start3A_43] : memref<32x16384xf32, #tpu.memory_space<hbm>> -> memref<1x16384xf32, #tpu.memory_space<hbm>>
      %dma_start3A_45 = tpu.memref_squeeze %dma_start3A_44 : memref<1x16384xf32, #tpu.memory_space<hbm>> -> memref<16384xf32, #tpu.memory_space<hbm>>
      %dma_start3A_46 = tpu.memref_slice %dma_start3A_45[%mul3A_2] : memref<16384xf32, #tpu.memory_space<hbm>> -> memref<512xf32, #tpu.memory_space<hbm>>
      %dma_start3A_47 = arith.constant 0 : i32
      %dma_start3A_48 = tpu.memref_slice %arg4[%run_scoped3A_12, %dma_start3A_47] : memref<32x16384xf32, #tpu.memory_space<hbm>> -> memref<1x16384xf32, #tpu.memory_space<hbm>>
      %dma_start3A_49 = tpu.memref_squeeze %dma_start3A_48 : memref<1x16384xf32, #tpu.memory_space<hbm>> -> memref<16384xf32, #tpu.memory_space<hbm>>
      %dma_start3A_50 = tpu.memref_slice %dma_start3A_49[%mul3A_2] : memref<16384xf32, #tpu.memory_space<hbm>> -> memref<512xf32, #tpu.memory_space<hbm>>
      %dma_start3A_51 = arith.constant 2048 : i32
      %dma_start3A_52 = tpu.memref_slice %arg7[%dma_start3A_51] : memref<16384xf32, #tpu.memory_space<vmem>> -> memref<512xf32, #tpu.memory_space<vmem>>
      tpu.enqueue_dma source(%dma_start3A_52 : memref<512xf32, #tpu.memory_space<vmem>>) target(%dma_start3A_50 : memref<512xf32, #tpu.memory_space<hbm>>) target_semaphore(%run_scoped3A_40 : memref<!tpu.dma_semaphore, #tpu.memory_space<semaphore_mem>>)
      %dma_wait3A_53 = arith.constant 2048 : i32
      %dma_wait3A_54 = tpu.memref_slice %arg7[%dma_wait3A_53] : memref<16384xf32, #tpu.memory_space<vmem>> -> memref<512xf32, #tpu.memory_space<vmem>>
      %dma_wait3A_55 = arith.constant 0 : i32
      %dma_wait3A_56 = tpu.memref_slice %arg4[%run_scoped3A_12, %dma_wait3A_55] : memref<32x16384xf32, #tpu.memory_space<hbm>> -> memref<1x16384xf32, #tpu.memory_space<hbm>>
      %dma_wait3A_57 = tpu.memref_squeeze %dma_wait3A_56 : memref<1x16384xf32, #tpu.memory_space<hbm>> -> memref<16384xf32, #tpu.memory_space<hbm>>
      %dma_wait3A_58 = tpu.memref_slice %dma_wait3A_57[%mul3A_2] : memref<16384xf32, #tpu.memory_space<hbm>> -> memref<512xf32, #tpu.memory_space<hbm>>
      %dma_wait3A_59 = arith.constant 0 : i32
      %dma_wait3A_60 = tpu.memref_slice %arg4[%run_scoped3A_12, %dma_wait3A_59] : memref<32x16384xf32, #tpu.memory_space<hbm>> -> memref<1x16384xf32, #tpu.memory_space<hbm>>
      %dma_wait3A_61 = tpu.memref_squeeze %dma_wait3A_60 : memref<1x16384xf32, #tpu.memory_space<hbm>> -> memref<16384xf32, #tpu.memory_space<hbm>>
      %dma_wait3A_62 = tpu.memref_slice %dma_wait3A_61[%mul3A_2] : memref<16384xf32, #tpu.memory_space<hbm>> -> memref<512xf32, #tpu.memory_space<hbm>>
      %dma_wait3A_63 = arith.constant 2048 : i32
      %dma_wait3A_64 = tpu.memref_slice %arg7[%dma_wait3A_63] : memref<16384xf32, #tpu.memory_space<vmem>> -> memref<512xf32, #tpu.memory_space<vmem>>
      tpu.wait_dma2 semaphore(%run_scoped3A_40 : memref<!tpu.dma_semaphore, #tpu.memory_space<semaphore_mem>>) src(%dma_wait3A_64 : memref<512xf32, #tpu.memory_space<vmem>>) dst(%dma_wait3A_62 : memref<512xf32, #tpu.memory_space<hbm>>)
      tpu.yield
    }) : () -> ()
    %run_scoped3A_13 = arith.constant 5 : i32
    "tpu.region"() ({
      %run_scoped3A_40 = tpu.sem_alloc : memref<!tpu.dma_semaphore, #tpu.memory_space<semaphore_mem>>
      %dma_start3A_41 = arith.constant 2560 : i32
      %dma_start3A_42 = tpu.memref_slice %arg7[%dma_start3A_41] : memref<16384xf32, #tpu.memory_space<vmem>> -> memref<512xf32, #tpu.memory_space<vmem>>
      %dma_start3A_43 = arith.constant 0 : i32
      %dma_start3A_44 = tpu.memref_slice %arg4[%run_scoped3A_13, %dma_start3A_43] : memref<32x16384xf32, #tpu.memory_space<hbm>> -> memref<1x16384xf32, #tpu.memory_space<hbm>>
      %dma_start3A_45 = tpu.memref_squeeze %dma_start3A_44 : memref<1x16384xf32, #tpu.memory_space<hbm>> -> memref<16384xf32, #tpu.memory_space<hbm>>
      %dma_start3A_46 = tpu.memref_slice %dma_start3A_45[%mul3A_2] : memref<16384xf32, #tpu.memory_space<hbm>> -> memref<512xf32, #tpu.memory_space<hbm>>
      %dma_start3A_47 = arith.constant 0 : i32
      %dma_start3A_48 = tpu.memref_slice %arg4[%run_scoped3A_13, %dma_start3A_47] : memref<32x16384xf32, #tpu.memory_space<hbm>> -> memref<1x16384xf32, #tpu.memory_space<hbm>>
      %dma_start3A_49 = tpu.memref_squeeze %dma_start3A_48 : memref<1x16384xf32, #tpu.memory_space<hbm>> -> memref<16384xf32, #tpu.memory_space<hbm>>
      %dma_start3A_50 = tpu.memref_slice %dma_start3A_49[%mul3A_2] : memref<16384xf32, #tpu.memory_space<hbm>> -> memref<512xf32, #tpu.memory_space<hbm>>
      %dma_start3A_51 = arith.constant 2560 : i32
      %dma_start3A_52 = tpu.memref_slice %arg7[%dma_start3A_51] : memref<16384xf32, #tpu.memory_space<vmem>> -> memref<512xf32, #tpu.memory_space<vmem>>
      tpu.enqueue_dma source(%dma_start3A_52 : memref<512xf32, #tpu.memory_space<vmem>>) target(%dma_start3A_50 : memref<512xf32, #tpu.memory_space<hbm>>) target_semaphore(%run_scoped3A_40 : memref<!tpu.dma_semaphore, #tpu.memory_space<semaphore_mem>>)
      %dma_wait3A_53 = arith.constant 2560 : i32
      %dma_wait3A_54 = tpu.memref_slice %arg7[%dma_wait3A_53] : memref<16384xf32, #tpu.memory_space<vmem>> -> memref<512xf32, #tpu.memory_space<vmem>>
      %dma_wait3A_55 = arith.constant 0 : i32
      %dma_wait3A_56 = tpu.memref_slice %arg4[%run_scoped3A_13, %dma_wait3A_55] : memref<32x16384xf32, #tpu.memory_space<hbm>> -> memref<1x16384xf32, #tpu.memory_space<hbm>>
      %dma_wait3A_57 = tpu.memref_squeeze %dma_wait3A_56 : memref<1x16384xf32, #tpu.memory_space<hbm>> -> memref<16384xf32, #tpu.memory_space<hbm>>
      %dma_wait3A_58 = tpu.memref_slice %dma_wait3A_57[%mul3A_2] : memref<16384xf32, #tpu.memory_space<hbm>> -> memref<512xf32, #tpu.memory_space<hbm>>
      %dma_wait3A_59 = arith.constant 0 : i32
      %dma_wait3A_60 = tpu.memref_slice %arg4[%run_scoped3A_13, %dma_wait3A_59] : memref<32x16384xf32, #tpu.memory_space<hbm>> -> memref<1x16384xf32, #tpu.memory_space<hbm>>
      %dma_wait3A_61 = tpu.memref_squeeze %dma_wait3A_60 : memref<1x16384xf32, #tpu.memory_space<hbm>> -> memref<16384xf32, #tpu.memory_space<hbm>>
      %dma_wait3A_62 = tpu.memref_slice %dma_wait3A_61[%mul3A_2] : memref<16384xf32, #tpu.memory_space<hbm>> -> memref<512xf32, #tpu.memory_space<hbm>>
      %dma_wait3A_63 = arith.constant 2560 : i32
      %dma_wait3A_64 = tpu.memref_slice %arg7[%dma_wait3A_63] : memref<16384xf32, #tpu.memory_space<vmem>> -> memref<512xf32, #tpu.memory_space<vmem>>
      tpu.wait_dma2 semaphore(%run_scoped3A_40 : memref<!tpu.dma_semaphore, #tpu.memory_space<semaphore_mem>>) src(%dma_wait3A_64 : memref<512xf32, #tpu.memory_space<vmem>>) dst(%dma_wait3A_62 : memref<512xf32, #tpu.memory_space<hbm>>)
      tpu.yield
    }) : () -> ()
    %run_scoped3A_14 = arith.constant 6 : i32
    "tpu.region"() ({
      %run_scoped3A_40 = tpu.sem_alloc : memref<!tpu.dma_semaphore, #tpu.memory_space<semaphore_mem>>
      %dma_start3A_41 = arith.constant 3072 : i32
      %dma_start3A_42 = tpu.memref_slice %arg7[%dma_start3A_41] : memref<16384xf32, #tpu.memory_space<vmem>> -> memref<512xf32, #tpu.memory_space<vmem>>
      %dma_start3A_43 = arith.constant 0 : i32
      %dma_start3A_44 = tpu.memref_slice %arg4[%run_scoped3A_14, %dma_start3A_43] : memref<32x16384xf32, #tpu.memory_space<hbm>> -> memref<1x16384xf32, #tpu.memory_space<hbm>>
      %dma_start3A_45 = tpu.memref_squeeze %dma_start3A_44 : memref<1x16384xf32, #tpu.memory_space<hbm>> -> memref<16384xf32, #tpu.memory_space<hbm>>
      %dma_start3A_46 = tpu.memref_slice %dma_start3A_45[%mul3A_2] : memref<16384xf32, #tpu.memory_space<hbm>> -> memref<512xf32, #tpu.memory_space<hbm>>
      %dma_start3A_47 = arith.constant 0 : i32
      %dma_start3A_48 = tpu.memref_slice %arg4[%run_scoped3A_14, %dma_start3A_47] : memref<32x16384xf32, #tpu.memory_space<hbm>> -> memref<1x16384xf32, #tpu.memory_space<hbm>>
      %dma_start3A_49 = tpu.memref_squeeze %dma_start3A_48 : memref<1x16384xf32, #tpu.memory_space<hbm>> -> memref<16384xf32, #tpu.memory_space<hbm>>
      %dma_start3A_50 = tpu.memref_slice %dma_start3A_49[%mul3A_2] : memref<16384xf32, #tpu.memory_space<hbm>> -> memref<512xf32, #tpu.memory_space<hbm>>
      %dma_start3A_51 = arith.constant 3072 : i32
      %dma_start3A_52 = tpu.memref_slice %arg7[%dma_start3A_51] : memref<16384xf32, #tpu.memory_space<vmem>> -> memref<512xf32, #tpu.memory_space<vmem>>
      tpu.enqueue_dma source(%dma_start3A_52 : memref<512xf32, #tpu.memory_space<vmem>>) target(%dma_start3A_50 : memref<512xf32, #tpu.memory_space<hbm>>) target_semaphore(%run_scoped3A_40 : memref<!tpu.dma_semaphore, #tpu.memory_space<semaphore_mem>>)
      %dma_wait3A_53 = arith.constant 3072 : i32
      %dma_wait3A_54 = tpu.memref_slice %arg7[%dma_wait3A_53] : memref<16384xf32, #tpu.memory_space<vmem>> -> memref<512xf32, #tpu.memory_space<vmem>>
      %dma_wait3A_55 = arith.constant 0 : i32
      %dma_wait3A_56 = tpu.memref_slice %arg4[%run_scoped3A_14, %dma_wait3A_55] : memref<32x16384xf32, #tpu.memory_space<hbm>> -> memref<1x16384xf32, #tpu.memory_space<hbm>>
      %dma_wait3A_57 = tpu.memref_squeeze %dma_wait3A_56 : memref<1x16384xf32, #tpu.memory_space<hbm>> -> memref<16384xf32, #tpu.memory_space<hbm>>
      %dma_wait3A_58 = tpu.memref_slice %dma_wait3A_57[%mul3A_2] : memref<16384xf32, #tpu.memory_space<hbm>> -> memref<512xf32, #tpu.memory_space<hbm>>
      %dma_wait3A_59 = arith.constant 0 : i32
      %dma_wait3A_60 = tpu.memref_slice %arg4[%run_scoped3A_14, %dma_wait3A_59] : memref<32x16384xf32, #tpu.memory_space<hbm>> -> memref<1x16384xf32, #tpu.memory_space<hbm>>
      %dma_wait3A_61 = tpu.memref_squeeze %dma_wait3A_60 : memref<1x16384xf32, #tpu.memory_space<hbm>> -> memref<16384xf32, #tpu.memory_space<hbm>>
      %dma_wait3A_62 = tpu.memref_slice %dma_wait3A_61[%mul3A_2] : memref<16384xf32, #tpu.memory_space<hbm>> -> memref<512xf32, #tpu.memory_space<hbm>>
      %dma_wait3A_63 = arith.constant 3072 : i32
      %dma_wait3A_64 = tpu.memref_slice %arg7[%dma_wait3A_63] : memref<16384xf32, #tpu.memory_space<vmem>> -> memref<512xf32, #tpu.memory_space<vmem>>
      tpu.wait_dma2 semaphore(%run_scoped3A_40 : memref<!tpu.dma_semaphore, #tpu.memory_space<semaphore_mem>>) src(%dma_wait3A_64 : memref<512xf32, #tpu.memory_space<vmem>>) dst(%dma_wait3A_62 : memref<512xf32, #tpu.memory_space<hbm>>)
      tpu.yield
    }) : () -> ()
    %run_scoped3A_15 = arith.constant 7 : i32
    "tpu.region"() ({
      %run_scoped3A_40 = tpu.sem_alloc : memref<!tpu.dma_semaphore, #tpu.memory_space<semaphore_mem>>
      %dma_start3A_41 = arith.constant 3584 : i32
      %dma_start3A_42 = tpu.memref_slice %arg7[%dma_start3A_41] : memref<16384xf32, #tpu.memory_space<vmem>> -> memref<512xf32, #tpu.memory_space<vmem>>
      %dma_start3A_43 = arith.constant 0 : i32
      %dma_start3A_44 = tpu.memref_slice %arg4[%run_scoped3A_15, %dma_start3A_43] : memref<32x16384xf32, #tpu.memory_space<hbm>> -> memref<1x16384xf32, #tpu.memory_space<hbm>>
      %dma_start3A_45 = tpu.memref_squeeze %dma_start3A_44 : memref<1x16384xf32, #tpu.memory_space<hbm>> -> memref<16384xf32, #tpu.memory_space<hbm>>
      %dma_start3A_46 = tpu.memref_slice %dma_start3A_45[%mul3A_2] : memref<16384xf32, #tpu.memory_space<hbm>> -> memref<512xf32, #tpu.memory_space<hbm>>
      %dma_start3A_47 = arith.constant 0 : i32
      %dma_start3A_48 = tpu.memref_slice %arg4[%run_scoped3A_15, %dma_start3A_47] : memref<32x16384xf32, #tpu.memory_space<hbm>> -> memref<1x16384xf32, #tpu.memory_space<hbm>>
      %dma_start3A_49 = tpu.memref_squeeze %dma_start3A_48 : memref<1x16384xf32, #tpu.memory_space<hbm>> -> memref<16384xf32, #tpu.memory_space<hbm>>
      %dma_start3A_50 = tpu.memref_slice %dma_start3A_49[%mul3A_2] : memref<16384xf32, #tpu.memory_space<hbm>> -> memref<512xf32, #tpu.memory_space<hbm>>
      %dma_start3A_51 = arith.constant 3584 : i32
      %dma_start3A_52 = tpu.memref_slice %arg7[%dma_start3A_51] : memref<16384xf32, #tpu.memory_space<vmem>> -> memref<512xf32, #tpu.memory_space<vmem>>
      tpu.enqueue_dma source(%dma_start3A_52 : memref<512xf32, #tpu.memory_space<vmem>>) target(%dma_start3A_50 : memref<512xf32, #tpu.memory_space<hbm>>) target_semaphore(%run_scoped3A_40 : memref<!tpu.dma_semaphore, #tpu.memory_space<semaphore_mem>>)
      %dma_wait3A_53 = arith.constant 3584 : i32
      %dma_wait3A_54 = tpu.memref_slice %arg7[%dma_wait3A_53] : memref<16384xf32, #tpu.memory_space<vmem>> -> memref<512xf32, #tpu.memory_space<vmem>>
      %dma_wait3A_55 = arith.constant 0 : i32
      %dma_wait3A_56 = tpu.memref_slice %arg4[%run_scoped3A_15, %dma_wait3A_55] : memref<32x16384xf32, #tpu.memory_space<hbm>> -> memref<1x16384xf32, #tpu.memory_space<hbm>>
      %dma_wait3A_57 = tpu.memref_squeeze %dma_wait3A_56 : memref<1x16384xf32, #tpu.memory_space<hbm>> -> memref<16384xf32, #tpu.memory_space<hbm>>
      %dma_wait3A_58 = tpu.memref_slice %dma_wait3A_57[%mul3A_2] : memref<16384xf32, #tpu.memory_space<hbm>> -> memref<512xf32, #tpu.memory_space<hbm>>
      %dma_wait3A_59 = arith.constant 0 : i32
      %dma_wait3A_60 = tpu.memref_slice %arg4[%run_scoped3A_15, %dma_wait3A_59] : memref<32x16384xf32, #tpu.memory_space<hbm>> -> memref<1x16384xf32, #tpu.memory_space<hbm>>
      %dma_wait3A_61 = tpu.memref_squeeze %dma_wait3A_60 : memref<1x16384xf32, #tpu.memory_space<hbm>> -> memref<16384xf32, #tpu.memory_space<hbm>>
      %dma_wait3A_62 = tpu.memref_slice %dma_wait3A_61[%mul3A_2] : memref<16384xf32, #tpu.memory_space<hbm>> -> memref<512xf32, #tpu.memory_space<hbm>>
      %dma_wait3A_63 = arith.constant 3584 : i32
      %dma_wait3A_64 = tpu.memref_slice %arg7[%dma_wait3A_63] : memref<16384xf32, #tpu.memory_space<vmem>> -> memref<512xf32, #tpu.memory_space<vmem>>
      tpu.wait_dma2 semaphore(%run_scoped3A_40 : memref<!tpu.dma_semaphore, #tpu.memory_space<semaphore_mem>>) src(%dma_wait3A_64 : memref<512xf32, #tpu.memory_space<vmem>>) dst(%dma_wait3A_62 : memref<512xf32, #tpu.memory_space<hbm>>)
      tpu.yield
    }) : () -> ()
    %run_scoped3A_16 = arith.constant 8 : i32
    "tpu.region"() ({
      %run_scoped3A_40 = tpu.sem_alloc : memref<!tpu.dma_semaphore, #tpu.memory_space<semaphore_mem>>
      %dma_start3A_41 = arith.constant 4096 : i32
      %dma_start3A_42 = tpu.memref_slice %arg7[%dma_start3A_41] : memref<16384xf32, #tpu.memory_space<vmem>> -> memref<512xf32, #tpu.memory_space<vmem>>
      %dma_start3A_43 = arith.constant 0 : i32
      %dma_start3A_44 = tpu.memref_slice %arg4[%run_scoped3A_16, %dma_start3A_43] : memref<32x16384xf32, #tpu.memory_space<hbm>> -> memref<1x16384xf32, #tpu.memory_space<hbm>>
      %dma_start3A_45 = tpu.memref_squeeze %dma_start3A_44 : memref<1x16384xf32, #tpu.memory_space<hbm>> -> memref<16384xf32, #tpu.memory_space<hbm>>
      %dma_start3A_46 = tpu.memref_slice %dma_start3A_45[%mul3A_2] : memref<16384xf32, #tpu.memory_space<hbm>> -> memref<512xf32, #tpu.memory_space<hbm>>
      %dma_start3A_47 = arith.constant 0 : i32
      %dma_start3A_48 = tpu.memref_slice %arg4[%run_scoped3A_16, %dma_start3A_47] : memref<32x16384xf32, #tpu.memory_space<hbm>> -> memref<1x16384xf32, #tpu.memory_space<hbm>>
      %dma_start3A_49 = tpu.memref_squeeze %dma_start3A_48 : memref<1x16384xf32, #tpu.memory_space<hbm>> -> memref<16384xf32, #tpu.memory_space<hbm>>
      %dma_start3A_50 = tpu.memref_slice %dma_start3A_49[%mul3A_2] : memref<16384xf32, #tpu.memory_space<hbm>> -> memref<512xf32, #tpu.memory_space<hbm>>
      %dma_start3A_51 = arith.constant 4096 : i32
      %dma_start3A_52 = tpu.memref_slice %arg7[%dma_start3A_51] : memref<16384xf32, #tpu.memory_space<vmem>> -> memref<512xf32, #tpu.memory_space<vmem>>
      tpu.enqueue_dma source(%dma_start3A_52 : memref<512xf32, #tpu.memory_space<vmem>>) target(%dma_start3A_50 : memref<512xf32, #tpu.memory_space<hbm>>) target_semaphore(%run_scoped3A_40 : memref<!tpu.dma_semaphore, #tpu.memory_space<semaphore_mem>>)
      %dma_wait3A_53 = arith.constant 4096 : i32
      %dma_wait3A_54 = tpu.memref_slice %arg7[%dma_wait3A_53] : memref<16384xf32, #tpu.memory_space<vmem>> -> memref<512xf32, #tpu.memory_space<vmem>>
      %dma_wait3A_55 = arith.constant 0 : i32
      %dma_wait3A_56 = tpu.memref_slice %arg4[%run_scoped3A_16, %dma_wait3A_55] : memref<32x16384xf32, #tpu.memory_space<hbm>> -> memref<1x16384xf32, #tpu.memory_space<hbm>>
      %dma_wait3A_57 = tpu.memref_squeeze %dma_wait3A_56 : memref<1x16384xf32, #tpu.memory_space<hbm>> -> memref<16384xf32, #tpu.memory_space<hbm>>
      %dma_wait3A_58 = tpu.memref_slice %dma_wait3A_57[%mul3A_2] : memref<16384xf32, #tpu.memory_space<hbm>> -> memref<512xf32, #tpu.memory_space<hbm>>
      %dma_wait3A_59 = arith.constant 0 : i32
      %dma_wait3A_60 = tpu.memref_slice %arg4[%run_scoped3A_16, %dma_wait3A_59] : memref<32x16384xf32, #tpu.memory_space<hbm>> -> memref<1x16384xf32, #tpu.memory_space<hbm>>
      %dma_wait3A_61 = tpu.memref_squeeze %dma_wait3A_60 : memref<1x16384xf32, #tpu.memory_space<hbm>> -> memref<16384xf32, #tpu.memory_space<hbm>>
      %dma_wait3A_62 = tpu.memref_slice %dma_wait3A_61[%mul3A_2] : memref<16384xf32, #tpu.memory_space<hbm>> -> memref<512xf32, #tpu.memory_space<hbm>>
      %dma_wait3A_63 = arith.constant 4096 : i32
      %dma_wait3A_64 = tpu.memref_slice %arg7[%dma_wait3A_63] : memref<16384xf32, #tpu.memory_space<vmem>> -> memref<512xf32, #tpu.memory_space<vmem>>
      tpu.wait_dma2 semaphore(%run_scoped3A_40 : memref<!tpu.dma_semaphore, #tpu.memory_space<semaphore_mem>>) src(%dma_wait3A_64 : memref<512xf32, #tpu.memory_space<vmem>>) dst(%dma_wait3A_62 : memref<512xf32, #tpu.memory_space<hbm>>)
      tpu.yield
    }) : () -> ()
    %run_scoped3A_17 = arith.constant 9 : i32
    "tpu.region"() ({
      %run_scoped3A_40 = tpu.sem_alloc : memref<!tpu.dma_semaphore, #tpu.memory_space<semaphore_mem>>
      %dma_start3A_41 = arith.constant 4608 : i32
      %dma_start3A_42 = tpu.memref_slice %arg7[%dma_start3A_41] : memref<16384xf32, #tpu.memory_space<vmem>> -> memref<512xf32, #tpu.memory_space<vmem>>
      %dma_start3A_43 = arith.constant 0 : i32
      %dma_start3A_44 = tpu.memref_slice %arg4[%run_scoped3A_17, %dma_start3A_43] : memref<32x16384xf32, #tpu.memory_space<hbm>> -> memref<1x16384xf32, #tpu.memory_space<hbm>>
      %dma_start3A_45 = tpu.memref_squeeze %dma_start3A_44 : memref<1x16384xf32, #tpu.memory_space<hbm>> -> memref<16384xf32, #tpu.memory_space<hbm>>
      %dma_start3A_46 = tpu.memref_slice %dma_start3A_45[%mul3A_2] : memref<16384xf32, #tpu.memory_space<hbm>> -> memref<512xf32, #tpu.memory_space<hbm>>
      %dma_start3A_47 = arith.constant 0 : i32
      %dma_start3A_48 = tpu.memref_slice %arg4[%run_scoped3A_17, %dma_start3A_47] : memref<32x16384xf32, #tpu.memory_space<hbm>> -> memref<1x16384xf32, #tpu.memory_space<hbm>>
      %dma_start3A_49 = tpu.memref_squeeze %dma_start3A_48 : memref<1x16384xf32, #tpu.memory_space<hbm>> -> memref<16384xf32, #tpu.memory_space<hbm>>
      %dma_start3A_50 = tpu.memref_slice %dma_start3A_49[%mul3A_2] : memref<16384xf32, #tpu.memory_space<hbm>> -> memref<512xf32, #tpu.memory_space<hbm>>
      %dma_start3A_51 = arith.constant 4608 : i32
      %dma_start3A_52 = tpu.memref_slice %arg7[%dma_start3A_51] : memref<16384xf32, #tpu.memory_space<vmem>> -> memref<512xf32, #tpu.memory_space<vmem>>
      tpu.enqueue_dma source(%dma_start3A_52 : memref<512xf32, #tpu.memory_space<vmem>>) target(%dma_start3A_50 : memref<512xf32, #tpu.memory_space<hbm>>) target_semaphore(%run_scoped3A_40 : memref<!tpu.dma_semaphore, #tpu.memory_space<semaphore_mem>>)
      %dma_wait3A_53 = arith.constant 4608 : i32
      %dma_wait3A_54 = tpu.memref_slice %arg7[%dma_wait3A_53] : memref<16384xf32, #tpu.memory_space<vmem>> -> memref<512xf32, #tpu.memory_space<vmem>>
      %dma_wait3A_55 = arith.constant 0 : i32
      %dma_wait3A_56 = tpu.memref_slice %arg4[%run_scoped3A_17, %dma_wait3A_55] : memref<32x16384xf32, #tpu.memory_space<hbm>> -> memref<1x16384xf32, #tpu.memory_space<hbm>>
      %dma_wait3A_57 = tpu.memref_squeeze %dma_wait3A_56 : memref<1x16384xf32, #tpu.memory_space<hbm>> -> memref<16384xf32, #tpu.memory_space<hbm>>
      %dma_wait3A_58 = tpu.memref_slice %dma_wait3A_57[%mul3A_2] : memref<16384xf32, #tpu.memory_space<hbm>> -> memref<512xf32, #tpu.memory_space<hbm>>
      %dma_wait3A_59 = arith.constant 0 : i32
      %dma_wait3A_60 = tpu.memref_slice %arg4[%run_scoped3A_17, %dma_wait3A_59] : memref<32x16384xf32, #tpu.memory_space<hbm>> -> memref<1x16384xf32, #tpu.memory_space<hbm>>
      %dma_wait3A_61 = tpu.memref_squeeze %dma_wait3A_60 : memref<1x16384xf32, #tpu.memory_space<hbm>> -> memref<16384xf32, #tpu.memory_space<hbm>>
      %dma_wait3A_62 = tpu.memref_slice %dma_wait3A_61[%mul3A_2] : memref<16384xf32, #tpu.memory_space<hbm>> -> memref<512xf32, #tpu.memory_space<hbm>>
      %dma_wait3A_63 = arith.constant 4608 : i32
      %dma_wait3A_64 = tpu.memref_slice %arg7[%dma_wait3A_63] : memref<16384xf32, #tpu.memory_space<vmem>> -> memref<512xf32, #tpu.memory_space<vmem>>
      tpu.wait_dma2 semaphore(%run_scoped3A_40 : memref<!tpu.dma_semaphore, #tpu.memory_space<semaphore_mem>>) src(%dma_wait3A_64 : memref<512xf32, #tpu.memory_space<vmem>>) dst(%dma_wait3A_62 : memref<512xf32, #tpu.memory_space<hbm>>)
      tpu.yield
    }) : () -> ()
    %run_scoped3A_18 = arith.constant 10 : i32
    "tpu.region"() ({
      %run_scoped3A_40 = tpu.sem_alloc : memref<!tpu.dma_semaphore, #tpu.memory_space<semaphore_mem>>
      %dma_start3A_41 = arith.constant 5120 : i32
      %dma_start3A_42 = tpu.memref_slice %arg7[%dma_start3A_41] : memref<16384xf32, #tpu.memory_space<vmem>> -> memref<512xf32, #tpu.memory_space<vmem>>
      %dma_start3A_43 = arith.constant 0 : i32
      %dma_start3A_44 = tpu.memref_slice %arg4[%run_scoped3A_18, %dma_start3A_43] : memref<32x16384xf32, #tpu.memory_space<hbm>> -> memref<1x16384xf32, #tpu.memory_space<hbm>>
      %dma_start3A_45 = tpu.memref_squeeze %dma_start3A_44 : memref<1x16384xf32, #tpu.memory_space<hbm>> -> memref<16384xf32, #tpu.memory_space<hbm>>
      %dma_start3A_46 = tpu.memref_slice %dma_start3A_45[%mul3A_2] : memref<16384xf32, #tpu.memory_space<hbm>> -> memref<512xf32, #tpu.memory_space<hbm>>
      %dma_start3A_47 = arith.constant 0 : i32
      %dma_start3A_48 = tpu.memref_slice %arg4[%run_scoped3A_18, %dma_start3A_47] : memref<32x16384xf32, #tpu.memory_space<hbm>> -> memref<1x16384xf32, #tpu.memory_space<hbm>>
      %dma_start3A_49 = tpu.memref_squeeze %dma_start3A_48 : memref<1x16384xf32, #tpu.memory_space<hbm>> -> memref<16384xf32, #tpu.memory_space<hbm>>
      %dma_start3A_50 = tpu.memref_slice %dma_start3A_49[%mul3A_2] : memref<16384xf32, #tpu.memory_space<hbm>> -> memref<512xf32, #tpu.memory_space<hbm>>
      %dma_start3A_51 = arith.constant 5120 : i32
      %dma_start3A_52 = tpu.memref_slice %arg7[%dma_start3A_51] : memref<16384xf32, #tpu.memory_space<vmem>> -> memref<512xf32, #tpu.memory_space<vmem>>
      tpu.enqueue_dma source(%dma_start3A_52 : memref<512xf32, #tpu.memory_space<vmem>>) target(%dma_start3A_50 : memref<512xf32, #tpu.memory_space<hbm>>) target_semaphore(%run_scoped3A_40 : memref<!tpu.dma_semaphore, #tpu.memory_space<semaphore_mem>>)
      %dma_wait3A_53 = arith.constant 5120 : i32
      %dma_wait3A_54 = tpu.memref_slice %arg7[%dma_wait3A_53] : memref<16384xf32, #tpu.memory_space<vmem>> -> memref<512xf32, #tpu.memory_space<vmem>>
      %dma_wait3A_55 = arith.constant 0 : i32
      %dma_wait3A_56 = tpu.memref_slice %arg4[%run_scoped3A_18, %dma_wait3A_55] : memref<32x16384xf32, #tpu.memory_space<hbm>> -> memref<1x16384xf32, #tpu.memory_space<hbm>>
      %dma_wait3A_57 = tpu.memref_squeeze %dma_wait3A_56 : memref<1x16384xf32, #tpu.memory_space<hbm>> -> memref<16384xf32, #tpu.memory_space<hbm>>
      %dma_wait3A_58 = tpu.memref_slice %dma_wait3A_57[%mul3A_2] : memref<16384xf32, #tpu.memory_space<hbm>> -> memref<512xf32, #tpu.memory_space<hbm>>
      %dma_wait3A_59 = arith.constant 0 : i32
      %dma_wait3A_60 = tpu.memref_slice %arg4[%run_scoped3A_18, %dma_wait3A_59] : memref<32x16384xf32, #tpu.memory_space<hbm>> -> memref<1x16384xf32, #tpu.memory_space<hbm>>
      %dma_wait3A_61 = tpu.memref_squeeze %dma_wait3A_60 : memref<1x16384xf32, #tpu.memory_space<hbm>> -> memref<16384xf32, #tpu.memory_space<hbm>>
      %dma_wait3A_62 = tpu.memref_slice %dma_wait3A_61[%mul3A_2] : memref<16384xf32, #tpu.memory_space<hbm>> -> memref<512xf32, #tpu.memory_space<hbm>>
      %dma_wait3A_63 = arith.constant 5120 : i32
      %dma_wait3A_64 = tpu.memref_slice %arg7[%dma_wait3A_63] : memref<16384xf32, #tpu.memory_space<vmem>> -> memref<512xf32, #tpu.memory_space<vmem>>
      tpu.wait_dma2 semaphore(%run_scoped3A_40 : memref<!tpu.dma_semaphore, #tpu.memory_space<semaphore_mem>>) src(%dma_wait3A_64 : memref<512xf32, #tpu.memory_space<vmem>>) dst(%dma_wait3A_62 : memref<512xf32, #tpu.memory_space<hbm>>)
      tpu.yield
    }) : () -> ()
    %run_scoped3A_19 = arith.constant 11 : i32
    "tpu.region"() ({
      %run_scoped3A_40 = tpu.sem_alloc : memref<!tpu.dma_semaphore, #tpu.memory_space<semaphore_mem>>
      %dma_start3A_41 = arith.constant 5632 : i32
      %dma_start3A_42 = tpu.memref_slice %arg7[%dma_start3A_41] : memref<16384xf32, #tpu.memory_space<vmem>> -> memref<512xf32, #tpu.memory_space<vmem>>
      %dma_start3A_43 = arith.constant 0 : i32
      %dma_start3A_44 = tpu.memref_slice %arg4[%run_scoped3A_19, %dma_start3A_43] : memref<32x16384xf32, #tpu.memory_space<hbm>> -> memref<1x16384xf32, #tpu.memory_space<hbm>>
      %dma_start3A_45 = tpu.memref_squeeze %dma_start3A_44 : memref<1x16384xf32, #tpu.memory_space<hbm>> -> memref<16384xf32, #tpu.memory_space<hbm>>
      %dma_start3A_46 = tpu.memref_slice %dma_start3A_45[%mul3A_2] : memref<16384xf32, #tpu.memory_space<hbm>> -> memref<512xf32, #tpu.memory_space<hbm>>
      %dma_start3A_47 = arith.constant 0 : i32
      %dma_start3A_48 = tpu.memref_slice %arg4[%run_scoped3A_19, %dma_start3A_47] : memref<32x16384xf32, #tpu.memory_space<hbm>> -> memref<1x16384xf32, #tpu.memory_space<hbm>>
      %dma_start3A_49 = tpu.memref_squeeze %dma_start3A_48 : memref<1x16384xf32, #tpu.memory_space<hbm>> -> memref<16384xf32, #tpu.memory_space<hbm>>
      %dma_start3A_50 = tpu.memref_slice %dma_start3A_49[%mul3A_2] : memref<16384xf32, #tpu.memory_space<hbm>> -> memref<512xf32, #tpu.memory_space<hbm>>
      %dma_start3A_51 = arith.constant 5632 : i32
      %dma_start3A_52 = tpu.memref_slice %arg7[%dma_start3A_51] : memref<16384xf32, #tpu.memory_space<vmem>> -> memref<512xf32, #tpu.memory_space<vmem>>
      tpu.enqueue_dma source(%dma_start3A_52 : memref<512xf32, #tpu.memory_space<vmem>>) target(%dma_start3A_50 : memref<512xf32, #tpu.memory_space<hbm>>) target_semaphore(%run_scoped3A_40 : memref<!tpu.dma_semaphore, #tpu.memory_space<semaphore_mem>>)
      %dma_wait3A_53 = arith.constant 5632 : i32
      %dma_wait3A_54 = tpu.memref_slice %arg7[%dma_wait3A_53] : memref<16384xf32, #tpu.memory_space<vmem>> -> memref<512xf32, #tpu.memory_space<vmem>>
      %dma_wait3A_55 = arith.constant 0 : i32
      %dma_wait3A_56 = tpu.memref_slice %arg4[%run_scoped3A_19, %dma_wait3A_55] : memref<32x16384xf32, #tpu.memory_space<hbm>> -> memref<1x16384xf32, #tpu.memory_space<hbm>>
      %dma_wait3A_57 = tpu.memref_squeeze %dma_wait3A_56 : memref<1x16384xf32, #tpu.memory_space<hbm>> -> memref<16384xf32, #tpu.memory_space<hbm>>
      %dma_wait3A_58 = tpu.memref_slice %dma_wait3A_57[%mul3A_2] : memref<16384xf32, #tpu.memory_space<hbm>> -> memref<512xf32, #tpu.memory_space<hbm>>
      %dma_wait3A_59 = arith.constant 0 : i32
      %dma_wait3A_60 = tpu.memref_slice %arg4[%run_scoped3A_19, %dma_wait3A_59] : memref<32x16384xf32, #tpu.memory_space<hbm>> -> memref<1x16384xf32, #tpu.memory_space<hbm>>
      %dma_wait3A_61 = tpu.memref_squeeze %dma_wait3A_60 : memref<1x16384xf32, #tpu.memory_space<hbm>> -> memref<16384xf32, #tpu.memory_space<hbm>>
      %dma_wait3A_62 = tpu.memref_slice %dma_wait3A_61[%mul3A_2] : memref<16384xf32, #tpu.memory_space<hbm>> -> memref<512xf32, #tpu.memory_space<hbm>>
      %dma_wait3A_63 = arith.constant 5632 : i32
      %dma_wait3A_64 = tpu.memref_slice %arg7[%dma_wait3A_63] : memref<16384xf32, #tpu.memory_space<vmem>> -> memref<512xf32, #tpu.memory_space<vmem>>
      tpu.wait_dma2 semaphore(%run_scoped3A_40 : memref<!tpu.dma_semaphore, #tpu.memory_space<semaphore_mem>>) src(%dma_wait3A_64 : memref<512xf32, #tpu.memory_space<vmem>>) dst(%dma_wait3A_62 : memref<512xf32, #tpu.memory_space<hbm>>)
      tpu.yield
    }) : () -> ()
    %run_scoped3A_20 = arith.constant 12 : i32
    "tpu.region"() ({
      %run_scoped3A_40 = tpu.sem_alloc : memref<!tpu.dma_semaphore, #tpu.memory_space<semaphore_mem>>
      %dma_start3A_41 = arith.constant 6144 : i32
      %dma_start3A_42 = tpu.memref_slice %arg7[%dma_start3A_41] : memref<16384xf32, #tpu.memory_space<vmem>> -> memref<512xf32, #tpu.memory_space<vmem>>
      %dma_start3A_43 = arith.constant 0 : i32
      %dma_start3A_44 = tpu.memref_slice %arg4[%run_scoped3A_20, %dma_start3A_43] : memref<32x16384xf32, #tpu.memory_space<hbm>> -> memref<1x16384xf32, #tpu.memory_space<hbm>>
      %dma_start3A_45 = tpu.memref_squeeze %dma_start3A_44 : memref<1x16384xf32, #tpu.memory_space<hbm>> -> memref<16384xf32, #tpu.memory_space<hbm>>
      %dma_start3A_46 = tpu.memref_slice %dma_start3A_45[%mul3A_2] : memref<16384xf32, #tpu.memory_space<hbm>> -> memref<512xf32, #tpu.memory_space<hbm>>
      %dma_start3A_47 = arith.constant 0 : i32
      %dma_start3A_48 = tpu.memref_slice %arg4[%run_scoped3A_20, %dma_start3A_47] : memref<32x16384xf32, #tpu.memory_space<hbm>> -> memref<1x16384xf32, #tpu.memory_space<hbm>>
      %dma_start3A_49 = tpu.memref_squeeze %dma_start3A_48 : memref<1x16384xf32, #tpu.memory_space<hbm>> -> memref<16384xf32, #tpu.memory_space<hbm>>
      %dma_start3A_50 = tpu.memref_slice %dma_start3A_49[%mul3A_2] : memref<16384xf32, #tpu.memory_space<hbm>> -> memref<512xf32, #tpu.memory_space<hbm>>
      %dma_start3A_51 = arith.constant 6144 : i32
      %dma_start3A_52 = tpu.memref_slice %arg7[%dma_start3A_51] : memref<16384xf32, #tpu.memory_space<vmem>> -> memref<512xf32, #tpu.memory_space<vmem>>
      tpu.enqueue_dma source(%dma_start3A_52 : memref<512xf32, #tpu.memory_space<vmem>>) target(%dma_start3A_50 : memref<512xf32, #tpu.memory_space<hbm>>) target_semaphore(%run_scoped3A_40 : memref<!tpu.dma_semaphore, #tpu.memory_space<semaphore_mem>>)
      %dma_wait3A_53 = arith.constant 6144 : i32
      %dma_wait3A_54 = tpu.memref_slice %arg7[%dma_wait3A_53] : memref<16384xf32, #tpu.memory_space<vmem>> -> memref<512xf32, #tpu.memory_space<vmem>>
      %dma_wait3A_55 = arith.constant 0 : i32
      %dma_wait3A_56 = tpu.memref_slice %arg4[%run_scoped3A_20, %dma_wait3A_55] : memref<32x16384xf32, #tpu.memory_space<hbm>> -> memref<1x16384xf32, #tpu.memory_space<hbm>>
      %dma_wait3A_57 = tpu.memref_squeeze %dma_wait3A_56 : memref<1x16384xf32, #tpu.memory_space<hbm>> -> memref<16384xf32, #tpu.memory_space<hbm>>
      %dma_wait3A_58 = tpu.memref_slice %dma_wait3A_57[%mul3A_2] : memref<16384xf32, #tpu.memory_space<hbm>> -> memref<512xf32, #tpu.memory_space<hbm>>
      %dma_wait3A_59 = arith.constant 0 : i32
      %dma_wait3A_60 = tpu.memref_slice %arg4[%run_scoped3A_20, %dma_wait3A_59] : memref<32x16384xf32, #tpu.memory_space<hbm>> -> memref<1x16384xf32, #tpu.memory_space<hbm>>
      %dma_wait3A_61 = tpu.memref_squeeze %dma_wait3A_60 : memref<1x16384xf32, #tpu.memory_space<hbm>> -> memref<16384xf32, #tpu.memory_space<hbm>>
      %dma_wait3A_62 = tpu.memref_slice %dma_wait3A_61[%mul3A_2] : memref<16384xf32, #tpu.memory_space<hbm>> -> memref<512xf32, #tpu.memory_space<hbm>>
      %dma_wait3A_63 = arith.constant 6144 : i32
      %dma_wait3A_64 = tpu.memref_slice %arg7[%dma_wait3A_63] : memref<16384xf32, #tpu.memory_space<vmem>> -> memref<512xf32, #tpu.memory_space<vmem>>
      tpu.wait_dma2 semaphore(%run_scoped3A_40 : memref<!tpu.dma_semaphore, #tpu.memory_space<semaphore_mem>>) src(%dma_wait3A_64 : memref<512xf32, #tpu.memory_space<vmem>>) dst(%dma_wait3A_62 : memref<512xf32, #tpu.memory_space<hbm>>)
      tpu.yield
    }) : () -> ()
    %run_scoped3A_21 = arith.constant 13 : i32
    "tpu.region"() ({
      %run_scoped3A_40 = tpu.sem_alloc : memref<!tpu.dma_semaphore, #tpu.memory_space<semaphore_mem>>
      %dma_start3A_41 = arith.constant 6656 : i32
      %dma_start3A_42 = tpu.memref_slice %arg7[%dma_start3A_41] : memref<16384xf32, #tpu.memory_space<vmem>> -> memref<512xf32, #tpu.memory_space<vmem>>
      %dma_start3A_43 = arith.constant 0 : i32
      %dma_start3A_44 = tpu.memref_slice %arg4[%run_scoped3A_21, %dma_start3A_43] : memref<32x16384xf32, #tpu.memory_space<hbm>> -> memref<1x16384xf32, #tpu.memory_space<hbm>>
      %dma_start3A_45 = tpu.memref_squeeze %dma_start3A_44 : memref<1x16384xf32, #tpu.memory_space<hbm>> -> memref<16384xf32, #tpu.memory_space<hbm>>
      %dma_start3A_46 = tpu.memref_slice %dma_start3A_45[%mul3A_2] : memref<16384xf32, #tpu.memory_space<hbm>> -> memref<512xf32, #tpu.memory_space<hbm>>
      %dma_start3A_47 = arith.constant 0 : i32
      %dma_start3A_48 = tpu.memref_slice %arg4[%run_scoped3A_21, %dma_start3A_47] : memref<32x16384xf32, #tpu.memory_space<hbm>> -> memref<1x16384xf32, #tpu.memory_space<hbm>>
      %dma_start3A_49 = tpu.memref_squeeze %dma_start3A_48 : memref<1x16384xf32, #tpu.memory_space<hbm>> -> memref<16384xf32, #tpu.memory_space<hbm>>
      %dma_start3A_50 = tpu.memref_slice %dma_start3A_49[%mul3A_2] : memref<16384xf32, #tpu.memory_space<hbm>> -> memref<512xf32, #tpu.memory_space<hbm>>
      %dma_start3A_51 = arith.constant 6656 : i32
      %dma_start3A_52 = tpu.memref_slice %arg7[%dma_start3A_51] : memref<16384xf32, #tpu.memory_space<vmem>> -> memref<512xf32, #tpu.memory_space<vmem>>
      tpu.enqueue_dma source(%dma_start3A_52 : memref<512xf32, #tpu.memory_space<vmem>>) target(%dma_start3A_50 : memref<512xf32, #tpu.memory_space<hbm>>) target_semaphore(%run_scoped3A_40 : memref<!tpu.dma_semaphore, #tpu.memory_space<semaphore_mem>>)
      %dma_wait3A_53 = arith.constant 6656 : i32
      %dma_wait3A_54 = tpu.memref_slice %arg7[%dma_wait3A_53] : memref<16384xf32, #tpu.memory_space<vmem>> -> memref<512xf32, #tpu.memory_space<vmem>>
      %dma_wait3A_55 = arith.constant 0 : i32
      %dma_wait3A_56 = tpu.memref_slice %arg4[%run_scoped3A_21, %dma_wait3A_55] : memref<32x16384xf32, #tpu.memory_space<hbm>> -> memref<1x16384xf32, #tpu.memory_space<hbm>>
      %dma_wait3A_57 = tpu.memref_squeeze %dma_wait3A_56 : memref<1x16384xf32, #tpu.memory_space<hbm>> -> memref<16384xf32, #tpu.memory_space<hbm>>
      %dma_wait3A_58 = tpu.memref_slice %dma_wait3A_57[%mul3A_2] : memref<16384xf32, #tpu.memory_space<hbm>> -> memref<512xf32, #tpu.memory_space<hbm>>
      %dma_wait3A_59 = arith.constant 0 : i32
      %dma_wait3A_60 = tpu.memref_slice %arg4[%run_scoped3A_21, %dma_wait3A_59] : memref<32x16384xf32, #tpu.memory_space<hbm>> -> memref<1x16384xf32, #tpu.memory_space<hbm>>
      %dma_wait3A_61 = tpu.memref_squeeze %dma_wait3A_60 : memref<1x16384xf32, #tpu.memory_space<hbm>> -> memref<16384xf32, #tpu.memory_space<hbm>>
      %dma_wait3A_62 = tpu.memref_slice %dma_wait3A_61[%mul3A_2] : memref<16384xf32, #tpu.memory_space<hbm>> -> memref<512xf32, #tpu.memory_space<hbm>>
      %dma_wait3A_63 = arith.constant 6656 : i32
      %dma_wait3A_64 = tpu.memref_slice %arg7[%dma_wait3A_63] : memref<16384xf32, #tpu.memory_space<vmem>> -> memref<512xf32, #tpu.memory_space<vmem>>
      tpu.wait_dma2 semaphore(%run_scoped3A_40 : memref<!tpu.dma_semaphore, #tpu.memory_space<semaphore_mem>>) src(%dma_wait3A_64 : memref<512xf32, #tpu.memory_space<vmem>>) dst(%dma_wait3A_62 : memref<512xf32, #tpu.memory_space<hbm>>)
      tpu.yield
    }) : () -> ()
    %run_scoped3A_22 = arith.constant 14 : i32
    "tpu.region"() ({
      %run_scoped3A_40 = tpu.sem_alloc : memref<!tpu.dma_semaphore, #tpu.memory_space<semaphore_mem>>
      %dma_start3A_41 = arith.constant 7168 : i32
      %dma_start3A_42 = tpu.memref_slice %arg7[%dma_start3A_41] : memref<16384xf32, #tpu.memory_space<vmem>> -> memref<512xf32, #tpu.memory_space<vmem>>
      %dma_start3A_43 = arith.constant 0 : i32
      %dma_start3A_44 = tpu.memref_slice %arg4[%run_scoped3A_22, %dma_start3A_43] : memref<32x16384xf32, #tpu.memory_space<hbm>> -> memref<1x16384xf32, #tpu.memory_space<hbm>>
      %dma_start3A_45 = tpu.memref_squeeze %dma_start3A_44 : memref<1x16384xf32, #tpu.memory_space<hbm>> -> memref<16384xf32, #tpu.memory_space<hbm>>
      %dma_start3A_46 = tpu.memref_slice %dma_start3A_45[%mul3A_2] : memref<16384xf32, #tpu.memory_space<hbm>> -> memref<512xf32, #tpu.memory_space<hbm>>
      %dma_start3A_47 = arith.constant 0 : i32
      %dma_start3A_48 = tpu.memref_slice %arg4[%run_scoped3A_22, %dma_start3A_47] : memref<32x16384xf32, #tpu.memory_space<hbm>> -> memref<1x16384xf32, #tpu.memory_space<hbm>>
      %dma_start3A_49 = tpu.memref_squeeze %dma_start3A_48 : memref<1x16384xf32, #tpu.memory_space<hbm>> -> memref<16384xf32, #tpu.memory_space<hbm>>
      %dma_start3A_50 = tpu.memref_slice %dma_start3A_49[%mul3A_2] : memref<16384xf32, #tpu.memory_space<hbm>> -> memref<512xf32, #tpu.memory_space<hbm>>
      %dma_start3A_51 = arith.constant 7168 : i32
      %dma_start3A_52 = tpu.memref_slice %arg7[%dma_start3A_51] : memref<16384xf32, #tpu.memory_space<vmem>> -> memref<512xf32, #tpu.memory_space<vmem>>
      tpu.enqueue_dma source(%dma_start3A_52 : memref<512xf32, #tpu.memory_space<vmem>>) target(%dma_start3A_50 : memref<512xf32, #tpu.memory_space<hbm>>) target_semaphore(%run_scoped3A_40 : memref<!tpu.dma_semaphore, #tpu.memory_space<semaphore_mem>>)
      %dma_wait3A_53 = arith.constant 7168 : i32
      %dma_wait3A_54 = tpu.memref_slice %arg7[%dma_wait3A_53] : memref<16384xf32, #tpu.memory_space<vmem>> -> memref<512xf32, #tpu.memory_space<vmem>>
      %dma_wait3A_55 = arith.constant 0 : i32
      %dma_wait3A_56 = tpu.memref_slice %arg4[%run_scoped3A_22, %dma_wait3A_55] : memref<32x16384xf32, #tpu.memory_space<hbm>> -> memref<1x16384xf32, #tpu.memory_space<hbm>>
      %dma_wait3A_57 = tpu.memref_squeeze %dma_wait3A_56 : memref<1x16384xf32, #tpu.memory_space<hbm>> -> memref<16384xf32, #tpu.memory_space<hbm>>
      %dma_wait3A_58 = tpu.memref_slice %dma_wait3A_57[%mul3A_2] : memref<16384xf32, #tpu.memory_space<hbm>> -> memref<512xf32, #tpu.memory_space<hbm>>
      %dma_wait3A_59 = arith.constant 0 : i32
      %dma_wait3A_60 = tpu.memref_slice %arg4[%run_scoped3A_22, %dma_wait3A_59] : memref<32x16384xf32, #tpu.memory_space<hbm>> -> memref<1x16384xf32, #tpu.memory_space<hbm>>
      %dma_wait3A_61 = tpu.memref_squeeze %dma_wait3A_60 : memref<1x16384xf32, #tpu.memory_space<hbm>> -> memref<16384xf32, #tpu.memory_space<hbm>>
      %dma_wait3A_62 = tpu.memref_slice %dma_wait3A_61[%mul3A_2] : memref<16384xf32, #tpu.memory_space<hbm>> -> memref<512xf32, #tpu.memory_space<hbm>>
      %dma_wait3A_63 = arith.constant 7168 : i32
      %dma_wait3A_64 = tpu.memref_slice %arg7[%dma_wait3A_63] : memref<16384xf32, #tpu.memory_space<vmem>> -> memref<512xf32, #tpu.memory_space<vmem>>
      tpu.wait_dma2 semaphore(%run_scoped3A_40 : memref<!tpu.dma_semaphore, #tpu.memory_space<semaphore_mem>>) src(%dma_wait3A_64 : memref<512xf32, #tpu.memory_space<vmem>>) dst(%dma_wait3A_62 : memref<512xf32, #tpu.memory_space<hbm>>)
      tpu.yield
    }) : () -> ()
    %run_scoped3A_23 = arith.constant 15 : i32
    "tpu.region"() ({
      %run_scoped3A_40 = tpu.sem_alloc : memref<!tpu.dma_semaphore, #tpu.memory_space<semaphore_mem>>
      %dma_start3A_41 = arith.constant 7680 : i32
      %dma_start3A_42 = tpu.memref_slice %arg7[%dma_start3A_41] : memref<16384xf32, #tpu.memory_space<vmem>> -> memref<512xf32, #tpu.memory_space<vmem>>
      %dma_start3A_43 = arith.constant 0 : i32
      %dma_start3A_44 = tpu.memref_slice %arg4[%run_scoped3A_23, %dma_start3A_43] : memref<32x16384xf32, #tpu.memory_space<hbm>> -> memref<1x16384xf32, #tpu.memory_space<hbm>>
      %dma_start3A_45 = tpu.memref_squeeze %dma_start3A_44 : memref<1x16384xf32, #tpu.memory_space<hbm>> -> memref<16384xf32, #tpu.memory_space<hbm>>
      %dma_start3A_46 = tpu.memref_slice %dma_start3A_45[%mul3A_2] : memref<16384xf32, #tpu.memory_space<hbm>> -> memref<512xf32, #tpu.memory_space<hbm>>
      %dma_start3A_47 = arith.constant 0 : i32
      %dma_start3A_48 = tpu.memref_slice %arg4[%run_scoped3A_23, %dma_start3A_47] : memref<32x16384xf32, #tpu.memory_space<hbm>> -> memref<1x16384xf32, #tpu.memory_space<hbm>>
      %dma_start3A_49 = tpu.memref_squeeze %dma_start3A_48 : memref<1x16384xf32, #tpu.memory_space<hbm>> -> memref<16384xf32, #tpu.memory_space<hbm>>
      %dma_start3A_50 = tpu.memref_slice %dma_start3A_49[%mul3A_2] : memref<16384xf32, #tpu.memory_space<hbm>> -> memref<512xf32, #tpu.memory_space<hbm>>
      %dma_start3A_51 = arith.constant 7680 : i32
      %dma_start3A_52 = tpu.memref_slice %arg7[%dma_start3A_51] : memref<16384xf32, #tpu.memory_space<vmem>> -> memref<512xf32, #tpu.memory_space<vmem>>
      tpu.enqueue_dma source(%dma_start3A_52 : memref<512xf32, #tpu.memory_space<vmem>>) target(%dma_start3A_50 : memref<512xf32, #tpu.memory_space<hbm>>) target_semaphore(%run_scoped3A_40 : memref<!tpu.dma_semaphore, #tpu.memory_space<semaphore_mem>>)
      %dma_wait3A_53 = arith.constant 7680 : i32
      %dma_wait3A_54 = tpu.memref_slice %arg7[%dma_wait3A_53] : memref<16384xf32, #tpu.memory_space<vmem>> -> memref<512xf32, #tpu.memory_space<vmem>>
      %dma_wait3A_55 = arith.constant 0 : i32
      %dma_wait3A_56 = tpu.memref_slice %arg4[%run_scoped3A_23, %dma_wait3A_55] : memref<32x16384xf32, #tpu.memory_space<hbm>> -> memref<1x16384xf32, #tpu.memory_space<hbm>>
      %dma_wait3A_57 = tpu.memref_squeeze %dma_wait3A_56 : memref<1x16384xf32, #tpu.memory_space<hbm>> -> memref<16384xf32, #tpu.memory_space<hbm>>
      %dma_wait3A_58 = tpu.memref_slice %dma_wait3A_57[%mul3A_2] : memref<16384xf32, #tpu.memory_space<hbm>> -> memref<512xf32, #tpu.memory_space<hbm>>
      %dma_wait3A_59 = arith.constant 0 : i32
      %dma_wait3A_60 = tpu.memref_slice %arg4[%run_scoped3A_23, %dma_wait3A_59] : memref<32x16384xf32, #tpu.memory_space<hbm>> -> memref<1x16384xf32, #tpu.memory_space<hbm>>
      %dma_wait3A_61 = tpu.memref_squeeze %dma_wait3A_60 : memref<1x16384xf32, #tpu.memory_space<hbm>> -> memref<16384xf32, #tpu.memory_space<hbm>>
      %dma_wait3A_62 = tpu.memref_slice %dma_wait3A_61[%mul3A_2] : memref<16384xf32, #tpu.memory_space<hbm>> -> memref<512xf32, #tpu.memory_space<hbm>>
      %dma_wait3A_63 = arith.constant 7680 : i32
      %dma_wait3A_64 = tpu.memref_slice %arg7[%dma_wait3A_63] : memref<16384xf32, #tpu.memory_space<vmem>> -> memref<512xf32, #tpu.memory_space<vmem>>
      tpu.wait_dma2 semaphore(%run_scoped3A_40 : memref<!tpu.dma_semaphore, #tpu.memory_space<semaphore_mem>>) src(%dma_wait3A_64 : memref<512xf32, #tpu.memory_space<vmem>>) dst(%dma_wait3A_62 : memref<512xf32, #tpu.memory_space<hbm>>)
      tpu.yield
    }) : () -> ()
    %run_scoped3A_24 = arith.constant 16 : i32
    "tpu.region"() ({
      %run_scoped3A_40 = tpu.sem_alloc : memref<!tpu.dma_semaphore, #tpu.memory_space<semaphore_mem>>
      %dma_start3A_41 = arith.constant 8192 : i32
      %dma_start3A_42 = tpu.memref_slice %arg7[%dma_start3A_41] : memref<16384xf32, #tpu.memory_space<vmem>> -> memref<512xf32, #tpu.memory_space<vmem>>
      %dma_start3A_43 = arith.constant 0 : i32
      %dma_start3A_44 = tpu.memref_slice %arg4[%run_scoped3A_24, %dma_start3A_43] : memref<32x16384xf32, #tpu.memory_space<hbm>> -> memref<1x16384xf32, #tpu.memory_space<hbm>>
      %dma_start3A_45 = tpu.memref_squeeze %dma_start3A_44 : memref<1x16384xf32, #tpu.memory_space<hbm>> -> memref<16384xf32, #tpu.memory_space<hbm>>
      %dma_start3A_46 = tpu.memref_slice %dma_start3A_45[%mul3A_2] : memref<16384xf32, #tpu.memory_space<hbm>> -> memref<512xf32, #tpu.memory_space<hbm>>
      %dma_start3A_47 = arith.constant 0 : i32
      %dma_start3A_48 = tpu.memref_slice %arg4[%run_scoped3A_24, %dma_start3A_47] : memref<32x16384xf32, #tpu.memory_space<hbm>> -> memref<1x16384xf32, #tpu.memory_space<hbm>>
      %dma_start3A_49 = tpu.memref_squeeze %dma_start3A_48 : memref<1x16384xf32, #tpu.memory_space<hbm>> -> memref<16384xf32, #tpu.memory_space<hbm>>
      %dma_start3A_50 = tpu.memref_slice %dma_start3A_49[%mul3A_2] : memref<16384xf32, #tpu.memory_space<hbm>> -> memref<512xf32, #tpu.memory_space<hbm>>
      %dma_start3A_51 = arith.constant 8192 : i32
      %dma_start3A_52 = tpu.memref_slice %arg7[%dma_start3A_51] : memref<16384xf32, #tpu.memory_space<vmem>> -> memref<512xf32, #tpu.memory_space<vmem>>
      tpu.enqueue_dma source(%dma_start3A_52 : memref<512xf32, #tpu.memory_space<vmem>>) target(%dma_start3A_50 : memref<512xf32, #tpu.memory_space<hbm>>) target_semaphore(%run_scoped3A_40 : memref<!tpu.dma_semaphore, #tpu.memory_space<semaphore_mem>>)
      %dma_wait3A_53 = arith.constant 8192 : i32
      %dma_wait3A_54 = tpu.memref_slice %arg7[%dma_wait3A_53] : memref<16384xf32, #tpu.memory_space<vmem>> -> memref<512xf32, #tpu.memory_space<vmem>>
      %dma_wait3A_55 = arith.constant 0 : i32
      %dma_wait3A_56 = tpu.memref_slice %arg4[%run_scoped3A_24, %dma_wait3A_55] : memref<32x16384xf32, #tpu.memory_space<hbm>> -> memref<1x16384xf32, #tpu.memory_space<hbm>>
      %dma_wait3A_57 = tpu.memref_squeeze %dma_wait3A_56 : memref<1x16384xf32, #tpu.memory_space<hbm>> -> memref<16384xf32, #tpu.memory_space<hbm>>
      %dma_wait3A_58 = tpu.memref_slice %dma_wait3A_57[%mul3A_2] : memref<16384xf32, #tpu.memory_space<hbm>> -> memref<512xf32, #tpu.memory_space<hbm>>
      %dma_wait3A_59 = arith.constant 0 : i32
      %dma_wait3A_60 = tpu.memref_slice %arg4[%run_scoped3A_24, %dma_wait3A_59] : memref<32x16384xf32, #tpu.memory_space<hbm>> -> memref<1x16384xf32, #tpu.memory_space<hbm>>
      %dma_wait3A_61 = tpu.memref_squeeze %dma_wait3A_60 : memref<1x16384xf32, #tpu.memory_space<hbm>> -> memref<16384xf32, #tpu.memory_space<hbm>>
      %dma_wait3A_62 = tpu.memref_slice %dma_wait3A_61[%mul3A_2] : memref<16384xf32, #tpu.memory_space<hbm>> -> memref<512xf32, #tpu.memory_space<hbm>>
      %dma_wait3A_63 = arith.constant 8192 : i32
      %dma_wait3A_64 = tpu.memref_slice %arg7[%dma_wait3A_63] : memref<16384xf32, #tpu.memory_space<vmem>> -> memref<512xf32, #tpu.memory_space<vmem>>
      tpu.wait_dma2 semaphore(%run_scoped3A_40 : memref<!tpu.dma_semaphore, #tpu.memory_space<semaphore_mem>>) src(%dma_wait3A_64 : memref<512xf32, #tpu.memory_space<vmem>>) dst(%dma_wait3A_62 : memref<512xf32, #tpu.memory_space<hbm>>)
      tpu.yield
    }) : () -> ()
    %run_scoped3A_25 = arith.constant 17 : i32
    "tpu.region"() ({
      %run_scoped3A_40 = tpu.sem_alloc : memref<!tpu.dma_semaphore, #tpu.memory_space<semaphore_mem>>
      %dma_start3A_41 = arith.constant 8704 : i32
      %dma_start3A_42 = tpu.memref_slice %arg7[%dma_start3A_41] : memref<16384xf32, #tpu.memory_space<vmem>> -> memref<512xf32, #tpu.memory_space<vmem>>
      %dma_start3A_43 = arith.constant 0 : i32
      %dma_start3A_44 = tpu.memref_slice %arg4[%run_scoped3A_25, %dma_start3A_43] : memref<32x16384xf32, #tpu.memory_space<hbm>> -> memref<1x16384xf32, #tpu.memory_space<hbm>>
      %dma_start3A_45 = tpu.memref_squeeze %dma_start3A_44 : memref<1x16384xf32, #tpu.memory_space<hbm>> -> memref<16384xf32, #tpu.memory_space<hbm>>
      %dma_start3A_46 = tpu.memref_slice %dma_start3A_45[%mul3A_2] : memref<16384xf32, #tpu.memory_space<hbm>> -> memref<512xf32, #tpu.memory_space<hbm>>
      %dma_start3A_47 = arith.constant 0 : i32
      %dma_start3A_48 = tpu.memref_slice %arg4[%run_scoped3A_25, %dma_start3A_47] : memref<32x16384xf32, #tpu.memory_space<hbm>> -> memref<1x16384xf32, #tpu.memory_space<hbm>>
      %dma_start3A_49 = tpu.memref_squeeze %dma_start3A_48 : memref<1x16384xf32, #tpu.memory_space<hbm>> -> memref<16384xf32, #tpu.memory_space<hbm>>
      %dma_start3A_50 = tpu.memref_slice %dma_start3A_49[%mul3A_2] : memref<16384xf32, #tpu.memory_space<hbm>> -> memref<512xf32, #tpu.memory_space<hbm>>
      %dma_start3A_51 = arith.constant 8704 : i32
      %dma_start3A_52 = tpu.memref_slice %arg7[%dma_start3A_51] : memref<16384xf32, #tpu.memory_space<vmem>> -> memref<512xf32, #tpu.memory_space<vmem>>
      tpu.enqueue_dma source(%dma_start3A_52 : memref<512xf32, #tpu.memory_space<vmem>>) target(%dma_start3A_50 : memref<512xf32, #tpu.memory_space<hbm>>) target_semaphore(%run_scoped3A_40 : memref<!tpu.dma_semaphore, #tpu.memory_space<semaphore_mem>>)
      %dma_wait3A_53 = arith.constant 8704 : i32
      %dma_wait3A_54 = tpu.memref_slice %arg7[%dma_wait3A_53] : memref<16384xf32, #tpu.memory_space<vmem>> -> memref<512xf32, #tpu.memory_space<vmem>>
      %dma_wait3A_55 = arith.constant 0 : i32
      %dma_wait3A_56 = tpu.memref_slice %arg4[%run_scoped3A_25, %dma_wait3A_55] : memref<32x16384xf32, #tpu.memory_space<hbm>> -> memref<1x16384xf32, #tpu.memory_space<hbm>>
      %dma_wait3A_57 = tpu.memref_squeeze %dma_wait3A_56 : memref<1x16384xf32, #tpu.memory_space<hbm>> -> memref<16384xf32, #tpu.memory_space<hbm>>
      %dma_wait3A_58 = tpu.memref_slice %dma_wait3A_57[%mul3A_2] : memref<16384xf32, #tpu.memory_space<hbm>> -> memref<512xf32, #tpu.memory_space<hbm>>
      %dma_wait3A_59 = arith.constant 0 : i32
      %dma_wait3A_60 = tpu.memref_slice %arg4[%run_scoped3A_25, %dma_wait3A_59] : memref<32x16384xf32, #tpu.memory_space<hbm>> -> memref<1x16384xf32, #tpu.memory_space<hbm>>
      %dma_wait3A_61 = tpu.memref_squeeze %dma_wait3A_60 : memref<1x16384xf32, #tpu.memory_space<hbm>> -> memref<16384xf32, #tpu.memory_space<hbm>>
      %dma_wait3A_62 = tpu.memref_slice %dma_wait3A_61[%mul3A_2] : memref<16384xf32, #tpu.memory_space<hbm>> -> memref<512xf32, #tpu.memory_space<hbm>>
      %dma_wait3A_63 = arith.constant 8704 : i32
      %dma_wait3A_64 = tpu.memref_slice %arg7[%dma_wait3A_63] : memref<16384xf32, #tpu.memory_space<vmem>> -> memref<512xf32, #tpu.memory_space<vmem>>
      tpu.wait_dma2 semaphore(%run_scoped3A_40 : memref<!tpu.dma_semaphore, #tpu.memory_space<semaphore_mem>>) src(%dma_wait3A_64 : memref<512xf32, #tpu.memory_space<vmem>>) dst(%dma_wait3A_62 : memref<512xf32, #tpu.memory_space<hbm>>)
      tpu.yield
    }) : () -> ()
    %run_scoped3A_26 = arith.constant 18 : i32
    "tpu.region"() ({
      %run_scoped3A_40 = tpu.sem_alloc : memref<!tpu.dma_semaphore, #tpu.memory_space<semaphore_mem>>
      %dma_start3A_41 = arith.constant 9216 : i32
      %dma_start3A_42 = tpu.memref_slice %arg7[%dma_start3A_41] : memref<16384xf32, #tpu.memory_space<vmem>> -> memref<512xf32, #tpu.memory_space<vmem>>
      %dma_start3A_43 = arith.constant 0 : i32
      %dma_start3A_44 = tpu.memref_slice %arg4[%run_scoped3A_26, %dma_start3A_43] : memref<32x16384xf32, #tpu.memory_space<hbm>> -> memref<1x16384xf32, #tpu.memory_space<hbm>>
      %dma_start3A_45 = tpu.memref_squeeze %dma_start3A_44 : memref<1x16384xf32, #tpu.memory_space<hbm>> -> memref<16384xf32, #tpu.memory_space<hbm>>
      %dma_start3A_46 = tpu.memref_slice %dma_start3A_45[%mul3A_2] : memref<16384xf32, #tpu.memory_space<hbm>> -> memref<512xf32, #tpu.memory_space<hbm>>
      %dma_start3A_47 = arith.constant 0 : i32
      %dma_start3A_48 = tpu.memref_slice %arg4[%run_scoped3A_26, %dma_start3A_47] : memref<32x16384xf32, #tpu.memory_space<hbm>> -> memref<1x16384xf32, #tpu.memory_space<hbm>>
      %dma_start3A_49 = tpu.memref_squeeze %dma_start3A_48 : memref<1x16384xf32, #tpu.memory_space<hbm>> -> memref<16384xf32, #tpu.memory_space<hbm>>
      %dma_start3A_50 = tpu.memref_slice %dma_start3A_49[%mul3A_2] : memref<16384xf32, #tpu.memory_space<hbm>> -> memref<512xf32, #tpu.memory_space<hbm>>
      %dma_start3A_51 = arith.constant 9216 : i32
      %dma_start3A_52 = tpu.memref_slice %arg7[%dma_start3A_51] : memref<16384xf32, #tpu.memory_space<vmem>> -> memref<512xf32, #tpu.memory_space<vmem>>
      tpu.enqueue_dma source(%dma_start3A_52 : memref<512xf32, #tpu.memory_space<vmem>>) target(%dma_start3A_50 : memref<512xf32, #tpu.memory_space<hbm>>) target_semaphore(%run_scoped3A_40 : memref<!tpu.dma_semaphore, #tpu.memory_space<semaphore_mem>>)
      %dma_wait3A_53 = arith.constant 9216 : i32
      %dma_wait3A_54 = tpu.memref_slice %arg7[%dma_wait3A_53] : memref<16384xf32, #tpu.memory_space<vmem>> -> memref<512xf32, #tpu.memory_space<vmem>>
      %dma_wait3A_55 = arith.constant 0 : i32
      %dma_wait3A_56 = tpu.memref_slice %arg4[%run_scoped3A_26, %dma_wait3A_55] : memref<32x16384xf32, #tpu.memory_space<hbm>> -> memref<1x16384xf32, #tpu.memory_space<hbm>>
      %dma_wait3A_57 = tpu.memref_squeeze %dma_wait3A_56 : memref<1x16384xf32, #tpu.memory_space<hbm>> -> memref<16384xf32, #tpu.memory_space<hbm>>
      %dma_wait3A_58 = tpu.memref_slice %dma_wait3A_57[%mul3A_2] : memref<16384xf32, #tpu.memory_space<hbm>> -> memref<512xf32, #tpu.memory_space<hbm>>
      %dma_wait3A_59 = arith.constant 0 : i32
      %dma_wait3A_60 = tpu.memref_slice %arg4[%run_scoped3A_26, %dma_wait3A_59] : memref<32x16384xf32, #tpu.memory_space<hbm>> -> memref<1x16384xf32, #tpu.memory_space<hbm>>
      %dma_wait3A_61 = tpu.memref_squeeze %dma_wait3A_60 : memref<1x16384xf32, #tpu.memory_space<hbm>> -> memref<16384xf32, #tpu.memory_space<hbm>>
      %dma_wait3A_62 = tpu.memref_slice %dma_wait3A_61[%mul3A_2] : memref<16384xf32, #tpu.memory_space<hbm>> -> memref<512xf32, #tpu.memory_space<hbm>>
      %dma_wait3A_63 = arith.constant 9216 : i32
      %dma_wait3A_64 = tpu.memref_slice %arg7[%dma_wait3A_63] : memref<16384xf32, #tpu.memory_space<vmem>> -> memref<512xf32, #tpu.memory_space<vmem>>
      tpu.wait_dma2 semaphore(%run_scoped3A_40 : memref<!tpu.dma_semaphore, #tpu.memory_space<semaphore_mem>>) src(%dma_wait3A_64 : memref<512xf32, #tpu.memory_space<vmem>>) dst(%dma_wait3A_62 : memref<512xf32, #tpu.memory_space<hbm>>)
      tpu.yield
    }) : () -> ()
    %run_scoped3A_27 = arith.constant 19 : i32
    "tpu.region"() ({
      %run_scoped3A_40 = tpu.sem_alloc : memref<!tpu.dma_semaphore, #tpu.memory_space<semaphore_mem>>
      %dma_start3A_41 = arith.constant 9728 : i32
      %dma_start3A_42 = tpu.memref_slice %arg7[%dma_start3A_41] : memref<16384xf32, #tpu.memory_space<vmem>> -> memref<512xf32, #tpu.memory_space<vmem>>
      %dma_start3A_43 = arith.constant 0 : i32
      %dma_start3A_44 = tpu.memref_slice %arg4[%run_scoped3A_27, %dma_start3A_43] : memref<32x16384xf32, #tpu.memory_space<hbm>> -> memref<1x16384xf32, #tpu.memory_space<hbm>>
      %dma_start3A_45 = tpu.memref_squeeze %dma_start3A_44 : memref<1x16384xf32, #tpu.memory_space<hbm>> -> memref<16384xf32, #tpu.memory_space<hbm>>
      %dma_start3A_46 = tpu.memref_slice %dma_start3A_45[%mul3A_2] : memref<16384xf32, #tpu.memory_space<hbm>> -> memref<512xf32, #tpu.memory_space<hbm>>
      %dma_start3A_47 = arith.constant 0 : i32
      %dma_start3A_48 = tpu.memref_slice %arg4[%run_scoped3A_27, %dma_start3A_47] : memref<32x16384xf32, #tpu.memory_space<hbm>> -> memref<1x16384xf32, #tpu.memory_space<hbm>>
      %dma_start3A_49 = tpu.memref_squeeze %dma_start3A_48 : memref<1x16384xf32, #tpu.memory_space<hbm>> -> memref<16384xf32, #tpu.memory_space<hbm>>
      %dma_start3A_50 = tpu.memref_slice %dma_start3A_49[%mul3A_2] : memref<16384xf32, #tpu.memory_space<hbm>> -> memref<512xf32, #tpu.memory_space<hbm>>
      %dma_start3A_51 = arith.constant 9728 : i32
      %dma_start3A_52 = tpu.memref_slice %arg7[%dma_start3A_51] : memref<16384xf32, #tpu.memory_space<vmem>> -> memref<512xf32, #tpu.memory_space<vmem>>
      tpu.enqueue_dma source(%dma_start3A_52 : memref<512xf32, #tpu.memory_space<vmem>>) target(%dma_start3A_50 : memref<512xf32, #tpu.memory_space<hbm>>) target_semaphore(%run_scoped3A_40 : memref<!tpu.dma_semaphore, #tpu.memory_space<semaphore_mem>>)
      %dma_wait3A_53 = arith.constant 9728 : i32
      %dma_wait3A_54 = tpu.memref_slice %arg7[%dma_wait3A_53] : memref<16384xf32, #tpu.memory_space<vmem>> -> memref<512xf32, #tpu.memory_space<vmem>>
      %dma_wait3A_55 = arith.constant 0 : i32
      %dma_wait3A_56 = tpu.memref_slice %arg4[%run_scoped3A_27, %dma_wait3A_55] : memref<32x16384xf32, #tpu.memory_space<hbm>> -> memref<1x16384xf32, #tpu.memory_space<hbm>>
      %dma_wait3A_57 = tpu.memref_squeeze %dma_wait3A_56 : memref<1x16384xf32, #tpu.memory_space<hbm>> -> memref<16384xf32, #tpu.memory_space<hbm>>
      %dma_wait3A_58 = tpu.memref_slice %dma_wait3A_57[%mul3A_2] : memref<16384xf32, #tpu.memory_space<hbm>> -> memref<512xf32, #tpu.memory_space<hbm>>
      %dma_wait3A_59 = arith.constant 0 : i32
      %dma_wait3A_60 = tpu.memref_slice %arg4[%run_scoped3A_27, %dma_wait3A_59] : memref<32x16384xf32, #tpu.memory_space<hbm>> -> memref<1x16384xf32, #tpu.memory_space<hbm>>
      %dma_wait3A_61 = tpu.memref_squeeze %dma_wait3A_60 : memref<1x16384xf32, #tpu.memory_space<hbm>> -> memref<16384xf32, #tpu.memory_space<hbm>>
      %dma_wait3A_62 = tpu.memref_slice %dma_wait3A_61[%mul3A_2] : memref<16384xf32, #tpu.memory_space<hbm>> -> memref<512xf32, #tpu.memory_space<hbm>>
      %dma_wait3A_63 = arith.constant 9728 : i32
      %dma_wait3A_64 = tpu.memref_slice %arg7[%dma_wait3A_63] : memref<16384xf32, #tpu.memory_space<vmem>> -> memref<512xf32, #tpu.memory_space<vmem>>
      tpu.wait_dma2 semaphore(%run_scoped3A_40 : memref<!tpu.dma_semaphore, #tpu.memory_space<semaphore_mem>>) src(%dma_wait3A_64 : memref<512xf32, #tpu.memory_space<vmem>>) dst(%dma_wait3A_62 : memref<512xf32, #tpu.memory_space<hbm>>)
      tpu.yield
    }) : () -> ()
    %run_scoped3A_28 = arith.constant 20 : i32
    "tpu.region"() ({
      %run_scoped3A_40 = tpu.sem_alloc : memref<!tpu.dma_semaphore, #tpu.memory_space<semaphore_mem>>
      %dma_start3A_41 = arith.constant 10240 : i32
      %dma_start3A_42 = tpu.memref_slice %arg7[%dma_start3A_41] : memref<16384xf32, #tpu.memory_space<vmem>> -> memref<512xf32, #tpu.memory_space<vmem>>
      %dma_start3A_43 = arith.constant 0 : i32
      %dma_start3A_44 = tpu.memref_slice %arg4[%run_scoped3A_28, %dma_start3A_43] : memref<32x16384xf32, #tpu.memory_space<hbm>> -> memref<1x16384xf32, #tpu.memory_space<hbm>>
      %dma_start3A_45 = tpu.memref_squeeze %dma_start3A_44 : memref<1x16384xf32, #tpu.memory_space<hbm>> -> memref<16384xf32, #tpu.memory_space<hbm>>
      %dma_start3A_46 = tpu.memref_slice %dma_start3A_45[%mul3A_2] : memref<16384xf32, #tpu.memory_space<hbm>> -> memref<512xf32, #tpu.memory_space<hbm>>
      %dma_start3A_47 = arith.constant 0 : i32
      %dma_start3A_48 = tpu.memref_slice %arg4[%run_scoped3A_28, %dma_start3A_47] : memref<32x16384xf32, #tpu.memory_space<hbm>> -> memref<1x16384xf32, #tpu.memory_space<hbm>>
      %dma_start3A_49 = tpu.memref_squeeze %dma_start3A_48 : memref<1x16384xf32, #tpu.memory_space<hbm>> -> memref<16384xf32, #tpu.memory_space<hbm>>
      %dma_start3A_50 = tpu.memref_slice %dma_start3A_49[%mul3A_2] : memref<16384xf32, #tpu.memory_space<hbm>> -> memref<512xf32, #tpu.memory_space<hbm>>
      %dma_start3A_51 = arith.constant 10240 : i32
      %dma_start3A_52 = tpu.memref_slice %arg7[%dma_start3A_51] : memref<16384xf32, #tpu.memory_space<vmem>> -> memref<512xf32, #tpu.memory_space<vmem>>
      tpu.enqueue_dma source(%dma_start3A_52 : memref<512xf32, #tpu.memory_space<vmem>>) target(%dma_start3A_50 : memref<512xf32, #tpu.memory_space<hbm>>) target_semaphore(%run_scoped3A_40 : memref<!tpu.dma_semaphore, #tpu.memory_space<semaphore_mem>>)
      %dma_wait3A_53 = arith.constant 10240 : i32
      %dma_wait3A_54 = tpu.memref_slice %arg7[%dma_wait3A_53] : memref<16384xf32, #tpu.memory_space<vmem>> -> memref<512xf32, #tpu.memory_space<vmem>>
      %dma_wait3A_55 = arith.constant 0 : i32
      %dma_wait3A_56 = tpu.memref_slice %arg4[%run_scoped3A_28, %dma_wait3A_55] : memref<32x16384xf32, #tpu.memory_space<hbm>> -> memref<1x16384xf32, #tpu.memory_space<hbm>>
      %dma_wait3A_57 = tpu.memref_squeeze %dma_wait3A_56 : memref<1x16384xf32, #tpu.memory_space<hbm>> -> memref<16384xf32, #tpu.memory_space<hbm>>
      %dma_wait3A_58 = tpu.memref_slice %dma_wait3A_57[%mul3A_2] : memref<16384xf32, #tpu.memory_space<hbm>> -> memref<512xf32, #tpu.memory_space<hbm>>
      %dma_wait3A_59 = arith.constant 0 : i32
      %dma_wait3A_60 = tpu.memref_slice %arg4[%run_scoped3A_28, %dma_wait3A_59] : memref<32x16384xf32, #tpu.memory_space<hbm>> -> memref<1x16384xf32, #tpu.memory_space<hbm>>
      %dma_wait3A_61 = tpu.memref_squeeze %dma_wait3A_60 : memref<1x16384xf32, #tpu.memory_space<hbm>> -> memref<16384xf32, #tpu.memory_space<hbm>>
      %dma_wait3A_62 = tpu.memref_slice %dma_wait3A_61[%mul3A_2] : memref<16384xf32, #tpu.memory_space<hbm>> -> memref<512xf32, #tpu.memory_space<hbm>>
      %dma_wait3A_63 = arith.constant 10240 : i32
      %dma_wait3A_64 = tpu.memref_slice %arg7[%dma_wait3A_63] : memref<16384xf32, #tpu.memory_space<vmem>> -> memref<512xf32, #tpu.memory_space<vmem>>
      tpu.wait_dma2 semaphore(%run_scoped3A_40 : memref<!tpu.dma_semaphore, #tpu.memory_space<semaphore_mem>>) src(%dma_wait3A_64 : memref<512xf32, #tpu.memory_space<vmem>>) dst(%dma_wait3A_62 : memref<512xf32, #tpu.memory_space<hbm>>)
      tpu.yield
    }) : () -> ()
    %run_scoped3A_29 = arith.constant 21 : i32
    "tpu.region"() ({
      %run_scoped3A_40 = tpu.sem_alloc : memref<!tpu.dma_semaphore, #tpu.memory_space<semaphore_mem>>
      %dma_start3A_41 = arith.constant 10752 : i32
      %dma_start3A_42 = tpu.memref_slice %arg7[%dma_start3A_41] : memref<16384xf32, #tpu.memory_space<vmem>> -> memref<512xf32, #tpu.memory_space<vmem>>
      %dma_start3A_43 = arith.constant 0 : i32
      %dma_start3A_44 = tpu.memref_slice %arg4[%run_scoped3A_29, %dma_start3A_43] : memref<32x16384xf32, #tpu.memory_space<hbm>> -> memref<1x16384xf32, #tpu.memory_space<hbm>>
      %dma_start3A_45 = tpu.memref_squeeze %dma_start3A_44 : memref<1x16384xf32, #tpu.memory_space<hbm>> -> memref<16384xf32, #tpu.memory_space<hbm>>
      %dma_start3A_46 = tpu.memref_slice %dma_start3A_45[%mul3A_2] : memref<16384xf32, #tpu.memory_space<hbm>> -> memref<512xf32, #tpu.memory_space<hbm>>
      %dma_start3A_47 = arith.constant 0 : i32
      %dma_start3A_48 = tpu.memref_slice %arg4[%run_scoped3A_29, %dma_start3A_47] : memref<32x16384xf32, #tpu.memory_space<hbm>> -> memref<1x16384xf32, #tpu.memory_space<hbm>>
      %dma_start3A_49 = tpu.memref_squeeze %dma_start3A_48 : memref<1x16384xf32, #tpu.memory_space<hbm>> -> memref<16384xf32, #tpu.memory_space<hbm>>
      %dma_start3A_50 = tpu.memref_slice %dma_start3A_49[%mul3A_2] : memref<16384xf32, #tpu.memory_space<hbm>> -> memref<512xf32, #tpu.memory_space<hbm>>
      %dma_start3A_51 = arith.constant 10752 : i32
      %dma_start3A_52 = tpu.memref_slice %arg7[%dma_start3A_51] : memref<16384xf32, #tpu.memory_space<vmem>> -> memref<512xf32, #tpu.memory_space<vmem>>
      tpu.enqueue_dma source(%dma_start3A_52 : memref<512xf32, #tpu.memory_space<vmem>>) target(%dma_start3A_50 : memref<512xf32, #tpu.memory_space<hbm>>) target_semaphore(%run_scoped3A_40 : memref<!tpu.dma_semaphore, #tpu.memory_space<semaphore_mem>>)
      %dma_wait3A_53 = arith.constant 10752 : i32
      %dma_wait3A_54 = tpu.memref_slice %arg7[%dma_wait3A_53] : memref<16384xf32, #tpu.memory_space<vmem>> -> memref<512xf32, #tpu.memory_space<vmem>>
      %dma_wait3A_55 = arith.constant 0 : i32
      %dma_wait3A_56 = tpu.memref_slice %arg4[%run_scoped3A_29, %dma_wait3A_55] : memref<32x16384xf32, #tpu.memory_space<hbm>> -> memref<1x16384xf32, #tpu.memory_space<hbm>>
      %dma_wait3A_57 = tpu.memref_squeeze %dma_wait3A_56 : memref<1x16384xf32, #tpu.memory_space<hbm>> -> memref<16384xf32, #tpu.memory_space<hbm>>
      %dma_wait3A_58 = tpu.memref_slice %dma_wait3A_57[%mul3A_2] : memref<16384xf32, #tpu.memory_space<hbm>> -> memref<512xf32, #tpu.memory_space<hbm>>
      %dma_wait3A_59 = arith.constant 0 : i32
      %dma_wait3A_60 = tpu.memref_slice %arg4[%run_scoped3A_29, %dma_wait3A_59] : memref<32x16384xf32, #tpu.memory_space<hbm>> -> memref<1x16384xf32, #tpu.memory_space<hbm>>
      %dma_wait3A_61 = tpu.memref_squeeze %dma_wait3A_60 : memref<1x16384xf32, #tpu.memory_space<hbm>> -> memref<16384xf32, #tpu.memory_space<hbm>>
      %dma_wait3A_62 = tpu.memref_slice %dma_wait3A_61[%mul3A_2] : memref<16384xf32, #tpu.memory_space<hbm>> -> memref<512xf32, #tpu.memory_space<hbm>>
      %dma_wait3A_63 = arith.constant 10752 : i32
      %dma_wait3A_64 = tpu.memref_slice %arg7[%dma_wait3A_63] : memref<16384xf32, #tpu.memory_space<vmem>> -> memref<512xf32, #tpu.memory_space<vmem>>
      tpu.wait_dma2 semaphore(%run_scoped3A_40 : memref<!tpu.dma_semaphore, #tpu.memory_space<semaphore_mem>>) src(%dma_wait3A_64 : memref<512xf32, #tpu.memory_space<vmem>>) dst(%dma_wait3A_62 : memref<512xf32, #tpu.memory_space<hbm>>)
      tpu.yield
    }) : () -> ()
    %run_scoped3A_30 = arith.constant 22 : i32
    "tpu.region"() ({
      %run_scoped3A_40 = tpu.sem_alloc : memref<!tpu.dma_semaphore, #tpu.memory_space<semaphore_mem>>
      %dma_start3A_41 = arith.constant 11264 : i32
      %dma_start3A_42 = tpu.memref_slice %arg7[%dma_start3A_41] : memref<16384xf32, #tpu.memory_space<vmem>> -> memref<512xf32, #tpu.memory_space<vmem>>
      %dma_start3A_43 = arith.constant 0 : i32
      %dma_start3A_44 = tpu.memref_slice %arg4[%run_scoped3A_30, %dma_start3A_43] : memref<32x16384xf32, #tpu.memory_space<hbm>> -> memref<1x16384xf32, #tpu.memory_space<hbm>>
      %dma_start3A_45 = tpu.memref_squeeze %dma_start3A_44 : memref<1x16384xf32, #tpu.memory_space<hbm>> -> memref<16384xf32, #tpu.memory_space<hbm>>
      %dma_start3A_46 = tpu.memref_slice %dma_start3A_45[%mul3A_2] : memref<16384xf32, #tpu.memory_space<hbm>> -> memref<512xf32, #tpu.memory_space<hbm>>
      %dma_start3A_47 = arith.constant 0 : i32
      %dma_start3A_48 = tpu.memref_slice %arg4[%run_scoped3A_30, %dma_start3A_47] : memref<32x16384xf32, #tpu.memory_space<hbm>> -> memref<1x16384xf32, #tpu.memory_space<hbm>>
      %dma_start3A_49 = tpu.memref_squeeze %dma_start3A_48 : memref<1x16384xf32, #tpu.memory_space<hbm>> -> memref<16384xf32, #tpu.memory_space<hbm>>
      %dma_start3A_50 = tpu.memref_slice %dma_start3A_49[%mul3A_2] : memref<16384xf32, #tpu.memory_space<hbm>> -> memref<512xf32, #tpu.memory_space<hbm>>
      %dma_start3A_51 = arith.constant 11264 : i32
      %dma_start3A_52 = tpu.memref_slice %arg7[%dma_start3A_51] : memref<16384xf32, #tpu.memory_space<vmem>> -> memref<512xf32, #tpu.memory_space<vmem>>
      tpu.enqueue_dma source(%dma_start3A_52 : memref<512xf32, #tpu.memory_space<vmem>>) target(%dma_start3A_50 : memref<512xf32, #tpu.memory_space<hbm>>) target_semaphore(%run_scoped3A_40 : memref<!tpu.dma_semaphore, #tpu.memory_space<semaphore_mem>>)
      %dma_wait3A_53 = arith.constant 11264 : i32
      %dma_wait3A_54 = tpu.memref_slice %arg7[%dma_wait3A_53] : memref<16384xf32, #tpu.memory_space<vmem>> -> memref<512xf32, #tpu.memory_space<vmem>>
      %dma_wait3A_55 = arith.constant 0 : i32
      %dma_wait3A_56 = tpu.memref_slice %arg4[%run_scoped3A_30, %dma_wait3A_55] : memref<32x16384xf32, #tpu.memory_space<hbm>> -> memref<1x16384xf32, #tpu.memory_space<hbm>>
      %dma_wait3A_57 = tpu.memref_squeeze %dma_wait3A_56 : memref<1x16384xf32, #tpu.memory_space<hbm>> -> memref<16384xf32, #tpu.memory_space<hbm>>
      %dma_wait3A_58 = tpu.memref_slice %dma_wait3A_57[%mul3A_2] : memref<16384xf32, #tpu.memory_space<hbm>> -> memref<512xf32, #tpu.memory_space<hbm>>
      %dma_wait3A_59 = arith.constant 0 : i32
      %dma_wait3A_60 = tpu.memref_slice %arg4[%run_scoped3A_30, %dma_wait3A_59] : memref<32x16384xf32, #tpu.memory_space<hbm>> -> memref<1x16384xf32, #tpu.memory_space<hbm>>
      %dma_wait3A_61 = tpu.memref_squeeze %dma_wait3A_60 : memref<1x16384xf32, #tpu.memory_space<hbm>> -> memref<16384xf32, #tpu.memory_space<hbm>>
      %dma_wait3A_62 = tpu.memref_slice %dma_wait3A_61[%mul3A_2] : memref<16384xf32, #tpu.memory_space<hbm>> -> memref<512xf32, #tpu.memory_space<hbm>>
      %dma_wait3A_63 = arith.constant 11264 : i32
      %dma_wait3A_64 = tpu.memref_slice %arg7[%dma_wait3A_63] : memref<16384xf32, #tpu.memory_space<vmem>> -> memref<512xf32, #tpu.memory_space<vmem>>
      tpu.wait_dma2 semaphore(%run_scoped3A_40 : memref<!tpu.dma_semaphore, #tpu.memory_space<semaphore_mem>>) src(%dma_wait3A_64 : memref<512xf32, #tpu.memory_space<vmem>>) dst(%dma_wait3A_62 : memref<512xf32, #tpu.memory_space<hbm>>)
      tpu.yield
    }) : () -> ()
    %run_scoped3A_31 = arith.constant 23 : i32
    "tpu.region"() ({
      %run_scoped3A_40 = tpu.sem_alloc : memref<!tpu.dma_semaphore, #tpu.memory_space<semaphore_mem>>
      %dma_start3A_41 = arith.constant 11776 : i32
      %dma_start3A_42 = tpu.memref_slice %arg7[%dma_start3A_41] : memref<16384xf32, #tpu.memory_space<vmem>> -> memref<512xf32, #tpu.memory_space<vmem>>
      %dma_start3A_43 = arith.constant 0 : i32
      %dma_start3A_44 = tpu.memref_slice %arg4[%run_scoped3A_31, %dma_start3A_43] : memref<32x16384xf32, #tpu.memory_space<hbm>> -> memref<1x16384xf32, #tpu.memory_space<hbm>>
      %dma_start3A_45 = tpu.memref_squeeze %dma_start3A_44 : memref<1x16384xf32, #tpu.memory_space<hbm>> -> memref<16384xf32, #tpu.memory_space<hbm>>
      %dma_start3A_46 = tpu.memref_slice %dma_start3A_45[%mul3A_2] : memref<16384xf32, #tpu.memory_space<hbm>> -> memref<512xf32, #tpu.memory_space<hbm>>
      %dma_start3A_47 = arith.constant 0 : i32
      %dma_start3A_48 = tpu.memref_slice %arg4[%run_scoped3A_31, %dma_start3A_47] : memref<32x16384xf32, #tpu.memory_space<hbm>> -> memref<1x16384xf32, #tpu.memory_space<hbm>>
      %dma_start3A_49 = tpu.memref_squeeze %dma_start3A_48 : memref<1x16384xf32, #tpu.memory_space<hbm>> -> memref<16384xf32, #tpu.memory_space<hbm>>
      %dma_start3A_50 = tpu.memref_slice %dma_start3A_49[%mul3A_2] : memref<16384xf32, #tpu.memory_space<hbm>> -> memref<512xf32, #tpu.memory_space<hbm>>
      %dma_start3A_51 = arith.constant 11776 : i32
      %dma_start3A_52 = tpu.memref_slice %arg7[%dma_start3A_51] : memref<16384xf32, #tpu.memory_space<vmem>> -> memref<512xf32, #tpu.memory_space<vmem>>
      tpu.enqueue_dma source(%dma_start3A_52 : memref<512xf32, #tpu.memory_space<vmem>>) target(%dma_start3A_50 : memref<512xf32, #tpu.memory_space<hbm>>) target_semaphore(%run_scoped3A_40 : memref<!tpu.dma_semaphore, #tpu.memory_space<semaphore_mem>>)
      %dma_wait3A_53 = arith.constant 11776 : i32
      %dma_wait3A_54 = tpu.memref_slice %arg7[%dma_wait3A_53] : memref<16384xf32, #tpu.memory_space<vmem>> -> memref<512xf32, #tpu.memory_space<vmem>>
      %dma_wait3A_55 = arith.constant 0 : i32
      %dma_wait3A_56 = tpu.memref_slice %arg4[%run_scoped3A_31, %dma_wait3A_55] : memref<32x16384xf32, #tpu.memory_space<hbm>> -> memref<1x16384xf32, #tpu.memory_space<hbm>>
      %dma_wait3A_57 = tpu.memref_squeeze %dma_wait3A_56 : memref<1x16384xf32, #tpu.memory_space<hbm>> -> memref<16384xf32, #tpu.memory_space<hbm>>
      %dma_wait3A_58 = tpu.memref_slice %dma_wait3A_57[%mul3A_2] : memref<16384xf32, #tpu.memory_space<hbm>> -> memref<512xf32, #tpu.memory_space<hbm>>
      %dma_wait3A_59 = arith.constant 0 : i32
      %dma_wait3A_60 = tpu.memref_slice %arg4[%run_scoped3A_31, %dma_wait3A_59] : memref<32x16384xf32, #tpu.memory_space<hbm>> -> memref<1x16384xf32, #tpu.memory_space<hbm>>
      %dma_wait3A_61 = tpu.memref_squeeze %dma_wait3A_60 : memref<1x16384xf32, #tpu.memory_space<hbm>> -> memref<16384xf32, #tpu.memory_space<hbm>>
      %dma_wait3A_62 = tpu.memref_slice %dma_wait3A_61[%mul3A_2] : memref<16384xf32, #tpu.memory_space<hbm>> -> memref<512xf32, #tpu.memory_space<hbm>>
      %dma_wait3A_63 = arith.constant 11776 : i32
      %dma_wait3A_64 = tpu.memref_slice %arg7[%dma_wait3A_63] : memref<16384xf32, #tpu.memory_space<vmem>> -> memref<512xf32, #tpu.memory_space<vmem>>
      tpu.wait_dma2 semaphore(%run_scoped3A_40 : memref<!tpu.dma_semaphore, #tpu.memory_space<semaphore_mem>>) src(%dma_wait3A_64 : memref<512xf32, #tpu.memory_space<vmem>>) dst(%dma_wait3A_62 : memref<512xf32, #tpu.memory_space<hbm>>)
      tpu.yield
    }) : () -> ()
    %run_scoped3A_32 = arith.constant 24 : i32
    "tpu.region"() ({
      %run_scoped3A_40 = tpu.sem_alloc : memref<!tpu.dma_semaphore, #tpu.memory_space<semaphore_mem>>
      %dma_start3A_41 = arith.constant 12288 : i32
      %dma_start3A_42 = tpu.memref_slice %arg7[%dma_start3A_41] : memref<16384xf32, #tpu.memory_space<vmem>> -> memref<512xf32, #tpu.memory_space<vmem>>
      %dma_start3A_43 = arith.constant 0 : i32
      %dma_start3A_44 = tpu.memref_slice %arg4[%run_scoped3A_32, %dma_start3A_43] : memref<32x16384xf32, #tpu.memory_space<hbm>> -> memref<1x16384xf32, #tpu.memory_space<hbm>>
      %dma_start3A_45 = tpu.memref_squeeze %dma_start3A_44 : memref<1x16384xf32, #tpu.memory_space<hbm>> -> memref<16384xf32, #tpu.memory_space<hbm>>
      %dma_start3A_46 = tpu.memref_slice %dma_start3A_45[%mul3A_2] : memref<16384xf32, #tpu.memory_space<hbm>> -> memref<512xf32, #tpu.memory_space<hbm>>
      %dma_start3A_47 = arith.constant 0 : i32
      %dma_start3A_48 = tpu.memref_slice %arg4[%run_scoped3A_32, %dma_start3A_47] : memref<32x16384xf32, #tpu.memory_space<hbm>> -> memref<1x16384xf32, #tpu.memory_space<hbm>>
      %dma_start3A_49 = tpu.memref_squeeze %dma_start3A_48 : memref<1x16384xf32, #tpu.memory_space<hbm>> -> memref<16384xf32, #tpu.memory_space<hbm>>
      %dma_start3A_50 = tpu.memref_slice %dma_start3A_49[%mul3A_2] : memref<16384xf32, #tpu.memory_space<hbm>> -> memref<512xf32, #tpu.memory_space<hbm>>
      %dma_start3A_51 = arith.constant 12288 : i32
      %dma_start3A_52 = tpu.memref_slice %arg7[%dma_start3A_51] : memref<16384xf32, #tpu.memory_space<vmem>> -> memref<512xf32, #tpu.memory_space<vmem>>
      tpu.enqueue_dma source(%dma_start3A_52 : memref<512xf32, #tpu.memory_space<vmem>>) target(%dma_start3A_50 : memref<512xf32, #tpu.memory_space<hbm>>) target_semaphore(%run_scoped3A_40 : memref<!tpu.dma_semaphore, #tpu.memory_space<semaphore_mem>>)
      %dma_wait3A_53 = arith.constant 12288 : i32
      %dma_wait3A_54 = tpu.memref_slice %arg7[%dma_wait3A_53] : memref<16384xf32, #tpu.memory_space<vmem>> -> memref<512xf32, #tpu.memory_space<vmem>>
      %dma_wait3A_55 = arith.constant 0 : i32
      %dma_wait3A_56 = tpu.memref_slice %arg4[%run_scoped3A_32, %dma_wait3A_55] : memref<32x16384xf32, #tpu.memory_space<hbm>> -> memref<1x16384xf32, #tpu.memory_space<hbm>>
      %dma_wait3A_57 = tpu.memref_squeeze %dma_wait3A_56 : memref<1x16384xf32, #tpu.memory_space<hbm>> -> memref<16384xf32, #tpu.memory_space<hbm>>
      %dma_wait3A_58 = tpu.memref_slice %dma_wait3A_57[%mul3A_2] : memref<16384xf32, #tpu.memory_space<hbm>> -> memref<512xf32, #tpu.memory_space<hbm>>
      %dma_wait3A_59 = arith.constant 0 : i32
      %dma_wait3A_60 = tpu.memref_slice %arg4[%run_scoped3A_32, %dma_wait3A_59] : memref<32x16384xf32, #tpu.memory_space<hbm>> -> memref<1x16384xf32, #tpu.memory_space<hbm>>
      %dma_wait3A_61 = tpu.memref_squeeze %dma_wait3A_60 : memref<1x16384xf32, #tpu.memory_space<hbm>> -> memref<16384xf32, #tpu.memory_space<hbm>>
      %dma_wait3A_62 = tpu.memref_slice %dma_wait3A_61[%mul3A_2] : memref<16384xf32, #tpu.memory_space<hbm>> -> memref<512xf32, #tpu.memory_space<hbm>>
      %dma_wait3A_63 = arith.constant 12288 : i32
      %dma_wait3A_64 = tpu.memref_slice %arg7[%dma_wait3A_63] : memref<16384xf32, #tpu.memory_space<vmem>> -> memref<512xf32, #tpu.memory_space<vmem>>
      tpu.wait_dma2 semaphore(%run_scoped3A_40 : memref<!tpu.dma_semaphore, #tpu.memory_space<semaphore_mem>>) src(%dma_wait3A_64 : memref<512xf32, #tpu.memory_space<vmem>>) dst(%dma_wait3A_62 : memref<512xf32, #tpu.memory_space<hbm>>)
      tpu.yield
    }) : () -> ()
    %run_scoped3A_33 = arith.constant 25 : i32
    "tpu.region"() ({
      %run_scoped3A_40 = tpu.sem_alloc : memref<!tpu.dma_semaphore, #tpu.memory_space<semaphore_mem>>
      %dma_start3A_41 = arith.constant 12800 : i32
      %dma_start3A_42 = tpu.memref_slice %arg7[%dma_start3A_41] : memref<16384xf32, #tpu.memory_space<vmem>> -> memref<512xf32, #tpu.memory_space<vmem>>
      %dma_start3A_43 = arith.constant 0 : i32
      %dma_start3A_44 = tpu.memref_slice %arg4[%run_scoped3A_33, %dma_start3A_43] : memref<32x16384xf32, #tpu.memory_space<hbm>> -> memref<1x16384xf32, #tpu.memory_space<hbm>>
      %dma_start3A_45 = tpu.memref_squeeze %dma_start3A_44 : memref<1x16384xf32, #tpu.memory_space<hbm>> -> memref<16384xf32, #tpu.memory_space<hbm>>
      %dma_start3A_46 = tpu.memref_slice %dma_start3A_45[%mul3A_2] : memref<16384xf32, #tpu.memory_space<hbm>> -> memref<512xf32, #tpu.memory_space<hbm>>
      %dma_start3A_47 = arith.constant 0 : i32
      %dma_start3A_48 = tpu.memref_slice %arg4[%run_scoped3A_33, %dma_start3A_47] : memref<32x16384xf32, #tpu.memory_space<hbm>> -> memref<1x16384xf32, #tpu.memory_space<hbm>>
      %dma_start3A_49 = tpu.memref_squeeze %dma_start3A_48 : memref<1x16384xf32, #tpu.memory_space<hbm>> -> memref<16384xf32, #tpu.memory_space<hbm>>
      %dma_start3A_50 = tpu.memref_slice %dma_start3A_49[%mul3A_2] : memref<16384xf32, #tpu.memory_space<hbm>> -> memref<512xf32, #tpu.memory_space<hbm>>
      %dma_start3A_51 = arith.constant 12800 : i32
      %dma_start3A_52 = tpu.memref_slice %arg7[%dma_start3A_51] : memref<16384xf32, #tpu.memory_space<vmem>> -> memref<512xf32, #tpu.memory_space<vmem>>
      tpu.enqueue_dma source(%dma_start3A_52 : memref<512xf32, #tpu.memory_space<vmem>>) target(%dma_start3A_50 : memref<512xf32, #tpu.memory_space<hbm>>) target_semaphore(%run_scoped3A_40 : memref<!tpu.dma_semaphore, #tpu.memory_space<semaphore_mem>>)
      %dma_wait3A_53 = arith.constant 12800 : i32
      %dma_wait3A_54 = tpu.memref_slice %arg7[%dma_wait3A_53] : memref<16384xf32, #tpu.memory_space<vmem>> -> memref<512xf32, #tpu.memory_space<vmem>>
      %dma_wait3A_55 = arith.constant 0 : i32
      %dma_wait3A_56 = tpu.memref_slice %arg4[%run_scoped3A_33, %dma_wait3A_55] : memref<32x16384xf32, #tpu.memory_space<hbm>> -> memref<1x16384xf32, #tpu.memory_space<hbm>>
      %dma_wait3A_57 = tpu.memref_squeeze %dma_wait3A_56 : memref<1x16384xf32, #tpu.memory_space<hbm>> -> memref<16384xf32, #tpu.memory_space<hbm>>
      %dma_wait3A_58 = tpu.memref_slice %dma_wait3A_57[%mul3A_2] : memref<16384xf32, #tpu.memory_space<hbm>> -> memref<512xf32, #tpu.memory_space<hbm>>
      %dma_wait3A_59 = arith.constant 0 : i32
      %dma_wait3A_60 = tpu.memref_slice %arg4[%run_scoped3A_33, %dma_wait3A_59] : memref<32x16384xf32, #tpu.memory_space<hbm>> -> memref<1x16384xf32, #tpu.memory_space<hbm>>
      %dma_wait3A_61 = tpu.memref_squeeze %dma_wait3A_60 : memref<1x16384xf32, #tpu.memory_space<hbm>> -> memref<16384xf32, #tpu.memory_space<hbm>>
      %dma_wait3A_62 = tpu.memref_slice %dma_wait3A_61[%mul3A_2] : memref<16384xf32, #tpu.memory_space<hbm>> -> memref<512xf32, #tpu.memory_space<hbm>>
      %dma_wait3A_63 = arith.constant 12800 : i32
      %dma_wait3A_64 = tpu.memref_slice %arg7[%dma_wait3A_63] : memref<16384xf32, #tpu.memory_space<vmem>> -> memref<512xf32, #tpu.memory_space<vmem>>
      tpu.wait_dma2 semaphore(%run_scoped3A_40 : memref<!tpu.dma_semaphore, #tpu.memory_space<semaphore_mem>>) src(%dma_wait3A_64 : memref<512xf32, #tpu.memory_space<vmem>>) dst(%dma_wait3A_62 : memref<512xf32, #tpu.memory_space<hbm>>)
      tpu.yield
    }) : () -> ()
    %run_scoped3A_34 = arith.constant 26 : i32
    "tpu.region"() ({
      %run_scoped3A_40 = tpu.sem_alloc : memref<!tpu.dma_semaphore, #tpu.memory_space<semaphore_mem>>
      %dma_start3A_41 = arith.constant 13312 : i32
      %dma_start3A_42 = tpu.memref_slice %arg7[%dma_start3A_41] : memref<16384xf32, #tpu.memory_space<vmem>> -> memref<512xf32, #tpu.memory_space<vmem>>
      %dma_start3A_43 = arith.constant 0 : i32
      %dma_start3A_44 = tpu.memref_slice %arg4[%run_scoped3A_34, %dma_start3A_43] : memref<32x16384xf32, #tpu.memory_space<hbm>> -> memref<1x16384xf32, #tpu.memory_space<hbm>>
      %dma_start3A_45 = tpu.memref_squeeze %dma_start3A_44 : memref<1x16384xf32, #tpu.memory_space<hbm>> -> memref<16384xf32, #tpu.memory_space<hbm>>
      %dma_start3A_46 = tpu.memref_slice %dma_start3A_45[%mul3A_2] : memref<16384xf32, #tpu.memory_space<hbm>> -> memref<512xf32, #tpu.memory_space<hbm>>
      %dma_start3A_47 = arith.constant 0 : i32
      %dma_start3A_48 = tpu.memref_slice %arg4[%run_scoped3A_34, %dma_start3A_47] : memref<32x16384xf32, #tpu.memory_space<hbm>> -> memref<1x16384xf32, #tpu.memory_space<hbm>>
      %dma_start3A_49 = tpu.memref_squeeze %dma_start3A_48 : memref<1x16384xf32, #tpu.memory_space<hbm>> -> memref<16384xf32, #tpu.memory_space<hbm>>
      %dma_start3A_50 = tpu.memref_slice %dma_start3A_49[%mul3A_2] : memref<16384xf32, #tpu.memory_space<hbm>> -> memref<512xf32, #tpu.memory_space<hbm>>
      %dma_start3A_51 = arith.constant 13312 : i32
      %dma_start3A_52 = tpu.memref_slice %arg7[%dma_start3A_51] : memref<16384xf32, #tpu.memory_space<vmem>> -> memref<512xf32, #tpu.memory_space<vmem>>
      tpu.enqueue_dma source(%dma_start3A_52 : memref<512xf32, #tpu.memory_space<vmem>>) target(%dma_start3A_50 : memref<512xf32, #tpu.memory_space<hbm>>) target_semaphore(%run_scoped3A_40 : memref<!tpu.dma_semaphore, #tpu.memory_space<semaphore_mem>>)
      %dma_wait3A_53 = arith.constant 13312 : i32
      %dma_wait3A_54 = tpu.memref_slice %arg7[%dma_wait3A_53] : memref<16384xf32, #tpu.memory_space<vmem>> -> memref<512xf32, #tpu.memory_space<vmem>>
      %dma_wait3A_55 = arith.constant 0 : i32
      %dma_wait3A_56 = tpu.memref_slice %arg4[%run_scoped3A_34, %dma_wait3A_55] : memref<32x16384xf32, #tpu.memory_space<hbm>> -> memref<1x16384xf32, #tpu.memory_space<hbm>>
      %dma_wait3A_57 = tpu.memref_squeeze %dma_wait3A_56 : memref<1x16384xf32, #tpu.memory_space<hbm>> -> memref<16384xf32, #tpu.memory_space<hbm>>
      %dma_wait3A_58 = tpu.memref_slice %dma_wait3A_57[%mul3A_2] : memref<16384xf32, #tpu.memory_space<hbm>> -> memref<512xf32, #tpu.memory_space<hbm>>
      %dma_wait3A_59 = arith.constant 0 : i32
      %dma_wait3A_60 = tpu.memref_slice %arg4[%run_scoped3A_34, %dma_wait3A_59] : memref<32x16384xf32, #tpu.memory_space<hbm>> -> memref<1x16384xf32, #tpu.memory_space<hbm>>
      %dma_wait3A_61 = tpu.memref_squeeze %dma_wait3A_60 : memref<1x16384xf32, #tpu.memory_space<hbm>> -> memref<16384xf32, #tpu.memory_space<hbm>>
      %dma_wait3A_62 = tpu.memref_slice %dma_wait3A_61[%mul3A_2] : memref<16384xf32, #tpu.memory_space<hbm>> -> memref<512xf32, #tpu.memory_space<hbm>>
      %dma_wait3A_63 = arith.constant 13312 : i32
      %dma_wait3A_64 = tpu.memref_slice %arg7[%dma_wait3A_63] : memref<16384xf32, #tpu.memory_space<vmem>> -> memref<512xf32, #tpu.memory_space<vmem>>
      tpu.wait_dma2 semaphore(%run_scoped3A_40 : memref<!tpu.dma_semaphore, #tpu.memory_space<semaphore_mem>>) src(%dma_wait3A_64 : memref<512xf32, #tpu.memory_space<vmem>>) dst(%dma_wait3A_62 : memref<512xf32, #tpu.memory_space<hbm>>)
      tpu.yield
    }) : () -> ()
    %run_scoped3A_35 = arith.constant 27 : i32
    "tpu.region"() ({
      %run_scoped3A_40 = tpu.sem_alloc : memref<!tpu.dma_semaphore, #tpu.memory_space<semaphore_mem>>
      %dma_start3A_41 = arith.constant 13824 : i32
      %dma_start3A_42 = tpu.memref_slice %arg7[%dma_start3A_41] : memref<16384xf32, #tpu.memory_space<vmem>> -> memref<512xf32, #tpu.memory_space<vmem>>
      %dma_start3A_43 = arith.constant 0 : i32
      %dma_start3A_44 = tpu.memref_slice %arg4[%run_scoped3A_35, %dma_start3A_43] : memref<32x16384xf32, #tpu.memory_space<hbm>> -> memref<1x16384xf32, #tpu.memory_space<hbm>>
      %dma_start3A_45 = tpu.memref_squeeze %dma_start3A_44 : memref<1x16384xf32, #tpu.memory_space<hbm>> -> memref<16384xf32, #tpu.memory_space<hbm>>
      %dma_start3A_46 = tpu.memref_slice %dma_start3A_45[%mul3A_2] : memref<16384xf32, #tpu.memory_space<hbm>> -> memref<512xf32, #tpu.memory_space<hbm>>
      %dma_start3A_47 = arith.constant 0 : i32
      %dma_start3A_48 = tpu.memref_slice %arg4[%run_scoped3A_35, %dma_start3A_47] : memref<32x16384xf32, #tpu.memory_space<hbm>> -> memref<1x16384xf32, #tpu.memory_space<hbm>>
      %dma_start3A_49 = tpu.memref_squeeze %dma_start3A_48 : memref<1x16384xf32, #tpu.memory_space<hbm>> -> memref<16384xf32, #tpu.memory_space<hbm>>
      %dma_start3A_50 = tpu.memref_slice %dma_start3A_49[%mul3A_2] : memref<16384xf32, #tpu.memory_space<hbm>> -> memref<512xf32, #tpu.memory_space<hbm>>
      %dma_start3A_51 = arith.constant 13824 : i32
      %dma_start3A_52 = tpu.memref_slice %arg7[%dma_start3A_51] : memref<16384xf32, #tpu.memory_space<vmem>> -> memref<512xf32, #tpu.memory_space<vmem>>
      tpu.enqueue_dma source(%dma_start3A_52 : memref<512xf32, #tpu.memory_space<vmem>>) target(%dma_start3A_50 : memref<512xf32, #tpu.memory_space<hbm>>) target_semaphore(%run_scoped3A_40 : memref<!tpu.dma_semaphore, #tpu.memory_space<semaphore_mem>>)
      %dma_wait3A_53 = arith.constant 13824 : i32
      %dma_wait3A_54 = tpu.memref_slice %arg7[%dma_wait3A_53] : memref<16384xf32, #tpu.memory_space<vmem>> -> memref<512xf32, #tpu.memory_space<vmem>>
      %dma_wait3A_55 = arith.constant 0 : i32
      %dma_wait3A_56 = tpu.memref_slice %arg4[%run_scoped3A_35, %dma_wait3A_55] : memref<32x16384xf32, #tpu.memory_space<hbm>> -> memref<1x16384xf32, #tpu.memory_space<hbm>>
      %dma_wait3A_57 = tpu.memref_squeeze %dma_wait3A_56 : memref<1x16384xf32, #tpu.memory_space<hbm>> -> memref<16384xf32, #tpu.memory_space<hbm>>
      %dma_wait3A_58 = tpu.memref_slice %dma_wait3A_57[%mul3A_2] : memref<16384xf32, #tpu.memory_space<hbm>> -> memref<512xf32, #tpu.memory_space<hbm>>
      %dma_wait3A_59 = arith.constant 0 : i32
      %dma_wait3A_60 = tpu.memref_slice %arg4[%run_scoped3A_35, %dma_wait3A_59] : memref<32x16384xf32, #tpu.memory_space<hbm>> -> memref<1x16384xf32, #tpu.memory_space<hbm>>
      %dma_wait3A_61 = tpu.memref_squeeze %dma_wait3A_60 : memref<1x16384xf32, #tpu.memory_space<hbm>> -> memref<16384xf32, #tpu.memory_space<hbm>>
      %dma_wait3A_62 = tpu.memref_slice %dma_wait3A_61[%mul3A_2] : memref<16384xf32, #tpu.memory_space<hbm>> -> memref<512xf32, #tpu.memory_space<hbm>>
      %dma_wait3A_63 = arith.constant 13824 : i32
      %dma_wait3A_64 = tpu.memref_slice %arg7[%dma_wait3A_63] : memref<16384xf32, #tpu.memory_space<vmem>> -> memref<512xf32, #tpu.memory_space<vmem>>
      tpu.wait_dma2 semaphore(%run_scoped3A_40 : memref<!tpu.dma_semaphore, #tpu.memory_space<semaphore_mem>>) src(%dma_wait3A_64 : memref<512xf32, #tpu.memory_space<vmem>>) dst(%dma_wait3A_62 : memref<512xf32, #tpu.memory_space<hbm>>)
      tpu.yield
    }) : () -> ()
    %run_scoped3A_36 = arith.constant 28 : i32
    "tpu.region"() ({
      %run_scoped3A_40 = tpu.sem_alloc : memref<!tpu.dma_semaphore, #tpu.memory_space<semaphore_mem>>
      %dma_start3A_41 = arith.constant 14336 : i32
      %dma_start3A_42 = tpu.memref_slice %arg7[%dma_start3A_41] : memref<16384xf32, #tpu.memory_space<vmem>> -> memref<512xf32, #tpu.memory_space<vmem>>
      %dma_start3A_43 = arith.constant 0 : i32
      %dma_start3A_44 = tpu.memref_slice %arg4[%run_scoped3A_36, %dma_start3A_43] : memref<32x16384xf32, #tpu.memory_space<hbm>> -> memref<1x16384xf32, #tpu.memory_space<hbm>>
      %dma_start3A_45 = tpu.memref_squeeze %dma_start3A_44 : memref<1x16384xf32, #tpu.memory_space<hbm>> -> memref<16384xf32, #tpu.memory_space<hbm>>
      %dma_start3A_46 = tpu.memref_slice %dma_start3A_45[%mul3A_2] : memref<16384xf32, #tpu.memory_space<hbm>> -> memref<512xf32, #tpu.memory_space<hbm>>
      %dma_start3A_47 = arith.constant 0 : i32
      %dma_start3A_48 = tpu.memref_slice %arg4[%run_scoped3A_36, %dma_start3A_47] : memref<32x16384xf32, #tpu.memory_space<hbm>> -> memref<1x16384xf32, #tpu.memory_space<hbm>>
      %dma_start3A_49 = tpu.memref_squeeze %dma_start3A_48 : memref<1x16384xf32, #tpu.memory_space<hbm>> -> memref<16384xf32, #tpu.memory_space<hbm>>
      %dma_start3A_50 = tpu.memref_slice %dma_start3A_49[%mul3A_2] : memref<16384xf32, #tpu.memory_space<hbm>> -> memref<512xf32, #tpu.memory_space<hbm>>
      %dma_start3A_51 = arith.constant 14336 : i32
      %dma_start3A_52 = tpu.memref_slice %arg7[%dma_start3A_51] : memref<16384xf32, #tpu.memory_space<vmem>> -> memref<512xf32, #tpu.memory_space<vmem>>
      tpu.enqueue_dma source(%dma_start3A_52 : memref<512xf32, #tpu.memory_space<vmem>>) target(%dma_start3A_50 : memref<512xf32, #tpu.memory_space<hbm>>) target_semaphore(%run_scoped3A_40 : memref<!tpu.dma_semaphore, #tpu.memory_space<semaphore_mem>>)
      %dma_wait3A_53 = arith.constant 14336 : i32
      %dma_wait3A_54 = tpu.memref_slice %arg7[%dma_wait3A_53] : memref<16384xf32, #tpu.memory_space<vmem>> -> memref<512xf32, #tpu.memory_space<vmem>>
      %dma_wait3A_55 = arith.constant 0 : i32
      %dma_wait3A_56 = tpu.memref_slice %arg4[%run_scoped3A_36, %dma_wait3A_55] : memref<32x16384xf32, #tpu.memory_space<hbm>> -> memref<1x16384xf32, #tpu.memory_space<hbm>>
      %dma_wait3A_57 = tpu.memref_squeeze %dma_wait3A_56 : memref<1x16384xf32, #tpu.memory_space<hbm>> -> memref<16384xf32, #tpu.memory_space<hbm>>
      %dma_wait3A_58 = tpu.memref_slice %dma_wait3A_57[%mul3A_2] : memref<16384xf32, #tpu.memory_space<hbm>> -> memref<512xf32, #tpu.memory_space<hbm>>
      %dma_wait3A_59 = arith.constant 0 : i32
      %dma_wait3A_60 = tpu.memref_slice %arg4[%run_scoped3A_36, %dma_wait3A_59] : memref<32x16384xf32, #tpu.memory_space<hbm>> -> memref<1x16384xf32, #tpu.memory_space<hbm>>
      %dma_wait3A_61 = tpu.memref_squeeze %dma_wait3A_60 : memref<1x16384xf32, #tpu.memory_space<hbm>> -> memref<16384xf32, #tpu.memory_space<hbm>>
      %dma_wait3A_62 = tpu.memref_slice %dma_wait3A_61[%mul3A_2] : memref<16384xf32, #tpu.memory_space<hbm>> -> memref<512xf32, #tpu.memory_space<hbm>>
      %dma_wait3A_63 = arith.constant 14336 : i32
      %dma_wait3A_64 = tpu.memref_slice %arg7[%dma_wait3A_63] : memref<16384xf32, #tpu.memory_space<vmem>> -> memref<512xf32, #tpu.memory_space<vmem>>
      tpu.wait_dma2 semaphore(%run_scoped3A_40 : memref<!tpu.dma_semaphore, #tpu.memory_space<semaphore_mem>>) src(%dma_wait3A_64 : memref<512xf32, #tpu.memory_space<vmem>>) dst(%dma_wait3A_62 : memref<512xf32, #tpu.memory_space<hbm>>)
      tpu.yield
    }) : () -> ()
    %run_scoped3A_37 = arith.constant 29 : i32
    "tpu.region"() ({
      %run_scoped3A_40 = tpu.sem_alloc : memref<!tpu.dma_semaphore, #tpu.memory_space<semaphore_mem>>
      %dma_start3A_41 = arith.constant 14848 : i32
      %dma_start3A_42 = tpu.memref_slice %arg7[%dma_start3A_41] : memref<16384xf32, #tpu.memory_space<vmem>> -> memref<512xf32, #tpu.memory_space<vmem>>
      %dma_start3A_43 = arith.constant 0 : i32
      %dma_start3A_44 = tpu.memref_slice %arg4[%run_scoped3A_37, %dma_start3A_43] : memref<32x16384xf32, #tpu.memory_space<hbm>> -> memref<1x16384xf32, #tpu.memory_space<hbm>>
      %dma_start3A_45 = tpu.memref_squeeze %dma_start3A_44 : memref<1x16384xf32, #tpu.memory_space<hbm>> -> memref<16384xf32, #tpu.memory_space<hbm>>
      %dma_start3A_46 = tpu.memref_slice %dma_start3A_45[%mul3A_2] : memref<16384xf32, #tpu.memory_space<hbm>> -> memref<512xf32, #tpu.memory_space<hbm>>
      %dma_start3A_47 = arith.constant 0 : i32
      %dma_start3A_48 = tpu.memref_slice %arg4[%run_scoped3A_37, %dma_start3A_47] : memref<32x16384xf32, #tpu.memory_space<hbm>> -> memref<1x16384xf32, #tpu.memory_space<hbm>>
      %dma_start3A_49 = tpu.memref_squeeze %dma_start3A_48 : memref<1x16384xf32, #tpu.memory_space<hbm>> -> memref<16384xf32, #tpu.memory_space<hbm>>
      %dma_start3A_50 = tpu.memref_slice %dma_start3A_49[%mul3A_2] : memref<16384xf32, #tpu.memory_space<hbm>> -> memref<512xf32, #tpu.memory_space<hbm>>
      %dma_start3A_51 = arith.constant 14848 : i32
      %dma_start3A_52 = tpu.memref_slice %arg7[%dma_start3A_51] : memref<16384xf32, #tpu.memory_space<vmem>> -> memref<512xf32, #tpu.memory_space<vmem>>
      tpu.enqueue_dma source(%dma_start3A_52 : memref<512xf32, #tpu.memory_space<vmem>>) target(%dma_start3A_50 : memref<512xf32, #tpu.memory_space<hbm>>) target_semaphore(%run_scoped3A_40 : memref<!tpu.dma_semaphore, #tpu.memory_space<semaphore_mem>>)
      %dma_wait3A_53 = arith.constant 14848 : i32
      %dma_wait3A_54 = tpu.memref_slice %arg7[%dma_wait3A_53] : memref<16384xf32, #tpu.memory_space<vmem>> -> memref<512xf32, #tpu.memory_space<vmem>>
      %dma_wait3A_55 = arith.constant 0 : i32
      %dma_wait3A_56 = tpu.memref_slice %arg4[%run_scoped3A_37, %dma_wait3A_55] : memref<32x16384xf32, #tpu.memory_space<hbm>> -> memref<1x16384xf32, #tpu.memory_space<hbm>>
      %dma_wait3A_57 = tpu.memref_squeeze %dma_wait3A_56 : memref<1x16384xf32, #tpu.memory_space<hbm>> -> memref<16384xf32, #tpu.memory_space<hbm>>
      %dma_wait3A_58 = tpu.memref_slice %dma_wait3A_57[%mul3A_2] : memref<16384xf32, #tpu.memory_space<hbm>> -> memref<512xf32, #tpu.memory_space<hbm>>
      %dma_wait3A_59 = arith.constant 0 : i32
      %dma_wait3A_60 = tpu.memref_slice %arg4[%run_scoped3A_37, %dma_wait3A_59] : memref<32x16384xf32, #tpu.memory_space<hbm>> -> memref<1x16384xf32, #tpu.memory_space<hbm>>
      %dma_wait3A_61 = tpu.memref_squeeze %dma_wait3A_60 : memref<1x16384xf32, #tpu.memory_space<hbm>> -> memref<16384xf32, #tpu.memory_space<hbm>>
      %dma_wait3A_62 = tpu.memref_slice %dma_wait3A_61[%mul3A_2] : memref<16384xf32, #tpu.memory_space<hbm>> -> memref<512xf32, #tpu.memory_space<hbm>>
      %dma_wait3A_63 = arith.constant 14848 : i32
      %dma_wait3A_64 = tpu.memref_slice %arg7[%dma_wait3A_63] : memref<16384xf32, #tpu.memory_space<vmem>> -> memref<512xf32, #tpu.memory_space<vmem>>
      tpu.wait_dma2 semaphore(%run_scoped3A_40 : memref<!tpu.dma_semaphore, #tpu.memory_space<semaphore_mem>>) src(%dma_wait3A_64 : memref<512xf32, #tpu.memory_space<vmem>>) dst(%dma_wait3A_62 : memref<512xf32, #tpu.memory_space<hbm>>)
      tpu.yield
    }) : () -> ()
    %run_scoped3A_38 = arith.constant 30 : i32
    "tpu.region"() ({
      %run_scoped3A_40 = tpu.sem_alloc : memref<!tpu.dma_semaphore, #tpu.memory_space<semaphore_mem>>
      %dma_start3A_41 = arith.constant 15360 : i32
      %dma_start3A_42 = tpu.memref_slice %arg7[%dma_start3A_41] : memref<16384xf32, #tpu.memory_space<vmem>> -> memref<512xf32, #tpu.memory_space<vmem>>
      %dma_start3A_43 = arith.constant 0 : i32
      %dma_start3A_44 = tpu.memref_slice %arg4[%run_scoped3A_38, %dma_start3A_43] : memref<32x16384xf32, #tpu.memory_space<hbm>> -> memref<1x16384xf32, #tpu.memory_space<hbm>>
      %dma_start3A_45 = tpu.memref_squeeze %dma_start3A_44 : memref<1x16384xf32, #tpu.memory_space<hbm>> -> memref<16384xf32, #tpu.memory_space<hbm>>
      %dma_start3A_46 = tpu.memref_slice %dma_start3A_45[%mul3A_2] : memref<16384xf32, #tpu.memory_space<hbm>> -> memref<512xf32, #tpu.memory_space<hbm>>
      %dma_start3A_47 = arith.constant 0 : i32
      %dma_start3A_48 = tpu.memref_slice %arg4[%run_scoped3A_38, %dma_start3A_47] : memref<32x16384xf32, #tpu.memory_space<hbm>> -> memref<1x16384xf32, #tpu.memory_space<hbm>>
      %dma_start3A_49 = tpu.memref_squeeze %dma_start3A_48 : memref<1x16384xf32, #tpu.memory_space<hbm>> -> memref<16384xf32, #tpu.memory_space<hbm>>
      %dma_start3A_50 = tpu.memref_slice %dma_start3A_49[%mul3A_2] : memref<16384xf32, #tpu.memory_space<hbm>> -> memref<512xf32, #tpu.memory_space<hbm>>
      %dma_start3A_51 = arith.constant 15360 : i32
      %dma_start3A_52 = tpu.memref_slice %arg7[%dma_start3A_51] : memref<16384xf32, #tpu.memory_space<vmem>> -> memref<512xf32, #tpu.memory_space<vmem>>
      tpu.enqueue_dma source(%dma_start3A_52 : memref<512xf32, #tpu.memory_space<vmem>>) target(%dma_start3A_50 : memref<512xf32, #tpu.memory_space<hbm>>) target_semaphore(%run_scoped3A_40 : memref<!tpu.dma_semaphore, #tpu.memory_space<semaphore_mem>>)
      %dma_wait3A_53 = arith.constant 15360 : i32
      %dma_wait3A_54 = tpu.memref_slice %arg7[%dma_wait3A_53] : memref<16384xf32, #tpu.memory_space<vmem>> -> memref<512xf32, #tpu.memory_space<vmem>>
      %dma_wait3A_55 = arith.constant 0 : i32
      %dma_wait3A_56 = tpu.memref_slice %arg4[%run_scoped3A_38, %dma_wait3A_55] : memref<32x16384xf32, #tpu.memory_space<hbm>> -> memref<1x16384xf32, #tpu.memory_space<hbm>>
      %dma_wait3A_57 = tpu.memref_squeeze %dma_wait3A_56 : memref<1x16384xf32, #tpu.memory_space<hbm>> -> memref<16384xf32, #tpu.memory_space<hbm>>
      %dma_wait3A_58 = tpu.memref_slice %dma_wait3A_57[%mul3A_2] : memref<16384xf32, #tpu.memory_space<hbm>> -> memref<512xf32, #tpu.memory_space<hbm>>
      %dma_wait3A_59 = arith.constant 0 : i32
      %dma_wait3A_60 = tpu.memref_slice %arg4[%run_scoped3A_38, %dma_wait3A_59] : memref<32x16384xf32, #tpu.memory_space<hbm>> -> memref<1x16384xf32, #tpu.memory_space<hbm>>
      %dma_wait3A_61 = tpu.memref_squeeze %dma_wait3A_60 : memref<1x16384xf32, #tpu.memory_space<hbm>> -> memref<16384xf32, #tpu.memory_space<hbm>>
      %dma_wait3A_62 = tpu.memref_slice %dma_wait3A_61[%mul3A_2] : memref<16384xf32, #tpu.memory_space<hbm>> -> memref<512xf32, #tpu.memory_space<hbm>>
      %dma_wait3A_63 = arith.constant 15360 : i32
      %dma_wait3A_64 = tpu.memref_slice %arg7[%dma_wait3A_63] : memref<16384xf32, #tpu.memory_space<vmem>> -> memref<512xf32, #tpu.memory_space<vmem>>
      tpu.wait_dma2 semaphore(%run_scoped3A_40 : memref<!tpu.dma_semaphore, #tpu.memory_space<semaphore_mem>>) src(%dma_wait3A_64 : memref<512xf32, #tpu.memory_space<vmem>>) dst(%dma_wait3A_62 : memref<512xf32, #tpu.memory_space<hbm>>)
      tpu.yield
    }) : () -> ()
    %run_scoped3A_39 = arith.constant 31 : i32
    "tpu.region"() ({
      %run_scoped3A_40 = tpu.sem_alloc : memref<!tpu.dma_semaphore, #tpu.memory_space<semaphore_mem>>
      %dma_start3A_41 = arith.constant 15872 : i32
      %dma_start3A_42 = tpu.memref_slice %arg7[%dma_start3A_41] : memref<16384xf32, #tpu.memory_space<vmem>> -> memref<512xf32, #tpu.memory_space<vmem>>
      %dma_start3A_43 = arith.constant 0 : i32
      %dma_start3A_44 = tpu.memref_slice %arg4[%run_scoped3A_39, %dma_start3A_43] : memref<32x16384xf32, #tpu.memory_space<hbm>> -> memref<1x16384xf32, #tpu.memory_space<hbm>>
      %dma_start3A_45 = tpu.memref_squeeze %dma_start3A_44 : memref<1x16384xf32, #tpu.memory_space<hbm>> -> memref<16384xf32, #tpu.memory_space<hbm>>
      %dma_start3A_46 = tpu.memref_slice %dma_start3A_45[%mul3A_2] : memref<16384xf32, #tpu.memory_space<hbm>> -> memref<512xf32, #tpu.memory_space<hbm>>
      %dma_start3A_47 = arith.constant 0 : i32
      %dma_start3A_48 = tpu.memref_slice %arg4[%run_scoped3A_39, %dma_start3A_47] : memref<32x16384xf32, #tpu.memory_space<hbm>> -> memref<1x16384xf32, #tpu.memory_space<hbm>>
      %dma_start3A_49 = tpu.memref_squeeze %dma_start3A_48 : memref<1x16384xf32, #tpu.memory_space<hbm>> -> memref<16384xf32, #tpu.memory_space<hbm>>
      %dma_start3A_50 = tpu.memref_slice %dma_start3A_49[%mul3A_2] : memref<16384xf32, #tpu.memory_space<hbm>> -> memref<512xf32, #tpu.memory_space<hbm>>
      %dma_start3A_51 = arith.constant 15872 : i32
      %dma_start3A_52 = tpu.memref_slice %arg7[%dma_start3A_51] : memref<16384xf32, #tpu.memory_space<vmem>> -> memref<512xf32, #tpu.memory_space<vmem>>
      tpu.enqueue_dma source(%dma_start3A_52 : memref<512xf32, #tpu.memory_space<vmem>>) target(%dma_start3A_50 : memref<512xf32, #tpu.memory_space<hbm>>) target_semaphore(%run_scoped3A_40 : memref<!tpu.dma_semaphore, #tpu.memory_space<semaphore_mem>>)
      %dma_wait3A_53 = arith.constant 15872 : i32
      %dma_wait3A_54 = tpu.memref_slice %arg7[%dma_wait3A_53] : memref<16384xf32, #tpu.memory_space<vmem>> -> memref<512xf32, #tpu.memory_space<vmem>>
      %dma_wait3A_55 = arith.constant 0 : i32
      %dma_wait3A_56 = tpu.memref_slice %arg4[%run_scoped3A_39, %dma_wait3A_55] : memref<32x16384xf32, #tpu.memory_space<hbm>> -> memref<1x16384xf32, #tpu.memory_space<hbm>>
      %dma_wait3A_57 = tpu.memref_squeeze %dma_wait3A_56 : memref<1x16384xf32, #tpu.memory_space<hbm>> -> memref<16384xf32, #tpu.memory_space<hbm>>
      %dma_wait3A_58 = tpu.memref_slice %dma_wait3A_57[%mul3A_2] : memref<16384xf32, #tpu.memory_space<hbm>> -> memref<512xf32, #tpu.memory_space<hbm>>
      %dma_wait3A_59 = arith.constant 0 : i32
      %dma_wait3A_60 = tpu.memref_slice %arg4[%run_scoped3A_39, %dma_wait3A_59] : memref<32x16384xf32, #tpu.memory_space<hbm>> -> memref<1x16384xf32, #tpu.memory_space<hbm>>
      %dma_wait3A_61 = tpu.memref_squeeze %dma_wait3A_60 : memref<1x16384xf32, #tpu.memory_space<hbm>> -> memref<16384xf32, #tpu.memory_space<hbm>>
      %dma_wait3A_62 = tpu.memref_slice %dma_wait3A_61[%mul3A_2] : memref<16384xf32, #tpu.memory_space<hbm>> -> memref<512xf32, #tpu.memory_space<hbm>>
      %dma_wait3A_63 = arith.constant 15872 : i32
      %dma_wait3A_64 = tpu.memref_slice %arg7[%dma_wait3A_63] : memref<16384xf32, #tpu.memory_space<vmem>> -> memref<512xf32, #tpu.memory_space<vmem>>
      tpu.wait_dma2 semaphore(%run_scoped3A_40 : memref<!tpu.dma_semaphore, #tpu.memory_space<semaphore_mem>>) src(%dma_wait3A_64 : memref<512xf32, #tpu.memory_space<vmem>>) dst(%dma_wait3A_62 : memref<512xf32, #tpu.memory_space<hbm>>)
      tpu.yield
    }) : () -> ()
    return
  }
}

#map = affine_map<(d0, d1) -> (0, 0)>
#map1 = affine_map<(d0, d1) -> (0, 0, 0)>
module attributes {stable_mosaic.version = 14 : i64} {
  func.func @k1(%arg0: i32, %arg1: i32, %arg2: memref<32x1000000xf32, #tpu.memory_space<hbm>>, %arg3: memref<16x128xf32, #tpu.memory_space<hbm>>, %arg4: memref<7813x32x128xf32, #tpu.memory_space<hbm>>, %arg5: memref<2x32x512xf32, #tpu.memory_space<vmem>>, %arg6: memref<!tpu.dma_semaphore, #tpu.memory_space<semaphore_mem>>, %arg7: memref<!tpu.dma_semaphore, #tpu.memory_space<semaphore_mem>>, %arg8: memref<!tpu.dma_semaphore, #tpu.memory_space<semaphore_mem>>) attributes {dimension_semantics = [#tpu.dimension_semantics<core_parallel>, #tpu.dimension_semantics<subcore_parallel>], iteration_bounds = array<i64: 2, 16>, scalar_prefetch = 0 : i64, scratch_operands = 4 : i64, tpu.core_type = #tpu.core_type<sc_vector_subcore>, window_params = [{transform_indices = #map}, {transform_indices = #map}, {transform_indices = #map1}]} {
    %mul3A = arith.constant 2 : i32
    %mul3A_0 = arith.muli %arg1, %mul3A : i32
    %add3A = arith.addi %mul3A_0, %arg0 : i32
    %mul3A_1 = arith.constant 244 : i32
    %mul3A_2 = arith.muli %add3A, %mul3A_1 : i32
    %min3A = arith.constant 4 : i32
    %min3A_3 = arith.minsi %add3A, %min3A : i32
    %add3A_4 = arith.addi %mul3A_2, %min3A_3 : i32
    %add3A_5 = arith.constant 0 : i32
    %add3A_6 = arith.addi %add3A_4, %add3A_5 : i32
    %mul3A_7 = arith.constant 128 : i32
    %mul3A_8 = arith.muli %add3A_6, %mul3A_7 : i32
    %dma_start3A = arith.constant 0 : i32
    %dma_start3A_9 = arith.constant 0 : i32
    %dma_start3A_10 = arith.constant 0 : i32
    %dma_start3A_11 = tpu.memref_slice %arg5[%dma_start3A, %dma_start3A_9, %dma_start3A_10] : memref<2x32x512xf32, #tpu.memory_space<vmem>> -> memref<1x32x512xf32, #tpu.memory_space<vmem>>
    %dma_start3A_12 = tpu.memref_squeeze %dma_start3A_11 : memref<1x32x512xf32, #tpu.memory_space<vmem>> -> memref<32x512xf32, #tpu.memory_space<vmem>>
    %dma_start3A_13 = arith.constant 0 : i32
    %dma_start3A_14 = tpu.memref_slice %arg2[%dma_start3A_13, %mul3A_8] : memref<32x1000000xf32, #tpu.memory_space<hbm>> -> memref<32x512xf32, #tpu.memory_space<hbm>>
    %dma_start3A_15 = arith.constant 0 : i32
    %dma_start3A_16 = arith.constant 0 : i32
    %dma_start3A_17 = tpu.memref_slice %arg5[%dma_start3A, %dma_start3A_15, %dma_start3A_16] : memref<2x32x512xf32, #tpu.memory_space<vmem>> -> memref<1x32x512xf32, #tpu.memory_space<vmem>>
    %dma_start3A_18 = tpu.memref_squeeze %dma_start3A_17 : memref<1x32x512xf32, #tpu.memory_space<vmem>> -> memref<32x512xf32, #tpu.memory_space<vmem>>
    %dma_start3A_19 = arith.constant 0 : i32
    %dma_start3A_20 = tpu.memref_slice %arg2[%dma_start3A_19, %mul3A_8] : memref<32x1000000xf32, #tpu.memory_space<hbm>> -> memref<32x512xf32, #tpu.memory_space<hbm>>
    tpu.enqueue_dma source(%dma_start3A_20 : memref<32x512xf32, #tpu.memory_space<hbm>>) target(%dma_start3A_18 : memref<32x512xf32, #tpu.memory_space<vmem>>) target_semaphore(%arg6 : memref<!tpu.dma_semaphore, #tpu.memory_space<semaphore_mem>>)
    %scan3A = arith.constant 0 : i32
    %scan3A_21 = arith.constant 61 : i32
    %scan3A_22 = arith.addi %scan3A, %scan3A_21 : i32
    %scan3A_23 = arith.constant 1 : i32
    scf.for %scan3A_126 = %scan3A to %scan3A_22 step %scan3A_23  : i32 {
      %and3A = arith.constant 1 : i32
      %and3A_127 = arith.andi %scan3A_126, %and3A : i32
      %ge3A = arith.constant 1 : i32
      %ge3A_128 = arith.cmpi sge, %scan3A_126, %ge3A : i32
      %convert_element_type3A_129 = arith.extui %ge3A_128 : i1 to i32
      %cond3A_130 = arith.constant 0 : i32
      %cond3A_131 = arith.cmpi ne, %convert_element_type3A_129, %cond3A_130 : i32
      scf.if %cond3A_131 {
        %dma_wait3A_257 = arith.constant 0 : i32
        %dma_wait3A_258 = arith.constant 0 : i32
        %dma_wait3A_259 = arith.constant 0 : i32
        %dma_wait3A_260 = arith.constant 0 : i32
        %dma_wait3A_261 = tpu.memref_slice %arg5[%dma_wait3A_257, %dma_wait3A_259, %dma_wait3A_260] : memref<2x32x512xf32, #tpu.memory_space<vmem>> -> memref<1x32x512xf32, #tpu.memory_space<vmem>>
        %dma_wait3A_262 = tpu.memref_squeeze %dma_wait3A_261 : memref<1x32x512xf32, #tpu.memory_space<vmem>> -> memref<32x512xf32, #tpu.memory_space<vmem>>
        %dma_wait3A_263 = arith.constant 0 : i32
        %dma_wait3A_264 = arith.constant 0 : i32
        %dma_wait3A_265 = tpu.memref_slice %dma_wait3A_262[%dma_wait3A_263, %dma_wait3A_264] : memref<32x512xf32, #tpu.memory_space<vmem>> -> memref<32x128xf32, #tpu.memory_space<vmem>>
        %dma_wait3A_266 = arith.constant 0 : i32
        %dma_wait3A_267 = arith.constant 0 : i32
        %dma_wait3A_268 = tpu.memref_slice %arg4[%dma_wait3A_258, %dma_wait3A_266, %dma_wait3A_267] : memref<7813x32x128xf32, #tpu.memory_space<hbm>> -> memref<1x32x128xf32, #tpu.memory_space<hbm>>
        %dma_wait3A_269 = tpu.memref_squeeze %dma_wait3A_268 : memref<1x32x128xf32, #tpu.memory_space<hbm>> -> memref<32x128xf32, #tpu.memory_space<hbm>>
        %dma_wait3A_270 = arith.constant 0 : i32
        %dma_wait3A_271 = arith.constant 0 : i32
        %dma_wait3A_272 = tpu.memref_slice %arg4[%dma_wait3A_258, %dma_wait3A_270, %dma_wait3A_271] : memref<7813x32x128xf32, #tpu.memory_space<hbm>> -> memref<1x32x128xf32, #tpu.memory_space<hbm>>
        %dma_wait3A_273 = tpu.memref_squeeze %dma_wait3A_272 : memref<1x32x128xf32, #tpu.memory_space<hbm>> -> memref<32x128xf32, #tpu.memory_space<hbm>>
        %dma_wait3A_274 = arith.constant 0 : i32
        %dma_wait3A_275 = arith.constant 0 : i32
        %dma_wait3A_276 = tpu.memref_slice %arg5[%dma_wait3A_257, %dma_wait3A_274, %dma_wait3A_275] : memref<2x32x512xf32, #tpu.memory_space<vmem>> -> memref<1x32x512xf32, #tpu.memory_space<vmem>>
        %dma_wait3A_277 = tpu.memref_squeeze %dma_wait3A_276 : memref<1x32x512xf32, #tpu.memory_space<vmem>> -> memref<32x512xf32, #tpu.memory_space<vmem>>
        %dma_wait3A_278 = arith.constant 0 : i32
        %dma_wait3A_279 = arith.constant 0 : i32
        %dma_wait3A_280 = tpu.memref_slice %dma_wait3A_277[%dma_wait3A_278, %dma_wait3A_279] : memref<32x512xf32, #tpu.memory_space<vmem>> -> memref<32x128xf32, #tpu.memory_space<vmem>>
        tpu.wait_dma2 semaphore(%arg8 : memref<!tpu.dma_semaphore, #tpu.memory_space<semaphore_mem>>) src(%dma_wait3A_280 : memref<32x128xf32, #tpu.memory_space<vmem>>) dst(%dma_wait3A_273 : memref<32x128xf32, #tpu.memory_space<hbm>>)
        %dma_wait3A_281 = arith.constant 0 : i32
        %dma_wait3A_282 = arith.constant 0 : i32
        %dma_wait3A_283 = arith.constant 0 : i32
        %dma_wait3A_284 = arith.constant 0 : i32
        %dma_wait3A_285 = tpu.memref_slice %arg5[%dma_wait3A_281, %dma_wait3A_283, %dma_wait3A_284] : memref<2x32x512xf32, #tpu.memory_space<vmem>> -> memref<1x32x512xf32, #tpu.memory_space<vmem>>
        %dma_wait3A_286 = tpu.memref_squeeze %dma_wait3A_285 : memref<1x32x512xf32, #tpu.memory_space<vmem>> -> memref<32x512xf32, #tpu.memory_space<vmem>>
        %dma_wait3A_287 = arith.constant 0 : i32
        %dma_wait3A_288 = arith.constant 0 : i32
        %dma_wait3A_289 = tpu.memref_slice %dma_wait3A_286[%dma_wait3A_287, %dma_wait3A_288] : memref<32x512xf32, #tpu.memory_space<vmem>> -> memref<32x128xf32, #tpu.memory_space<vmem>>
        %dma_wait3A_290 = arith.constant 0 : i32
        %dma_wait3A_291 = arith.constant 0 : i32
        %dma_wait3A_292 = tpu.memref_slice %arg4[%dma_wait3A_282, %dma_wait3A_290, %dma_wait3A_291] : memref<7813x32x128xf32, #tpu.memory_space<hbm>> -> memref<1x32x128xf32, #tpu.memory_space<hbm>>
        %dma_wait3A_293 = tpu.memref_squeeze %dma_wait3A_292 : memref<1x32x128xf32, #tpu.memory_space<hbm>> -> memref<32x128xf32, #tpu.memory_space<hbm>>
        %dma_wait3A_294 = arith.constant 0 : i32
        %dma_wait3A_295 = arith.constant 0 : i32
        %dma_wait3A_296 = tpu.memref_slice %arg4[%dma_wait3A_282, %dma_wait3A_294, %dma_wait3A_295] : memref<7813x32x128xf32, #tpu.memory_space<hbm>> -> memref<1x32x128xf32, #tpu.memory_space<hbm>>
        %dma_wait3A_297 = tpu.memref_squeeze %dma_wait3A_296 : memref<1x32x128xf32, #tpu.memory_space<hbm>> -> memref<32x128xf32, #tpu.memory_space<hbm>>
        %dma_wait3A_298 = arith.constant 0 : i32
        %dma_wait3A_299 = arith.constant 0 : i32
        %dma_wait3A_300 = tpu.memref_slice %arg5[%dma_wait3A_281, %dma_wait3A_298, %dma_wait3A_299] : memref<2x32x512xf32, #tpu.memory_space<vmem>> -> memref<1x32x512xf32, #tpu.memory_space<vmem>>
        %dma_wait3A_301 = tpu.memref_squeeze %dma_wait3A_300 : memref<1x32x512xf32, #tpu.memory_space<vmem>> -> memref<32x512xf32, #tpu.memory_space<vmem>>
        %dma_wait3A_302 = arith.constant 0 : i32
        %dma_wait3A_303 = arith.constant 0 : i32
        %dma_wait3A_304 = tpu.memref_slice %dma_wait3A_301[%dma_wait3A_302, %dma_wait3A_303] : memref<32x512xf32, #tpu.memory_space<vmem>> -> memref<32x128xf32, #tpu.memory_space<vmem>>
        tpu.wait_dma2 semaphore(%arg8 : memref<!tpu.dma_semaphore, #tpu.memory_space<semaphore_mem>>) src(%dma_wait3A_304 : memref<32x128xf32, #tpu.memory_space<vmem>>) dst(%dma_wait3A_297 : memref<32x128xf32, #tpu.memory_space<hbm>>)
        %dma_wait3A_305 = arith.constant 0 : i32
        %dma_wait3A_306 = arith.constant 0 : i32
        %dma_wait3A_307 = arith.constant 0 : i32
        %dma_wait3A_308 = arith.constant 0 : i32
        %dma_wait3A_309 = tpu.memref_slice %arg5[%dma_wait3A_305, %dma_wait3A_307, %dma_wait3A_308] : memref<2x32x512xf32, #tpu.memory_space<vmem>> -> memref<1x32x512xf32, #tpu.memory_space<vmem>>
        %dma_wait3A_310 = tpu.memref_squeeze %dma_wait3A_309 : memref<1x32x512xf32, #tpu.memory_space<vmem>> -> memref<32x512xf32, #tpu.memory_space<vmem>>
        %dma_wait3A_311 = arith.constant 0 : i32
        %dma_wait3A_312 = arith.constant 0 : i32
        %dma_wait3A_313 = tpu.memref_slice %dma_wait3A_310[%dma_wait3A_311, %dma_wait3A_312] : memref<32x512xf32, #tpu.memory_space<vmem>> -> memref<32x128xf32, #tpu.memory_space<vmem>>
        %dma_wait3A_314 = arith.constant 0 : i32
        %dma_wait3A_315 = arith.constant 0 : i32
        %dma_wait3A_316 = tpu.memref_slice %arg4[%dma_wait3A_306, %dma_wait3A_314, %dma_wait3A_315] : memref<7813x32x128xf32, #tpu.memory_space<hbm>> -> memref<1x32x128xf32, #tpu.memory_space<hbm>>
        %dma_wait3A_317 = tpu.memref_squeeze %dma_wait3A_316 : memref<1x32x128xf32, #tpu.memory_space<hbm>> -> memref<32x128xf32, #tpu.memory_space<hbm>>
        %dma_wait3A_318 = arith.constant 0 : i32
        %dma_wait3A_319 = arith.constant 0 : i32
        %dma_wait3A_320 = tpu.memref_slice %arg4[%dma_wait3A_306, %dma_wait3A_318, %dma_wait3A_319] : memref<7813x32x128xf32, #tpu.memory_space<hbm>> -> memref<1x32x128xf32, #tpu.memory_space<hbm>>
        %dma_wait3A_321 = tpu.memref_squeeze %dma_wait3A_320 : memref<1x32x128xf32, #tpu.memory_space<hbm>> -> memref<32x128xf32, #tpu.memory_space<hbm>>
        %dma_wait3A_322 = arith.constant 0 : i32
        %dma_wait3A_323 = arith.constant 0 : i32
        %dma_wait3A_324 = tpu.memref_slice %arg5[%dma_wait3A_305, %dma_wait3A_322, %dma_wait3A_323] : memref<2x32x512xf32, #tpu.memory_space<vmem>> -> memref<1x32x512xf32, #tpu.memory_space<vmem>>
        %dma_wait3A_325 = tpu.memref_squeeze %dma_wait3A_324 : memref<1x32x512xf32, #tpu.memory_space<vmem>> -> memref<32x512xf32, #tpu.memory_space<vmem>>
        %dma_wait3A_326 = arith.constant 0 : i32
        %dma_wait3A_327 = arith.constant 0 : i32
        %dma_wait3A_328 = tpu.memref_slice %dma_wait3A_325[%dma_wait3A_326, %dma_wait3A_327] : memref<32x512xf32, #tpu.memory_space<vmem>> -> memref<32x128xf32, #tpu.memory_space<vmem>>
        tpu.wait_dma2 semaphore(%arg8 : memref<!tpu.dma_semaphore, #tpu.memory_space<semaphore_mem>>) src(%dma_wait3A_328 : memref<32x128xf32, #tpu.memory_space<vmem>>) dst(%dma_wait3A_321 : memref<32x128xf32, #tpu.memory_space<hbm>>)
        %dma_wait3A_329 = arith.constant 0 : i32
        %dma_wait3A_330 = arith.constant 0 : i32
        %dma_wait3A_331 = arith.constant 0 : i32
        %dma_wait3A_332 = arith.constant 0 : i32
        %dma_wait3A_333 = tpu.memref_slice %arg5[%dma_wait3A_329, %dma_wait3A_331, %dma_wait3A_332] : memref<2x32x512xf32, #tpu.memory_space<vmem>> -> memref<1x32x512xf32, #tpu.memory_space<vmem>>
        %dma_wait3A_334 = tpu.memref_squeeze %dma_wait3A_333 : memref<1x32x512xf32, #tpu.memory_space<vmem>> -> memref<32x512xf32, #tpu.memory_space<vmem>>
        %dma_wait3A_335 = arith.constant 0 : i32
        %dma_wait3A_336 = arith.constant 0 : i32
        %dma_wait3A_337 = tpu.memref_slice %dma_wait3A_334[%dma_wait3A_335, %dma_wait3A_336] : memref<32x512xf32, #tpu.memory_space<vmem>> -> memref<32x128xf32, #tpu.memory_space<vmem>>
        %dma_wait3A_338 = arith.constant 0 : i32
        %dma_wait3A_339 = arith.constant 0 : i32
        %dma_wait3A_340 = tpu.memref_slice %arg4[%dma_wait3A_330, %dma_wait3A_338, %dma_wait3A_339] : memref<7813x32x128xf32, #tpu.memory_space<hbm>> -> memref<1x32x128xf32, #tpu.memory_space<hbm>>
        %dma_wait3A_341 = tpu.memref_squeeze %dma_wait3A_340 : memref<1x32x128xf32, #tpu.memory_space<hbm>> -> memref<32x128xf32, #tpu.memory_space<hbm>>
        %dma_wait3A_342 = arith.constant 0 : i32
        %dma_wait3A_343 = arith.constant 0 : i32
        %dma_wait3A_344 = tpu.memref_slice %arg4[%dma_wait3A_330, %dma_wait3A_342, %dma_wait3A_343] : memref<7813x32x128xf32, #tpu.memory_space<hbm>> -> memref<1x32x128xf32, #tpu.memory_space<hbm>>
        %dma_wait3A_345 = tpu.memref_squeeze %dma_wait3A_344 : memref<1x32x128xf32, #tpu.memory_space<hbm>> -> memref<32x128xf32, #tpu.memory_space<hbm>>
        %dma_wait3A_346 = arith.constant 0 : i32
        %dma_wait3A_347 = arith.constant 0 : i32
        %dma_wait3A_348 = tpu.memref_slice %arg5[%dma_wait3A_329, %dma_wait3A_346, %dma_wait3A_347] : memref<2x32x512xf32, #tpu.memory_space<vmem>> -> memref<1x32x512xf32, #tpu.memory_space<vmem>>
        %dma_wait3A_349 = tpu.memref_squeeze %dma_wait3A_348 : memref<1x32x512xf32, #tpu.memory_space<vmem>> -> memref<32x512xf32, #tpu.memory_space<vmem>>
        %dma_wait3A_350 = arith.constant 0 : i32
        %dma_wait3A_351 = arith.constant 0 : i32
        %dma_wait3A_352 = tpu.memref_slice %dma_wait3A_349[%dma_wait3A_350, %dma_wait3A_351] : memref<32x512xf32, #tpu.memory_space<vmem>> -> memref<32x128xf32, #tpu.memory_space<vmem>>
        tpu.wait_dma2 semaphore(%arg8 : memref<!tpu.dma_semaphore, #tpu.memory_space<semaphore_mem>>) src(%dma_wait3A_352 : memref<32x128xf32, #tpu.memory_space<vmem>>) dst(%dma_wait3A_345 : memref<32x128xf32, #tpu.memory_space<hbm>>)
      } else {
      }
      %add3A_132 = arith.constant 1 : i32
      %add3A_133 = arith.addi %scan3A_126, %add3A_132 : i32
      %lt3A_134 = arith.constant 61 : i32
      %lt3A_135 = arith.cmpi slt, %add3A_133, %lt3A_134 : i32
      %convert_element_type3A_136 = arith.extui %lt3A_135 : i1 to i32
      %cond3A_137 = arith.constant 0 : i32
      %cond3A_138 = arith.cmpi ne, %convert_element_type3A_136, %cond3A_137 : i32
      scf.if %cond3A_138 {
        %add3A_257 = arith.constant 1 : i32
        %add3A_258 = arith.addi %scan3A_126, %add3A_257 : i32
        %sub3A = arith.constant 1 : i32
        %sub3A_259 = arith.subi %sub3A, %and3A_127 : i32
        %eq3A_260 = arith.constant 0 : i32
        %eq3A_261 = arith.cmpi eq, %sub3A_259, %eq3A_260 : i32
        %convert_element_type3A_262 = arith.extui %eq3A_261 : i1 to i32
        %cond3A_263 = arith.constant 0 : i32
        %cond3A_264 = arith.cmpi ne, %convert_element_type3A_262, %cond3A_263 : i32
        scf.if %cond3A_264 {
          %mul3A_270 = arith.constant 4 : i32
          %mul3A_271 = arith.muli %add3A_258, %mul3A_270 : i32
          %add3A_272 = arith.addi %add3A_4, %mul3A_271 : i32
          %mul3A_273 = arith.constant 128 : i32
          %mul3A_274 = arith.muli %add3A_272, %mul3A_273 : i32
          %dma_start3A_275 = arith.constant 0 : i32
          %dma_start3A_276 = arith.constant 0 : i32
          %dma_start3A_277 = tpu.memref_slice %arg5[%sub3A_259, %dma_start3A_275, %dma_start3A_276] : memref<2x32x512xf32, #tpu.memory_space<vmem>> -> memref<1x32x512xf32, #tpu.memory_space<vmem>>
          %dma_start3A_278 = tpu.memref_squeeze %dma_start3A_277 : memref<1x32x512xf32, #tpu.memory_space<vmem>> -> memref<32x512xf32, #tpu.memory_space<vmem>>
          %dma_start3A_279 = arith.constant 0 : i32
          %dma_start3A_280 = tpu.memref_slice %arg2[%dma_start3A_279, %mul3A_274] : memref<32x1000000xf32, #tpu.memory_space<hbm>> -> memref<32x512xf32, #tpu.memory_space<hbm>>
          %dma_start3A_281 = arith.constant 0 : i32
          %dma_start3A_282 = arith.constant 0 : i32
          %dma_start3A_283 = tpu.memref_slice %arg5[%sub3A_259, %dma_start3A_281, %dma_start3A_282] : memref<2x32x512xf32, #tpu.memory_space<vmem>> -> memref<1x32x512xf32, #tpu.memory_space<vmem>>
          %dma_start3A_284 = tpu.memref_squeeze %dma_start3A_283 : memref<1x32x512xf32, #tpu.memory_space<vmem>> -> memref<32x512xf32, #tpu.memory_space<vmem>>
          %dma_start3A_285 = arith.constant 0 : i32
          %dma_start3A_286 = tpu.memref_slice %arg2[%dma_start3A_285, %mul3A_274] : memref<32x1000000xf32, #tpu.memory_space<hbm>> -> memref<32x512xf32, #tpu.memory_space<hbm>>
          tpu.enqueue_dma source(%dma_start3A_286 : memref<32x512xf32, #tpu.memory_space<hbm>>) target(%dma_start3A_284 : memref<32x512xf32, #tpu.memory_space<vmem>>) target_semaphore(%arg6 : memref<!tpu.dma_semaphore, #tpu.memory_space<semaphore_mem>>)
        } else {
        }
        %eq3A_265 = arith.constant 1 : i32
        %eq3A_266 = arith.cmpi eq, %sub3A_259, %eq3A_265 : i32
        %convert_element_type3A_267 = arith.extui %eq3A_266 : i1 to i32
        %cond3A_268 = arith.constant 0 : i32
        %cond3A_269 = arith.cmpi ne, %convert_element_type3A_267, %cond3A_268 : i32
        scf.if %cond3A_269 {
          %mul3A_270 = arith.constant 4 : i32
          %mul3A_271 = arith.muli %add3A_258, %mul3A_270 : i32
          %add3A_272 = arith.addi %add3A_4, %mul3A_271 : i32
          %mul3A_273 = arith.constant 128 : i32
          %mul3A_274 = arith.muli %add3A_272, %mul3A_273 : i32
          %dma_start3A_275 = arith.constant 0 : i32
          %dma_start3A_276 = arith.constant 0 : i32
          %dma_start3A_277 = tpu.memref_slice %arg5[%sub3A_259, %dma_start3A_275, %dma_start3A_276] : memref<2x32x512xf32, #tpu.memory_space<vmem>> -> memref<1x32x512xf32, #tpu.memory_space<vmem>>
          %dma_start3A_278 = tpu.memref_squeeze %dma_start3A_277 : memref<1x32x512xf32, #tpu.memory_space<vmem>> -> memref<32x512xf32, #tpu.memory_space<vmem>>
          %dma_start3A_279 = arith.constant 0 : i32
          %dma_start3A_280 = tpu.memref_slice %arg2[%dma_start3A_279, %mul3A_274] : memref<32x1000000xf32, #tpu.memory_space<hbm>> -> memref<32x512xf32, #tpu.memory_space<hbm>>
          %dma_start3A_281 = arith.constant 0 : i32
          %dma_start3A_282 = arith.constant 0 : i32
          %dma_start3A_283 = tpu.memref_slice %arg5[%sub3A_259, %dma_start3A_281, %dma_start3A_282] : memref<2x32x512xf32, #tpu.memory_space<vmem>> -> memref<1x32x512xf32, #tpu.memory_space<vmem>>
          %dma_start3A_284 = tpu.memref_squeeze %dma_start3A_283 : memref<1x32x512xf32, #tpu.memory_space<vmem>> -> memref<32x512xf32, #tpu.memory_space<vmem>>
          %dma_start3A_285 = arith.constant 0 : i32
          %dma_start3A_286 = tpu.memref_slice %arg2[%dma_start3A_285, %mul3A_274] : memref<32x1000000xf32, #tpu.memory_space<hbm>> -> memref<32x512xf32, #tpu.memory_space<hbm>>
          tpu.enqueue_dma source(%dma_start3A_286 : memref<32x512xf32, #tpu.memory_space<hbm>>) target(%dma_start3A_284 : memref<32x512xf32, #tpu.memory_space<vmem>>) target_semaphore(%arg7 : memref<!tpu.dma_semaphore, #tpu.memory_space<semaphore_mem>>)
        } else {
        }
      } else {
      }
      %eq3A_139 = arith.constant 0 : i32
      %eq3A_140 = arith.cmpi eq, %and3A_127, %eq3A_139 : i32
      %convert_element_type3A_141 = arith.extui %eq3A_140 : i1 to i32
      %cond3A_142 = arith.constant 0 : i32
      %cond3A_143 = arith.cmpi ne, %convert_element_type3A_141, %cond3A_142 : i32
      scf.if %cond3A_143 {
        %dma_wait3A_257 = arith.constant 0 : i32
        %dma_wait3A_258 = arith.constant 0 : i32
        %dma_wait3A_259 = arith.constant 0 : i32
        %dma_wait3A_260 = tpu.memref_slice %arg5[%dma_wait3A_257, %dma_wait3A_258, %dma_wait3A_259] : memref<2x32x512xf32, #tpu.memory_space<vmem>> -> memref<1x32x512xf32, #tpu.memory_space<vmem>>
        %dma_wait3A_261 = tpu.memref_squeeze %dma_wait3A_260 : memref<1x32x512xf32, #tpu.memory_space<vmem>> -> memref<32x512xf32, #tpu.memory_space<vmem>>
        %dma_wait3A_262 = arith.constant 0 : i32
        %dma_wait3A_263 = arith.constant 0 : i32
        %dma_wait3A_264 = tpu.memref_slice %arg2[%dma_wait3A_262, %dma_wait3A_263] : memref<32x1000000xf32, #tpu.memory_space<hbm>> -> memref<32x512xf32, #tpu.memory_space<hbm>>
        %dma_wait3A_265 = arith.constant 0 : i32
        %dma_wait3A_266 = arith.constant 0 : i32
        %dma_wait3A_267 = tpu.memref_slice %arg5[%dma_wait3A_257, %dma_wait3A_265, %dma_wait3A_266] : memref<2x32x512xf32, #tpu.memory_space<vmem>> -> memref<1x32x512xf32, #tpu.memory_space<vmem>>
        %dma_wait3A_268 = tpu.memref_squeeze %dma_wait3A_267 : memref<1x32x512xf32, #tpu.memory_space<vmem>> -> memref<32x512xf32, #tpu.memory_space<vmem>>
        %dma_wait3A_269 = arith.constant 0 : i32
        %dma_wait3A_270 = arith.constant 0 : i32
        %dma_wait3A_271 = tpu.memref_slice %arg2[%dma_wait3A_269, %dma_wait3A_270] : memref<32x1000000xf32, #tpu.memory_space<hbm>> -> memref<32x512xf32, #tpu.memory_space<hbm>>
        tpu.wait_dma2 semaphore(%arg6 : memref<!tpu.dma_semaphore, #tpu.memory_space<semaphore_mem>>) src(%dma_wait3A_271 : memref<32x512xf32, #tpu.memory_space<hbm>>) dst(%dma_wait3A_268 : memref<32x512xf32, #tpu.memory_space<vmem>>)
      } else {
      }
      %eq3A_144 = arith.constant 1 : i32
      %eq3A_145 = arith.cmpi eq, %and3A_127, %eq3A_144 : i32
      %convert_element_type3A_146 = arith.extui %eq3A_145 : i1 to i32
      %cond3A_147 = arith.constant 0 : i32
      %cond3A_148 = arith.cmpi ne, %convert_element_type3A_146, %cond3A_147 : i32
      scf.if %cond3A_148 {
        %dma_wait3A_257 = arith.constant 0 : i32
        %dma_wait3A_258 = arith.constant 0 : i32
        %dma_wait3A_259 = arith.constant 0 : i32
        %dma_wait3A_260 = tpu.memref_slice %arg5[%dma_wait3A_257, %dma_wait3A_258, %dma_wait3A_259] : memref<2x32x512xf32, #tpu.memory_space<vmem>> -> memref<1x32x512xf32, #tpu.memory_space<vmem>>
        %dma_wait3A_261 = tpu.memref_squeeze %dma_wait3A_260 : memref<1x32x512xf32, #tpu.memory_space<vmem>> -> memref<32x512xf32, #tpu.memory_space<vmem>>
        %dma_wait3A_262 = arith.constant 0 : i32
        %dma_wait3A_263 = arith.constant 0 : i32
        %dma_wait3A_264 = tpu.memref_slice %arg2[%dma_wait3A_262, %dma_wait3A_263] : memref<32x1000000xf32, #tpu.memory_space<hbm>> -> memref<32x512xf32, #tpu.memory_space<hbm>>
        %dma_wait3A_265 = arith.constant 0 : i32
        %dma_wait3A_266 = arith.constant 0 : i32
        %dma_wait3A_267 = tpu.memref_slice %arg5[%dma_wait3A_257, %dma_wait3A_265, %dma_wait3A_266] : memref<2x32x512xf32, #tpu.memory_space<vmem>> -> memref<1x32x512xf32, #tpu.memory_space<vmem>>
        %dma_wait3A_268 = tpu.memref_squeeze %dma_wait3A_267 : memref<1x32x512xf32, #tpu.memory_space<vmem>> -> memref<32x512xf32, #tpu.memory_space<vmem>>
        %dma_wait3A_269 = arith.constant 0 : i32
        %dma_wait3A_270 = arith.constant 0 : i32
        %dma_wait3A_271 = tpu.memref_slice %arg2[%dma_wait3A_269, %dma_wait3A_270] : memref<32x1000000xf32, #tpu.memory_space<hbm>> -> memref<32x512xf32, #tpu.memory_space<hbm>>
        tpu.wait_dma2 semaphore(%arg7 : memref<!tpu.dma_semaphore, #tpu.memory_space<semaphore_mem>>) src(%dma_wait3A_271 : memref<32x512xf32, #tpu.memory_space<hbm>>) dst(%dma_wait3A_268 : memref<32x512xf32, #tpu.memory_space<vmem>>)
      } else {
      }
      %mul3A_149 = arith.constant 4 : i32
      %mul3A_150 = arith.muli %scan3A_126, %mul3A_149 : i32
      %add3A_151 = arith.addi %add3A_4, %mul3A_150 : i32
      %add3A_152 = arith.constant 0 : i32
      %add3A_153 = arith.addi %add3A_151, %add3A_152 : i32
      %dma_start3A_154 = arith.constant 0 : i32
      %dma_start3A_155 = arith.constant 0 : i32
      %dma_start3A_156 = tpu.memref_slice %arg5[%and3A_127, %dma_start3A_154, %dma_start3A_155] : memref<2x32x512xf32, #tpu.memory_space<vmem>> -> memref<1x32x512xf32, #tpu.memory_space<vmem>>
      %dma_start3A_157 = tpu.memref_squeeze %dma_start3A_156 : memref<1x32x512xf32, #tpu.memory_space<vmem>> -> memref<32x512xf32, #tpu.memory_space<vmem>>
      %dma_start3A_158 = arith.constant 0 : i32
      %dma_start3A_159 = arith.constant 0 : i32
      %dma_start3A_160 = tpu.memref_slice %dma_start3A_157[%dma_start3A_158, %dma_start3A_159] : memref<32x512xf32, #tpu.memory_space<vmem>> -> memref<32x128xf32, #tpu.memory_space<vmem>>
      %dma_start3A_161 = arith.constant 0 : i32
      %dma_start3A_162 = arith.constant 0 : i32
      %dma_start3A_163 = tpu.memref_slice %arg4[%add3A_153, %dma_start3A_161, %dma_start3A_162] : memref<7813x32x128xf32, #tpu.memory_space<hbm>> -> memref<1x32x128xf32, #tpu.memory_space<hbm>>
      %dma_start3A_164 = tpu.memref_squeeze %dma_start3A_163 : memref<1x32x128xf32, #tpu.memory_space<hbm>> -> memref<32x128xf32, #tpu.memory_space<hbm>>
      %dma_start3A_165 = arith.constant 0 : i32
      %dma_start3A_166 = arith.constant 0 : i32
      %dma_start3A_167 = tpu.memref_slice %arg4[%add3A_153, %dma_start3A_165, %dma_start3A_166] : memref<7813x32x128xf32, #tpu.memory_space<hbm>> -> memref<1x32x128xf32, #tpu.memory_space<hbm>>
      %dma_start3A_168 = tpu.memref_squeeze %dma_start3A_167 : memref<1x32x128xf32, #tpu.memory_space<hbm>> -> memref<32x128xf32, #tpu.memory_space<hbm>>
      %dma_start3A_169 = arith.constant 0 : i32
      %dma_start3A_170 = arith.constant 0 : i32
      %dma_start3A_171 = tpu.memref_slice %arg5[%and3A_127, %dma_start3A_169, %dma_start3A_170] : memref<2x32x512xf32, #tpu.memory_space<vmem>> -> memref<1x32x512xf32, #tpu.memory_space<vmem>>
      %dma_start3A_172 = tpu.memref_squeeze %dma_start3A_171 : memref<1x32x512xf32, #tpu.memory_space<vmem>> -> memref<32x512xf32, #tpu.memory_space<vmem>>
      %dma_start3A_173 = arith.constant 0 : i32
      %dma_start3A_174 = arith.constant 0 : i32
      %dma_start3A_175 = tpu.memref_slice %dma_start3A_172[%dma_start3A_173, %dma_start3A_174] : memref<32x512xf32, #tpu.memory_space<vmem>> -> memref<32x128xf32, #tpu.memory_space<vmem>>
      tpu.enqueue_dma source(%dma_start3A_175 : memref<32x128xf32, #tpu.memory_space<vmem>>) target(%dma_start3A_168 : memref<32x128xf32, #tpu.memory_space<hbm>>) target_semaphore(%arg8 : memref<!tpu.dma_semaphore, #tpu.memory_space<semaphore_mem>>)
      %mul3A_176 = arith.constant 4 : i32
      %mul3A_177 = arith.muli %scan3A_126, %mul3A_176 : i32
      %add3A_178 = arith.addi %add3A_4, %mul3A_177 : i32
      %add3A_179 = arith.constant 1 : i32
      %add3A_180 = arith.addi %add3A_178, %add3A_179 : i32
      %dma_start3A_181 = arith.constant 0 : i32
      %dma_start3A_182 = arith.constant 0 : i32
      %dma_start3A_183 = tpu.memref_slice %arg5[%and3A_127, %dma_start3A_181, %dma_start3A_182] : memref<2x32x512xf32, #tpu.memory_space<vmem>> -> memref<1x32x512xf32, #tpu.memory_space<vmem>>
      %dma_start3A_184 = tpu.memref_squeeze %dma_start3A_183 : memref<1x32x512xf32, #tpu.memory_space<vmem>> -> memref<32x512xf32, #tpu.memory_space<vmem>>
      %dma_start3A_185 = arith.constant 0 : i32
      %dma_start3A_186 = arith.constant 128 : i32
      %dma_start3A_187 = tpu.memref_slice %dma_start3A_184[%dma_start3A_185, %dma_start3A_186] : memref<32x512xf32, #tpu.memory_space<vmem>> -> memref<32x128xf32, #tpu.memory_space<vmem>>
      %dma_start3A_188 = arith.constant 0 : i32
      %dma_start3A_189 = arith.constant 0 : i32
      %dma_start3A_190 = tpu.memref_slice %arg4[%add3A_180, %dma_start3A_188, %dma_start3A_189] : memref<7813x32x128xf32, #tpu.memory_space<hbm>> -> memref<1x32x128xf32, #tpu.memory_space<hbm>>
      %dma_start3A_191 = tpu.memref_squeeze %dma_start3A_190 : memref<1x32x128xf32, #tpu.memory_space<hbm>> -> memref<32x128xf32, #tpu.memory_space<hbm>>
      %dma_start3A_192 = arith.constant 0 : i32
      %dma_start3A_193 = arith.constant 0 : i32
      %dma_start3A_194 = tpu.memref_slice %arg4[%add3A_180, %dma_start3A_192, %dma_start3A_193] : memref<7813x32x128xf32, #tpu.memory_space<hbm>> -> memref<1x32x128xf32, #tpu.memory_space<hbm>>
      %dma_start3A_195 = tpu.memref_squeeze %dma_start3A_194 : memref<1x32x128xf32, #tpu.memory_space<hbm>> -> memref<32x128xf32, #tpu.memory_space<hbm>>
      %dma_start3A_196 = arith.constant 0 : i32
      %dma_start3A_197 = arith.constant 0 : i32
      %dma_start3A_198 = tpu.memref_slice %arg5[%and3A_127, %dma_start3A_196, %dma_start3A_197] : memref<2x32x512xf32, #tpu.memory_space<vmem>> -> memref<1x32x512xf32, #tpu.memory_space<vmem>>
      %dma_start3A_199 = tpu.memref_squeeze %dma_start3A_198 : memref<1x32x512xf32, #tpu.memory_space<vmem>> -> memref<32x512xf32, #tpu.memory_space<vmem>>
      %dma_start3A_200 = arith.constant 0 : i32
      %dma_start3A_201 = arith.constant 128 : i32
      %dma_start3A_202 = tpu.memref_slice %dma_start3A_199[%dma_start3A_200, %dma_start3A_201] : memref<32x512xf32, #tpu.memory_space<vmem>> -> memref<32x128xf32, #tpu.memory_space<vmem>>
      tpu.enqueue_dma source(%dma_start3A_202 : memref<32x128xf32, #tpu.memory_space<vmem>>) target(%dma_start3A_195 : memref<32x128xf32, #tpu.memory_space<hbm>>) target_semaphore(%arg8 : memref<!tpu.dma_semaphore, #tpu.memory_space<semaphore_mem>>)
      %mul3A_203 = arith.constant 4 : i32
      %mul3A_204 = arith.muli %scan3A_126, %mul3A_203 : i32
      %add3A_205 = arith.addi %add3A_4, %mul3A_204 : i32
      %add3A_206 = arith.constant 2 : i32
      %add3A_207 = arith.addi %add3A_205, %add3A_206 : i32
      %dma_start3A_208 = arith.constant 0 : i32
      %dma_start3A_209 = arith.constant 0 : i32
      %dma_start3A_210 = tpu.memref_slice %arg5[%and3A_127, %dma_start3A_208, %dma_start3A_209] : memref<2x32x512xf32, #tpu.memory_space<vmem>> -> memref<1x32x512xf32, #tpu.memory_space<vmem>>
      %dma_start3A_211 = tpu.memref_squeeze %dma_start3A_210 : memref<1x32x512xf32, #tpu.memory_space<vmem>> -> memref<32x512xf32, #tpu.memory_space<vmem>>
      %dma_start3A_212 = arith.constant 0 : i32
      %dma_start3A_213 = arith.constant 256 : i32
      %dma_start3A_214 = tpu.memref_slice %dma_start3A_211[%dma_start3A_212, %dma_start3A_213] : memref<32x512xf32, #tpu.memory_space<vmem>> -> memref<32x128xf32, #tpu.memory_space<vmem>>
      %dma_start3A_215 = arith.constant 0 : i32
      %dma_start3A_216 = arith.constant 0 : i32
      %dma_start3A_217 = tpu.memref_slice %arg4[%add3A_207, %dma_start3A_215, %dma_start3A_216] : memref<7813x32x128xf32, #tpu.memory_space<hbm>> -> memref<1x32x128xf32, #tpu.memory_space<hbm>>
      %dma_start3A_218 = tpu.memref_squeeze %dma_start3A_217 : memref<1x32x128xf32, #tpu.memory_space<hbm>> -> memref<32x128xf32, #tpu.memory_space<hbm>>
      %dma_start3A_219 = arith.constant 0 : i32
      %dma_start3A_220 = arith.constant 0 : i32
      %dma_start3A_221 = tpu.memref_slice %arg4[%add3A_207, %dma_start3A_219, %dma_start3A_220] : memref<7813x32x128xf32, #tpu.memory_space<hbm>> -> memref<1x32x128xf32, #tpu.memory_space<hbm>>
      %dma_start3A_222 = tpu.memref_squeeze %dma_start3A_221 : memref<1x32x128xf32, #tpu.memory_space<hbm>> -> memref<32x128xf32, #tpu.memory_space<hbm>>
      %dma_start3A_223 = arith.constant 0 : i32
      %dma_start3A_224 = arith.constant 0 : i32
      %dma_start3A_225 = tpu.memref_slice %arg5[%and3A_127, %dma_start3A_223, %dma_start3A_224] : memref<2x32x512xf32, #tpu.memory_space<vmem>> -> memref<1x32x512xf32, #tpu.memory_space<vmem>>
      %dma_start3A_226 = tpu.memref_squeeze %dma_start3A_225 : memref<1x32x512xf32, #tpu.memory_space<vmem>> -> memref<32x512xf32, #tpu.memory_space<vmem>>
      %dma_start3A_227 = arith.constant 0 : i32
      %dma_start3A_228 = arith.constant 256 : i32
      %dma_start3A_229 = tpu.memref_slice %dma_start3A_226[%dma_start3A_227, %dma_start3A_228] : memref<32x512xf32, #tpu.memory_space<vmem>> -> memref<32x128xf32, #tpu.memory_space<vmem>>
      tpu.enqueue_dma source(%dma_start3A_229 : memref<32x128xf32, #tpu.memory_space<vmem>>) target(%dma_start3A_222 : memref<32x128xf32, #tpu.memory_space<hbm>>) target_semaphore(%arg8 : memref<!tpu.dma_semaphore, #tpu.memory_space<semaphore_mem>>)
      %mul3A_230 = arith.constant 4 : i32
      %mul3A_231 = arith.muli %scan3A_126, %mul3A_230 : i32
      %add3A_232 = arith.addi %add3A_4, %mul3A_231 : i32
      %add3A_233 = arith.constant 3 : i32
      %add3A_234 = arith.addi %add3A_232, %add3A_233 : i32
      %dma_start3A_235 = arith.constant 0 : i32
      %dma_start3A_236 = arith.constant 0 : i32
      %dma_start3A_237 = tpu.memref_slice %arg5[%and3A_127, %dma_start3A_235, %dma_start3A_236] : memref<2x32x512xf32, #tpu.memory_space<vmem>> -> memref<1x32x512xf32, #tpu.memory_space<vmem>>
      %dma_start3A_238 = tpu.memref_squeeze %dma_start3A_237 : memref<1x32x512xf32, #tpu.memory_space<vmem>> -> memref<32x512xf32, #tpu.memory_space<vmem>>
      %dma_start3A_239 = arith.constant 0 : i32
      %dma_start3A_240 = arith.constant 384 : i32
      %dma_start3A_241 = tpu.memref_slice %dma_start3A_238[%dma_start3A_239, %dma_start3A_240] : memref<32x512xf32, #tpu.memory_space<vmem>> -> memref<32x128xf32, #tpu.memory_space<vmem>>
      %dma_start3A_242 = arith.constant 0 : i32
      %dma_start3A_243 = arith.constant 0 : i32
      %dma_start3A_244 = tpu.memref_slice %arg4[%add3A_234, %dma_start3A_242, %dma_start3A_243] : memref<7813x32x128xf32, #tpu.memory_space<hbm>> -> memref<1x32x128xf32, #tpu.memory_space<hbm>>
      %dma_start3A_245 = tpu.memref_squeeze %dma_start3A_244 : memref<1x32x128xf32, #tpu.memory_space<hbm>> -> memref<32x128xf32, #tpu.memory_space<hbm>>
      %dma_start3A_246 = arith.constant 0 : i32
      %dma_start3A_247 = arith.constant 0 : i32
      %dma_start3A_248 = tpu.memref_slice %arg4[%add3A_234, %dma_start3A_246, %dma_start3A_247] : memref<7813x32x128xf32, #tpu.memory_space<hbm>> -> memref<1x32x128xf32, #tpu.memory_space<hbm>>
      %dma_start3A_249 = tpu.memref_squeeze %dma_start3A_248 : memref<1x32x128xf32, #tpu.memory_space<hbm>> -> memref<32x128xf32, #tpu.memory_space<hbm>>
      %dma_start3A_250 = arith.constant 0 : i32
      %dma_start3A_251 = arith.constant 0 : i32
      %dma_start3A_252 = tpu.memref_slice %arg5[%and3A_127, %dma_start3A_250, %dma_start3A_251] : memref<2x32x512xf32, #tpu.memory_space<vmem>> -> memref<1x32x512xf32, #tpu.memory_space<vmem>>
      %dma_start3A_253 = tpu.memref_squeeze %dma_start3A_252 : memref<1x32x512xf32, #tpu.memory_space<vmem>> -> memref<32x512xf32, #tpu.memory_space<vmem>>
      %dma_start3A_254 = arith.constant 0 : i32
      %dma_start3A_255 = arith.constant 384 : i32
      %dma_start3A_256 = tpu.memref_slice %dma_start3A_253[%dma_start3A_254, %dma_start3A_255] : memref<32x512xf32, #tpu.memory_space<vmem>> -> memref<32x128xf32, #tpu.memory_space<vmem>>
      tpu.enqueue_dma source(%dma_start3A_256 : memref<32x128xf32, #tpu.memory_space<vmem>>) target(%dma_start3A_249 : memref<32x128xf32, #tpu.memory_space<hbm>>) target_semaphore(%arg8 : memref<!tpu.dma_semaphore, #tpu.memory_space<semaphore_mem>>)
    }
    %scan3A_24 = arith.constant 61 : i32
    %dma_wait3A = arith.constant 0 : i32
    %dma_wait3A_25 = arith.constant 0 : i32
    %dma_wait3A_26 = arith.constant 0 : i32
    %dma_wait3A_27 = arith.constant 0 : i32
    %dma_wait3A_28 = tpu.memref_slice %arg5[%dma_wait3A, %dma_wait3A_26, %dma_wait3A_27] : memref<2x32x512xf32, #tpu.memory_space<vmem>> -> memref<1x32x512xf32, #tpu.memory_space<vmem>>
    %dma_wait3A_29 = tpu.memref_squeeze %dma_wait3A_28 : memref<1x32x512xf32, #tpu.memory_space<vmem>> -> memref<32x512xf32, #tpu.memory_space<vmem>>
    %dma_wait3A_30 = arith.constant 0 : i32
    %dma_wait3A_31 = arith.constant 0 : i32
    %dma_wait3A_32 = tpu.memref_slice %dma_wait3A_29[%dma_wait3A_30, %dma_wait3A_31] : memref<32x512xf32, #tpu.memory_space<vmem>> -> memref<32x128xf32, #tpu.memory_space<vmem>>
    %dma_wait3A_33 = arith.constant 0 : i32
    %dma_wait3A_34 = arith.constant 0 : i32
    %dma_wait3A_35 = tpu.memref_slice %arg4[%dma_wait3A_25, %dma_wait3A_33, %dma_wait3A_34] : memref<7813x32x128xf32, #tpu.memory_space<hbm>> -> memref<1x32x128xf32, #tpu.memory_space<hbm>>
    %dma_wait3A_36 = tpu.memref_squeeze %dma_wait3A_35 : memref<1x32x128xf32, #tpu.memory_space<hbm>> -> memref<32x128xf32, #tpu.memory_space<hbm>>
    %dma_wait3A_37 = arith.constant 0 : i32
    %dma_wait3A_38 = arith.constant 0 : i32
    %dma_wait3A_39 = tpu.memref_slice %arg4[%dma_wait3A_25, %dma_wait3A_37, %dma_wait3A_38] : memref<7813x32x128xf32, #tpu.memory_space<hbm>> -> memref<1x32x128xf32, #tpu.memory_space<hbm>>
    %dma_wait3A_40 = tpu.memref_squeeze %dma_wait3A_39 : memref<1x32x128xf32, #tpu.memory_space<hbm>> -> memref<32x128xf32, #tpu.memory_space<hbm>>
    %dma_wait3A_41 = arith.constant 0 : i32
    %dma_wait3A_42 = arith.constant 0 : i32
    %dma_wait3A_43 = tpu.memref_slice %arg5[%dma_wait3A, %dma_wait3A_41, %dma_wait3A_42] : memref<2x32x512xf32, #tpu.memory_space<vmem>> -> memref<1x32x512xf32, #tpu.memory_space<vmem>>
    %dma_wait3A_44 = tpu.memref_squeeze %dma_wait3A_43 : memref<1x32x512xf32, #tpu.memory_space<vmem>> -> memref<32x512xf32, #tpu.memory_space<vmem>>
    %dma_wait3A_45 = arith.constant 0 : i32
    %dma_wait3A_46 = arith.constant 0 : i32
    %dma_wait3A_47 = tpu.memref_slice %dma_wait3A_44[%dma_wait3A_45, %dma_wait3A_46] : memref<32x512xf32, #tpu.memory_space<vmem>> -> memref<32x128xf32, #tpu.memory_space<vmem>>
    tpu.wait_dma2 semaphore(%arg8 : memref<!tpu.dma_semaphore, #tpu.memory_space<semaphore_mem>>) src(%dma_wait3A_47 : memref<32x128xf32, #tpu.memory_space<vmem>>) dst(%dma_wait3A_40 : memref<32x128xf32, #tpu.memory_space<hbm>>)
    %dma_wait3A_48 = arith.constant 0 : i32
    %dma_wait3A_49 = arith.constant 0 : i32
    %dma_wait3A_50 = arith.constant 0 : i32
    %dma_wait3A_51 = arith.constant 0 : i32
    %dma_wait3A_52 = tpu.memref_slice %arg5[%dma_wait3A_48, %dma_wait3A_50, %dma_wait3A_51] : memref<2x32x512xf32, #tpu.memory_space<vmem>> -> memref<1x32x512xf32, #tpu.memory_space<vmem>>
    %dma_wait3A_53 = tpu.memref_squeeze %dma_wait3A_52 : memref<1x32x512xf32, #tpu.memory_space<vmem>> -> memref<32x512xf32, #tpu.memory_space<vmem>>
    %dma_wait3A_54 = arith.constant 0 : i32
    %dma_wait3A_55 = arith.constant 0 : i32
    %dma_wait3A_56 = tpu.memref_slice %dma_wait3A_53[%dma_wait3A_54, %dma_wait3A_55] : memref<32x512xf32, #tpu.memory_space<vmem>> -> memref<32x128xf32, #tpu.memory_space<vmem>>
    %dma_wait3A_57 = arith.constant 0 : i32
    %dma_wait3A_58 = arith.constant 0 : i32
    %dma_wait3A_59 = tpu.memref_slice %arg4[%dma_wait3A_49, %dma_wait3A_57, %dma_wait3A_58] : memref<7813x32x128xf32, #tpu.memory_space<hbm>> -> memref<1x32x128xf32, #tpu.memory_space<hbm>>
    %dma_wait3A_60 = tpu.memref_squeeze %dma_wait3A_59 : memref<1x32x128xf32, #tpu.memory_space<hbm>> -> memref<32x128xf32, #tpu.memory_space<hbm>>
    %dma_wait3A_61 = arith.constant 0 : i32
    %dma_wait3A_62 = arith.constant 0 : i32
    %dma_wait3A_63 = tpu.memref_slice %arg4[%dma_wait3A_49, %dma_wait3A_61, %dma_wait3A_62] : memref<7813x32x128xf32, #tpu.memory_space<hbm>> -> memref<1x32x128xf32, #tpu.memory_space<hbm>>
    %dma_wait3A_64 = tpu.memref_squeeze %dma_wait3A_63 : memref<1x32x128xf32, #tpu.memory_space<hbm>> -> memref<32x128xf32, #tpu.memory_space<hbm>>
    %dma_wait3A_65 = arith.constant 0 : i32
    %dma_wait3A_66 = arith.constant 0 : i32
    %dma_wait3A_67 = tpu.memref_slice %arg5[%dma_wait3A_48, %dma_wait3A_65, %dma_wait3A_66] : memref<2x32x512xf32, #tpu.memory_space<vmem>> -> memref<1x32x512xf32, #tpu.memory_space<vmem>>
    %dma_wait3A_68 = tpu.memref_squeeze %dma_wait3A_67 : memref<1x32x512xf32, #tpu.memory_space<vmem>> -> memref<32x512xf32, #tpu.memory_space<vmem>>
    %dma_wait3A_69 = arith.constant 0 : i32
    %dma_wait3A_70 = arith.constant 0 : i32
    %dma_wait3A_71 = tpu.memref_slice %dma_wait3A_68[%dma_wait3A_69, %dma_wait3A_70] : memref<32x512xf32, #tpu.memory_space<vmem>> -> memref<32x128xf32, #tpu.memory_space<vmem>>
    tpu.wait_dma2 semaphore(%arg8 : memref<!tpu.dma_semaphore, #tpu.memory_space<semaphore_mem>>) src(%dma_wait3A_71 : memref<32x128xf32, #tpu.memory_space<vmem>>) dst(%dma_wait3A_64 : memref<32x128xf32, #tpu.memory_space<hbm>>)
    %dma_wait3A_72 = arith.constant 0 : i32
    %dma_wait3A_73 = arith.constant 0 : i32
    %dma_wait3A_74 = arith.constant 0 : i32
    %dma_wait3A_75 = arith.constant 0 : i32
    %dma_wait3A_76 = tpu.memref_slice %arg5[%dma_wait3A_72, %dma_wait3A_74, %dma_wait3A_75] : memref<2x32x512xf32, #tpu.memory_space<vmem>> -> memref<1x32x512xf32, #tpu.memory_space<vmem>>
    %dma_wait3A_77 = tpu.memref_squeeze %dma_wait3A_76 : memref<1x32x512xf32, #tpu.memory_space<vmem>> -> memref<32x512xf32, #tpu.memory_space<vmem>>
    %dma_wait3A_78 = arith.constant 0 : i32
    %dma_wait3A_79 = arith.constant 0 : i32
    %dma_wait3A_80 = tpu.memref_slice %dma_wait3A_77[%dma_wait3A_78, %dma_wait3A_79] : memref<32x512xf32, #tpu.memory_space<vmem>> -> memref<32x128xf32, #tpu.memory_space<vmem>>
    %dma_wait3A_81 = arith.constant 0 : i32
    %dma_wait3A_82 = arith.constant 0 : i32
    %dma_wait3A_83 = tpu.memref_slice %arg4[%dma_wait3A_73, %dma_wait3A_81, %dma_wait3A_82] : memref<7813x32x128xf32, #tpu.memory_space<hbm>> -> memref<1x32x128xf32, #tpu.memory_space<hbm>>
    %dma_wait3A_84 = tpu.memref_squeeze %dma_wait3A_83 : memref<1x32x128xf32, #tpu.memory_space<hbm>> -> memref<32x128xf32, #tpu.memory_space<hbm>>
    %dma_wait3A_85 = arith.constant 0 : i32
    %dma_wait3A_86 = arith.constant 0 : i32
    %dma_wait3A_87 = tpu.memref_slice %arg4[%dma_wait3A_73, %dma_wait3A_85, %dma_wait3A_86] : memref<7813x32x128xf32, #tpu.memory_space<hbm>> -> memref<1x32x128xf32, #tpu.memory_space<hbm>>
    %dma_wait3A_88 = tpu.memref_squeeze %dma_wait3A_87 : memref<1x32x128xf32, #tpu.memory_space<hbm>> -> memref<32x128xf32, #tpu.memory_space<hbm>>
    %dma_wait3A_89 = arith.constant 0 : i32
    %dma_wait3A_90 = arith.constant 0 : i32
    %dma_wait3A_91 = tpu.memref_slice %arg5[%dma_wait3A_72, %dma_wait3A_89, %dma_wait3A_90] : memref<2x32x512xf32, #tpu.memory_space<vmem>> -> memref<1x32x512xf32, #tpu.memory_space<vmem>>
    %dma_wait3A_92 = tpu.memref_squeeze %dma_wait3A_91 : memref<1x32x512xf32, #tpu.memory_space<vmem>> -> memref<32x512xf32, #tpu.memory_space<vmem>>
    %dma_wait3A_93 = arith.constant 0 : i32
    %dma_wait3A_94 = arith.constant 0 : i32
    %dma_wait3A_95 = tpu.memref_slice %dma_wait3A_92[%dma_wait3A_93, %dma_wait3A_94] : memref<32x512xf32, #tpu.memory_space<vmem>> -> memref<32x128xf32, #tpu.memory_space<vmem>>
    tpu.wait_dma2 semaphore(%arg8 : memref<!tpu.dma_semaphore, #tpu.memory_space<semaphore_mem>>) src(%dma_wait3A_95 : memref<32x128xf32, #tpu.memory_space<vmem>>) dst(%dma_wait3A_88 : memref<32x128xf32, #tpu.memory_space<hbm>>)
    %dma_wait3A_96 = arith.constant 0 : i32
    %dma_wait3A_97 = arith.constant 0 : i32
    %dma_wait3A_98 = arith.constant 0 : i32
    %dma_wait3A_99 = arith.constant 0 : i32
    %dma_wait3A_100 = tpu.memref_slice %arg5[%dma_wait3A_96, %dma_wait3A_98, %dma_wait3A_99] : memref<2x32x512xf32, #tpu.memory_space<vmem>> -> memref<1x32x512xf32, #tpu.memory_space<vmem>>
    %dma_wait3A_101 = tpu.memref_squeeze %dma_wait3A_100 : memref<1x32x512xf32, #tpu.memory_space<vmem>> -> memref<32x512xf32, #tpu.memory_space<vmem>>
    %dma_wait3A_102 = arith.constant 0 : i32
    %dma_wait3A_103 = arith.constant 0 : i32
    %dma_wait3A_104 = tpu.memref_slice %dma_wait3A_101[%dma_wait3A_102, %dma_wait3A_103] : memref<32x512xf32, #tpu.memory_space<vmem>> -> memref<32x128xf32, #tpu.memory_space<vmem>>
    %dma_wait3A_105 = arith.constant 0 : i32
    %dma_wait3A_106 = arith.constant 0 : i32
    %dma_wait3A_107 = tpu.memref_slice %arg4[%dma_wait3A_97, %dma_wait3A_105, %dma_wait3A_106] : memref<7813x32x128xf32, #tpu.memory_space<hbm>> -> memref<1x32x128xf32, #tpu.memory_space<hbm>>
    %dma_wait3A_108 = tpu.memref_squeeze %dma_wait3A_107 : memref<1x32x128xf32, #tpu.memory_space<hbm>> -> memref<32x128xf32, #tpu.memory_space<hbm>>
    %dma_wait3A_109 = arith.constant 0 : i32
    %dma_wait3A_110 = arith.constant 0 : i32
    %dma_wait3A_111 = tpu.memref_slice %arg4[%dma_wait3A_97, %dma_wait3A_109, %dma_wait3A_110] : memref<7813x32x128xf32, #tpu.memory_space<hbm>> -> memref<1x32x128xf32, #tpu.memory_space<hbm>>
    %dma_wait3A_112 = tpu.memref_squeeze %dma_wait3A_111 : memref<1x32x128xf32, #tpu.memory_space<hbm>> -> memref<32x128xf32, #tpu.memory_space<hbm>>
    %dma_wait3A_113 = arith.constant 0 : i32
    %dma_wait3A_114 = arith.constant 0 : i32
    %dma_wait3A_115 = tpu.memref_slice %arg5[%dma_wait3A_96, %dma_wait3A_113, %dma_wait3A_114] : memref<2x32x512xf32, #tpu.memory_space<vmem>> -> memref<1x32x512xf32, #tpu.memory_space<vmem>>
    %dma_wait3A_116 = tpu.memref_squeeze %dma_wait3A_115 : memref<1x32x512xf32, #tpu.memory_space<vmem>> -> memref<32x512xf32, #tpu.memory_space<vmem>>
    %dma_wait3A_117 = arith.constant 0 : i32
    %dma_wait3A_118 = arith.constant 0 : i32
    %dma_wait3A_119 = tpu.memref_slice %dma_wait3A_116[%dma_wait3A_117, %dma_wait3A_118] : memref<32x512xf32, #tpu.memory_space<vmem>> -> memref<32x128xf32, #tpu.memory_space<vmem>>
    tpu.wait_dma2 semaphore(%arg8 : memref<!tpu.dma_semaphore, #tpu.memory_space<semaphore_mem>>) src(%dma_wait3A_119 : memref<32x128xf32, #tpu.memory_space<vmem>>) dst(%dma_wait3A_112 : memref<32x128xf32, #tpu.memory_space<hbm>>)
    %lt3A = arith.constant 4 : i32
    %lt3A_120 = arith.cmpi slt, %add3A, %lt3A : i32
    %convert_element_type3A = arith.extui %lt3A_120 : i1 to i32
    %cond3A = arith.constant 0 : i32
    %cond3A_121 = arith.cmpi ne, %convert_element_type3A, %cond3A : i32
    scf.if %cond3A_121 {
      %add3A_126 = arith.constant 244 : i32
      %add3A_127 = arith.addi %add3A_4, %add3A_126 : i32
      %mul3A_128 = arith.constant 128 : i32
      %mul3A_129 = arith.muli %add3A_127, %mul3A_128 : i32
      %run_scoped3A = arith.constant 0 : i32
      "tpu.region"() ({
        %run_scoped3A_131 = tpu.sem_alloc : memref<!tpu.dma_semaphore, #tpu.memory_space<semaphore_mem>>
        %dma_start3A_132 = arith.constant 0 : i32
        %dma_start3A_133 = arith.constant 0 : i32
        %dma_start3A_134 = tpu.memref_slice %arg5[%run_scoped3A, %dma_start3A_132, %dma_start3A_133] : memref<2x32x512xf32, #tpu.memory_space<vmem>> -> memref<1x32x512xf32, #tpu.memory_space<vmem>>
        %dma_start3A_135 = tpu.memref_squeeze %dma_start3A_134 : memref<1x32x512xf32, #tpu.memory_space<vmem>> -> memref<32x512xf32, #tpu.memory_space<vmem>>
        %dma_start3A_136 = arith.constant 0 : i32
        %dma_start3A_137 = arith.constant 0 : i32
        %dma_start3A_138 = tpu.memref_slice %dma_start3A_135[%dma_start3A_136, %dma_start3A_137] : memref<32x512xf32, #tpu.memory_space<vmem>> -> memref<32x128xf32, #tpu.memory_space<vmem>>
        %dma_start3A_139 = arith.constant 0 : i32
        %dma_start3A_140 = tpu.memref_slice %arg2[%dma_start3A_139, %mul3A_129] : memref<32x1000000xf32, #tpu.memory_space<hbm>> -> memref<32x128xf32, #tpu.memory_space<hbm>>
        %dma_start3A_141 = arith.constant 0 : i32
        %dma_start3A_142 = arith.constant 0 : i32
        %dma_start3A_143 = tpu.memref_slice %arg5[%run_scoped3A, %dma_start3A_141, %dma_start3A_142] : memref<2x32x512xf32, #tpu.memory_space<vmem>> -> memref<1x32x512xf32, #tpu.memory_space<vmem>>
        %dma_start3A_144 = tpu.memref_squeeze %dma_start3A_143 : memref<1x32x512xf32, #tpu.memory_space<vmem>> -> memref<32x512xf32, #tpu.memory_space<vmem>>
        %dma_start3A_145 = arith.constant 0 : i32
        %dma_start3A_146 = arith.constant 0 : i32
        %dma_start3A_147 = tpu.memref_slice %dma_start3A_144[%dma_start3A_145, %dma_start3A_146] : memref<32x512xf32, #tpu.memory_space<vmem>> -> memref<32x128xf32, #tpu.memory_space<vmem>>
        %dma_start3A_148 = arith.constant 0 : i32
        %dma_start3A_149 = tpu.memref_slice %arg2[%dma_start3A_148, %mul3A_129] : memref<32x1000000xf32, #tpu.memory_space<hbm>> -> memref<32x128xf32, #tpu.memory_space<hbm>>
        tpu.enqueue_dma source(%dma_start3A_149 : memref<32x128xf32, #tpu.memory_space<hbm>>) target(%dma_start3A_147 : memref<32x128xf32, #tpu.memory_space<vmem>>) target_semaphore(%run_scoped3A_131 : memref<!tpu.dma_semaphore, #tpu.memory_space<semaphore_mem>>)
        %dma_wait3A_150 = arith.constant 0 : i32
        %dma_wait3A_151 = arith.constant 0 : i32
        %dma_wait3A_152 = tpu.memref_slice %arg5[%run_scoped3A, %dma_wait3A_150, %dma_wait3A_151] : memref<2x32x512xf32, #tpu.memory_space<vmem>> -> memref<1x32x512xf32, #tpu.memory_space<vmem>>
        %dma_wait3A_153 = tpu.memref_squeeze %dma_wait3A_152 : memref<1x32x512xf32, #tpu.memory_space<vmem>> -> memref<32x512xf32, #tpu.memory_space<vmem>>
        %dma_wait3A_154 = arith.constant 0 : i32
        %dma_wait3A_155 = arith.constant 0 : i32
        %dma_wait3A_156 = tpu.memref_slice %dma_wait3A_153[%dma_wait3A_154, %dma_wait3A_155] : memref<32x512xf32, #tpu.memory_space<vmem>> -> memref<32x128xf32, #tpu.memory_space<vmem>>
        %dma_wait3A_157 = arith.constant 0 : i32
        %dma_wait3A_158 = tpu.memref_slice %arg2[%dma_wait3A_157, %mul3A_129] : memref<32x1000000xf32, #tpu.memory_space<hbm>> -> memref<32x128xf32, #tpu.memory_space<hbm>>
        %dma_wait3A_159 = arith.constant 0 : i32
        %dma_wait3A_160 = arith.constant 0 : i32
        %dma_wait3A_161 = tpu.memref_slice %arg5[%run_scoped3A, %dma_wait3A_159, %dma_wait3A_160] : memref<2x32x512xf32, #tpu.memory_space<vmem>> -> memref<1x32x512xf32, #tpu.memory_space<vmem>>
        %dma_wait3A_162 = tpu.memref_squeeze %dma_wait3A_161 : memref<1x32x512xf32, #tpu.memory_space<vmem>> -> memref<32x512xf32, #tpu.memory_space<vmem>>
        %dma_wait3A_163 = arith.constant 0 : i32
        %dma_wait3A_164 = arith.constant 0 : i32
        %dma_wait3A_165 = tpu.memref_slice %dma_wait3A_162[%dma_wait3A_163, %dma_wait3A_164] : memref<32x512xf32, #tpu.memory_space<vmem>> -> memref<32x128xf32, #tpu.memory_space<vmem>>
        %dma_wait3A_166 = arith.constant 0 : i32
        %dma_wait3A_167 = tpu.memref_slice %arg2[%dma_wait3A_166, %mul3A_129] : memref<32x1000000xf32, #tpu.memory_space<hbm>> -> memref<32x128xf32, #tpu.memory_space<hbm>>
        tpu.wait_dma2 semaphore(%run_scoped3A_131 : memref<!tpu.dma_semaphore, #tpu.memory_space<semaphore_mem>>) src(%dma_wait3A_167 : memref<32x128xf32, #tpu.memory_space<hbm>>) dst(%dma_wait3A_165 : memref<32x128xf32, #tpu.memory_space<vmem>>)
        tpu.yield
      }) : () -> ()
      %run_scoped3A_130 = arith.constant 0 : i32
      "tpu.region"() ({
        %run_scoped3A_131 = tpu.sem_alloc : memref<!tpu.dma_semaphore, #tpu.memory_space<semaphore_mem>>
        %dma_start3A_132 = arith.constant 0 : i32
        %dma_start3A_133 = arith.constant 0 : i32
        %dma_start3A_134 = tpu.memref_slice %arg5[%run_scoped3A_130, %dma_start3A_132, %dma_start3A_133] : memref<2x32x512xf32, #tpu.memory_space<vmem>> -> memref<1x32x512xf32, #tpu.memory_space<vmem>>
        %dma_start3A_135 = tpu.memref_squeeze %dma_start3A_134 : memref<1x32x512xf32, #tpu.memory_space<vmem>> -> memref<32x512xf32, #tpu.memory_space<vmem>>
        %dma_start3A_136 = arith.constant 0 : i32
        %dma_start3A_137 = arith.constant 0 : i32
        %dma_start3A_138 = tpu.memref_slice %dma_start3A_135[%dma_start3A_136, %dma_start3A_137] : memref<32x512xf32, #tpu.memory_space<vmem>> -> memref<32x128xf32, #tpu.memory_space<vmem>>
        %dma_start3A_139 = arith.constant 0 : i32
        %dma_start3A_140 = arith.constant 0 : i32
        %dma_start3A_141 = tpu.memref_slice %arg4[%add3A_127, %dma_start3A_139, %dma_start3A_140] : memref<7813x32x128xf32, #tpu.memory_space<hbm>> -> memref<1x32x128xf32, #tpu.memory_space<hbm>>
        %dma_start3A_142 = tpu.memref_squeeze %dma_start3A_141 : memref<1x32x128xf32, #tpu.memory_space<hbm>> -> memref<32x128xf32, #tpu.memory_space<hbm>>
        %dma_start3A_143 = arith.constant 0 : i32
        %dma_start3A_144 = arith.constant 0 : i32
        %dma_start3A_145 = tpu.memref_slice %arg4[%add3A_127, %dma_start3A_143, %dma_start3A_144] : memref<7813x32x128xf32, #tpu.memory_space<hbm>> -> memref<1x32x128xf32, #tpu.memory_space<hbm>>
        %dma_start3A_146 = tpu.memref_squeeze %dma_start3A_145 : memref<1x32x128xf32, #tpu.memory_space<hbm>> -> memref<32x128xf32, #tpu.memory_space<hbm>>
        %dma_start3A_147 = arith.constant 0 : i32
        %dma_start3A_148 = arith.constant 0 : i32
        %dma_start3A_149 = tpu.memref_slice %arg5[%run_scoped3A_130, %dma_start3A_147, %dma_start3A_148] : memref<2x32x512xf32, #tpu.memory_space<vmem>> -> memref<1x32x512xf32, #tpu.memory_space<vmem>>
        %dma_start3A_150 = tpu.memref_squeeze %dma_start3A_149 : memref<1x32x512xf32, #tpu.memory_space<vmem>> -> memref<32x512xf32, #tpu.memory_space<vmem>>
        %dma_start3A_151 = arith.constant 0 : i32
        %dma_start3A_152 = arith.constant 0 : i32
        %dma_start3A_153 = tpu.memref_slice %dma_start3A_150[%dma_start3A_151, %dma_start3A_152] : memref<32x512xf32, #tpu.memory_space<vmem>> -> memref<32x128xf32, #tpu.memory_space<vmem>>
        tpu.enqueue_dma source(%dma_start3A_153 : memref<32x128xf32, #tpu.memory_space<vmem>>) target(%dma_start3A_146 : memref<32x128xf32, #tpu.memory_space<hbm>>) target_semaphore(%run_scoped3A_131 : memref<!tpu.dma_semaphore, #tpu.memory_space<semaphore_mem>>)
        %dma_wait3A_154 = arith.constant 0 : i32
        %dma_wait3A_155 = arith.constant 0 : i32
        %dma_wait3A_156 = tpu.memref_slice %arg5[%run_scoped3A_130, %dma_wait3A_154, %dma_wait3A_155] : memref<2x32x512xf32, #tpu.memory_space<vmem>> -> memref<1x32x512xf32, #tpu.memory_space<vmem>>
        %dma_wait3A_157 = tpu.memref_squeeze %dma_wait3A_156 : memref<1x32x512xf32, #tpu.memory_space<vmem>> -> memref<32x512xf32, #tpu.memory_space<vmem>>
        %dma_wait3A_158 = arith.constant 0 : i32
        %dma_wait3A_159 = arith.constant 0 : i32
        %dma_wait3A_160 = tpu.memref_slice %dma_wait3A_157[%dma_wait3A_158, %dma_wait3A_159] : memref<32x512xf32, #tpu.memory_space<vmem>> -> memref<32x128xf32, #tpu.memory_space<vmem>>
        %dma_wait3A_161 = arith.constant 0 : i32
        %dma_wait3A_162 = arith.constant 0 : i32
        %dma_wait3A_163 = tpu.memref_slice %arg4[%add3A_127, %dma_wait3A_161, %dma_wait3A_162] : memref<7813x32x128xf32, #tpu.memory_space<hbm>> -> memref<1x32x128xf32, #tpu.memory_space<hbm>>
        %dma_wait3A_164 = tpu.memref_squeeze %dma_wait3A_163 : memref<1x32x128xf32, #tpu.memory_space<hbm>> -> memref<32x128xf32, #tpu.memory_space<hbm>>
        %dma_wait3A_165 = arith.constant 0 : i32
        %dma_wait3A_166 = arith.constant 0 : i32
        %dma_wait3A_167 = tpu.memref_slice %arg4[%add3A_127, %dma_wait3A_165, %dma_wait3A_166] : memref<7813x32x128xf32, #tpu.memory_space<hbm>> -> memref<1x32x128xf32, #tpu.memory_space<hbm>>
        %dma_wait3A_168 = tpu.memref_squeeze %dma_wait3A_167 : memref<1x32x128xf32, #tpu.memory_space<hbm>> -> memref<32x128xf32, #tpu.memory_space<hbm>>
        %dma_wait3A_169 = arith.constant 0 : i32
        %dma_wait3A_170 = arith.constant 0 : i32
        %dma_wait3A_171 = tpu.memref_slice %arg5[%run_scoped3A_130, %dma_wait3A_169, %dma_wait3A_170] : memref<2x32x512xf32, #tpu.memory_space<vmem>> -> memref<1x32x512xf32, #tpu.memory_space<vmem>>
        %dma_wait3A_172 = tpu.memref_squeeze %dma_wait3A_171 : memref<1x32x512xf32, #tpu.memory_space<vmem>> -> memref<32x512xf32, #tpu.memory_space<vmem>>
        %dma_wait3A_173 = arith.constant 0 : i32
        %dma_wait3A_174 = arith.constant 0 : i32
        %dma_wait3A_175 = tpu.memref_slice %dma_wait3A_172[%dma_wait3A_173, %dma_wait3A_174] : memref<32x512xf32, #tpu.memory_space<vmem>> -> memref<32x128xf32, #tpu.memory_space<vmem>>
        tpu.wait_dma2 semaphore(%run_scoped3A_131 : memref<!tpu.dma_semaphore, #tpu.memory_space<semaphore_mem>>) src(%dma_wait3A_175 : memref<32x128xf32, #tpu.memory_space<vmem>>) dst(%dma_wait3A_168 : memref<32x128xf32, #tpu.memory_space<hbm>>)
        tpu.yield
      }) : () -> ()
    } else {
    }
    %eq3A = arith.constant 0 : i32
    %eq3A_122 = arith.cmpi eq, %add3A, %eq3A : i32
    %convert_element_type3A_123 = arith.extui %eq3A_122 : i1 to i32
    %cond3A_124 = arith.constant 0 : i32
    %cond3A_125 = arith.cmpi ne, %convert_element_type3A_123, %cond3A_124 : i32
    scf.if %cond3A_125 {
      %run_scoped3A = arith.constant 7812 : i32
      "tpu.region"() ({
        %run_scoped3A_126 = tpu.sem_alloc : memref<!tpu.dma_semaphore, #tpu.memory_space<semaphore_mem>>
        %dma_start3A_127 = arith.constant 0 : i32
        %dma_start3A_128 = arith.constant 0 : i32
        %dma_start3A_129 = tpu.memref_slice %arg4[%run_scoped3A, %dma_start3A_127, %dma_start3A_128] : memref<7813x32x128xf32, #tpu.memory_space<hbm>> -> memref<1x32x128xf32, #tpu.memory_space<hbm>>
        %dma_start3A_130 = tpu.memref_squeeze %dma_start3A_129 : memref<1x32x128xf32, #tpu.memory_space<hbm>> -> memref<32x128xf32, #tpu.memory_space<hbm>>
        %dma_start3A_131 = arith.constant 0 : i32
        %dma_start3A_132 = arith.constant 0 : i32
        %dma_start3A_133 = tpu.memref_slice %dma_start3A_130[%dma_start3A_131, %dma_start3A_132] : memref<32x128xf32, #tpu.memory_space<hbm>> -> memref<16x128xf32, #tpu.memory_space<hbm>>
        tpu.enqueue_dma source(%arg3 : memref<16x128xf32, #tpu.memory_space<hbm>>) target(%dma_start3A_133 : memref<16x128xf32, #tpu.memory_space<hbm>>) target_semaphore(%run_scoped3A_126 : memref<!tpu.dma_semaphore, #tpu.memory_space<semaphore_mem>>)
        %dma_wait3A_134 = arith.constant 0 : i32
        %dma_wait3A_135 = arith.constant 0 : i32
        %dma_wait3A_136 = tpu.memref_slice %arg4[%run_scoped3A, %dma_wait3A_134, %dma_wait3A_135] : memref<7813x32x128xf32, #tpu.memory_space<hbm>> -> memref<1x32x128xf32, #tpu.memory_space<hbm>>
        %dma_wait3A_137 = tpu.memref_squeeze %dma_wait3A_136 : memref<1x32x128xf32, #tpu.memory_space<hbm>> -> memref<32x128xf32, #tpu.memory_space<hbm>>
        %dma_wait3A_138 = arith.constant 0 : i32
        %dma_wait3A_139 = arith.constant 0 : i32
        %dma_wait3A_140 = tpu.memref_slice %dma_wait3A_137[%dma_wait3A_138, %dma_wait3A_139] : memref<32x128xf32, #tpu.memory_space<hbm>> -> memref<16x128xf32, #tpu.memory_space<hbm>>
        tpu.wait_dma2 semaphore(%run_scoped3A_126 : memref<!tpu.dma_semaphore, #tpu.memory_space<semaphore_mem>>) src(%arg3 : memref<16x128xf32, #tpu.memory_space<hbm>>) dst(%dma_wait3A_140 : memref<16x128xf32, #tpu.memory_space<hbm>>)
        tpu.yield
      }) : () -> ()
    } else {
    }
    return
  }
}

</mosaic_0001>

<sc_bundles>
// kernel: kernel.4.cloned.1.call-start
scs
__scs_entry_jumppad:
0x0: {  	(pc) =	sbr.rel $0x88, $3  }
0x1: {  	(tag) =	ssettag $0x0;
	lr =	simm.s32 $0x1  }
0x2: {  	[smem:$0x3F9F] =	sst lr;
	_ =	strace $0xD0000000  }
0x3: {  	_ = 	snop  }
0x4: {  	_ = 	snop  }
0x5: {  	_ = 	snop  }
0x6: {  	_ = 	snop  }
0x7: {  	_ = 	snop  }
__scs_overlays_trampoline_lowered:
0x8: {  	[smem:$0x3FAE] =	sst s0  }
0x9: {  	[smem:$0x3FAF] =	sst s1  }
0xa: {  	[smem:$0x3FB0] =	sst s2  }
0xb: {  	[smem:$0x3FB1] =	sst s3  }
0xc: {  	[smem:$0x3FB2] =	sst s4  }
0xd: {  	[smem:$0x3FB3] =	sst s5  }
0xe: {  	[smem:$0x3FB4] =	sst s6  }
0xf: {  	[smem:$0x3FB5] =	sst s7  }
0x10: {  	[smem:$0x3FB6] =	sst s8  }
0x11: {  	[smem:$0x3FB7] =	sst s9;
	s0 =	simm.s32 @!p0 $0x0  }
0x12: {  	s1 =	sld [smem:$0x3F9D];
	s0 =	simm.s32 @p0 $0x1  }
0x13: {  	[smem:$0x3FB8] =	sst s0;
	s0 =	simm.s32 @!p1 $0x0  }
0x14: {  	s2 =	sld [smem:$0x3F9C];
	s0 =	simm.s32 @p1 $0x1  }
0x15: {  	[smem:$0x3FB9] =	sst s0;
	s0 =	simm.s32 @!p2 $0x0  }
0x16: {  	s3 =	sld [smem:$0x3FDB];
	s0 =	simm.s32 @p2 $0x1  }
0x17: {  	s4 =	simm.s32 $0x1BF5;
	[smem:$0x3FBB] =	sst s0  }
0x18: {  	s0 =	sld [smem:$0x3F9E];
	_ =	swait.ge [sflag:s4], $0x0  }
0x19: {  	s7 =	sld [smem:$0x3F9F]  }
0x1a: {  	s8 =	sadd.s32 $0xFFFFE003, lr  }
0x1b: {  	s9 =	sadd.s32 $0xFFFFFEF7, lr;
	s5 =	simm.s32 $0xFFFFFFFF;
	p2 =	slt.u32 s8, $0xFFFFF086  }
0x1c: {  	p1 =	slt.u32 s9, $0xF7A;
	s5 =	simm.s32 @!p2 $0x0  }
0x1d: {  	s5 =	simm.s32 @p1 $0x1;
	p0 =	seq.s32 s7, s2  }
0x1e: {  	s7 =	smul.u32 @!p0 $0xF7A, s2;
	p2 =	seq.s32 @!p0 s5, $0x0  }
0x1f: {  	s9 =	smul.u32 $0xF7A, s1;
	s8 =	simm.s32 @!p0 $0x1BF5;
	p2 =	por !p2, p0  }
0x20: {  	[sflag:s8] =	ssyncset.s32 @!p0 $0xFFFFF086;
	s6 =	sadd.s32 @!p0 s3, s7;
	s7 =	simm.s32 @!p0 $0x108  }
0x21: {  	s3 =	sadd.s32 s3, s9;
	s6 =	sadd.s32 @!p0 $0x88, s6;
	s7 =	simm.s32 @p2 $0x1082  }
0x22: {  	[simem:s7], [sflag:s8] =	dma.local @!p0 [hbm:s6], $0xF7A  }
0x23: {  	s9 =	sor.u32 $0xD0000000, s2;
	s6 =	simm.s32 $0x108;
	_ =	swait.ge @!p0 [sflag:s8], $0x0  }
0x24: {  	s3 =	sadd.s32 $0x88, s3;
	s6 =	simm.s32 @!p1 $0x1082;
	[sflag:s4] =	ssyncset.s32 $0xFFFFF086  }
0x25: {  	[simem:s6], [sflag:s4] =	dma.local [hbm:s3], $0xF7A  }
0x26: {  	[smem:$0x3F9F] =	sst s1;
	(tag) =	ssettag s2;
	_ =	strace s9  }
0x27: {  	s1 =	sld [smem:$0x3FAF]  }
0x28: {  	s2 =	sld [smem:$0x3FB0]  }
0x29: {  	s4 =	sld [smem:$0x3FB2]  }
0x2a: {  	p0 =	seq.s32 s5, $0x0;
	s5 =	sld [smem:$0x3FB3]  }
0x2b: {  	s6 =	sld [smem:$0x3FB4]  }
0x2c: {  	s7 =	sld [smem:$0x3FB5]  }
0x2d: {  	s3 =	simm.s32 $0x108;
	s8 =	sld [smem:$0x3FB6]  }
0x2e: {  	s3 =	simm.s32 @!p0 $0x1082;
	s9 =	sld [smem:$0x3FB7]  }
0x2f: {  	lr =	sadd.s32 s0, s3;
	s0 =	sld [smem:$0x3FAE]  }
0x30: {  	s3 =	sld [smem:$0x3FB1]  }
0x31: {  	[smem:$0x3FBA] =	sst s10  }
0x32: {  	s10 =	sld [smem:$0x3FB8];
	_ =	sdelay $0x3  }
0x33: {  	p0 =	seq.s32 s10, $0x1;
	s10 =	sld [smem:$0x3FBA];
	_ =	sdelay $0x3  }
0x34: {  	[smem:$0x3FBA] =	sst s10  }
0x35: {  	s10 =	sld [smem:$0x3FB9];
	_ =	sdelay $0x3  }
0x36: {  	p1 =	seq.s32 s10, $0x1;
	s10 =	sld [smem:$0x3FBA];
	_ =	sdelay $0x3  }
0x37: {  	[smem:$0x3FBA] =	sst s10  }
0x38: {  	s10 =	sld [smem:$0x3FBB]  }
0x39: {  	_ = 	snop;
	(pc) =	sbr.ind lr, $3  }
0x3a: {  	_ = 	snop  }
0x3b: {  	_ = 	snop  }
0x3c: {  	p2 =	seq.s32 s10, $0x1;
	s10 =	sld [smem:$0x3FBA]  }
0x3d: {  	_ =	shalt  }
0x3e: {  	_ =	shalt  }
0x3f: {  	_ =	shalt  }
0x40: {  	_ =	shalt  }
0x41: {  	_ =	shalt  }
0x42: {  	_ =	shalt  }
0x43: {  	_ =	shalt  }
0x44: {  	_ =	shalt  }
0x45: {  	_ =	shalt  }
0x46: {  	_ =	shalt  }
0x47: {  	_ =	shalt  }
0x48: {  	_ =	shalt  }
0x49: {  	_ =	shalt  }
0x4a: {  	_ =	shalt  }
0x4b: {  	_ =	shalt  }
0x4c: {  	_ =	shalt  }
0x4d: {  	_ =	shalt  }
0x4e: {  	_ =	shalt  }
0x4f: {  	_ =	shalt  }
0x50: {  	_ =	shalt  }
0x51: {  	_ =	shalt  }
0x52: {  	_ =	shalt  }
0x53: {  	_ =	shalt  }
0x54: {  	_ =	shalt  }
0x55: {  	_ =	shalt  }
0x56: {  	_ =	shalt  }
0x57: {  	_ =	shalt  }
0x58: {  	_ =	shalt  }
0x59: {  	_ =	shalt  }
0x5a: {  	_ =	shalt  }
0x5b: {  	_ =	shalt  }
0x5c: {  	_ =	shalt  }
0x5d: {  	_ =	shalt  }
0x5e: {  	_ =	shalt  }
0x5f: {  	_ =	shalt  }
0x60: {  	_ =	shalt  }
0x61: {  	_ =	shalt  }
0x62: {  	_ =	shalt  }
0x63: {  	_ =	shalt  }
0x64: {  	_ =	shalt  }
0x65: {  	_ =	shalt  }
0x66: {  	_ =	shalt  }
0x67: {  	_ =	shalt  }
0x68: {  	_ =	shalt  }
0x69: {  	_ =	shalt  }
0x6a: {  	_ =	shalt  }
0x6b: {  	_ =	shalt  }
0x6c: {  	_ =	shalt  }
0x6d: {  	_ =	shalt  }
0x6e: {  	_ =	shalt  }
0x6f: {  	_ =	shalt  }
0x70: {  	_ =	shalt  }
0x71: {  	_ =	shalt  }
0x72: {  	_ =	shalt  }
0x73: {  	_ =	shalt  }
0x74: {  	_ =	shalt  }
0x75: {  	_ =	shalt  }
0x76: {  	_ =	shalt  }
0x77: {  	_ =	shalt  }
0x78: {  	_ =	shalt  }
0x79: {  	_ =	shalt  }
0x7a: {  	_ =	shalt  }
0x7b: {  	_ =	shalt  }
0x7c: {  	_ =	shalt  }
0x7d: {  	_ =	shalt  }
0x7e: {  	_ =	shalt  }
0x7f: {  	_ =	shalt  }
0x80: {  	_ =	shalt  }
0x81: {  	_ =	shalt  }
0x82: {  	_ =	shalt  }
0x83: {  	_ =	shalt  }
0x84: {  	_ =	shalt  }
0x85: {  	_ =	shalt  }
0x86: {  	_ =	shalt  }
0x87: {  	_ =	shalt  }
.Lfunc_end0:
.L_simem_size_0:
called_computation_lowered:
.L_overlay_start_0:
0x88: {  	s2 =	sld [smem:$0x3FD9]  }
0x89: {  	s3 =	sld [smem:$0x3FFE];
	_ =	sdelay $0x1  }
0x8a: {  	s1 =	srdreg.scid  }
0x8b: {  	s0 =	sand.u32 $0x1, s1  }
0x8c: {  	s17 =	sshll.u32 s0, $0xA;
	s2 =	sadd.s32 s3, s2  }
0x8d: {  	s2 =	sadd.s32 s2, s17  }
0x8e: {  	[smem:$0x3FC6] =	sst s2  }
0x8f: {  	_ = 	snop  }
0x90: {  	s2 =	sld [smem:$0x3FC8]  }
0x91: {  	s18 =	sld [smem:$0x3FD0];
	(tm) =	ssettm $0x1  }
0x92: {  	s4 =	sld [smem:$0x3FFB];
	_ =	sdelay $0x3  }
0x93: {  	_ =	strace s4  }
0x94: {  	s4 =	sld [smem:$0x3FFC];
	_ =	sdelay $0x3  }
0x95: {  	_ =	strace s4  }
0x96: {  	s4 =	sld [smem:$0x3FFD];
	_ =	sdelay $0x3  }
0x97: {  	_ =	strace s4  }
0x98: {  	_ =	strace $0x8FFFFFFF  }
0x99: {  	s19 =	sld [smem:$0x3FDB];
	_ =	sdelay $0x1  }
0x9a: {  	s5 =	simm.s32 $_scs_section_size  }
0x9b: {  	s6 =	simm.s32 $_size__tile_overlayer_lowered;
	s7 =	simm.s32 $_tile_overlayer_lowered  }
0x9c: {  	s22 =	simm.s32 $0x1BFF;
	s21 =	sshll.u32 s7, $0x1;
	s4 =	sadd.s32 s5, s19  }
0x9d: {  	s8 =	simm.s32 $0x0;
	s20 =	sshll.u32 s6, $0x1;
	s6 =	sadd.s32 s21, s4  }
0x9e: {  	[timem:s8], [sflag:s22] =	dma.local [hbm:s6], s20  }
0x9f: {  	_ =	swait.ge [sflag:s22], s20  }
0xa0: {  	s5 =	ssub.s32 $0x0, s20;
	[sflag:s22] =	ssyncset.done $0x0  }
0xa1: {  	[sflag:s22] =	ssyncadd.s32 s5;
	_ =	sdelay $0x1  }
0xa2: {  	s23 =	simm.s32 $0x1B8B  }
0xa3: {  	_ =	swait.ge [sflag:s23], $0x1  }
0xa4: {  	[sflag:s23] =	ssyncset.done $0x0  }
0xa5: {  	s25 =	simm.s32 $0x1B8E;
	s24 =	sld [smem:$0x3FFE];
	[sflag:s23] =	ssyncadd.s32 $0xFFFFFFFF  }
0xa6: {  	s26 =	simm.s32 $execute0_lowered;
	[smem:$0x3FD2] =	sst s25  }
0xa7: {  	s6 =	sshll.u32 s26, $0x1;
	_ =	strace $0x80000046;
	[dreg:$0x1] =	wrdreg $0xFFFFFFFF  }
0xa8: {  	s28 =	simm.s32 $_size_execute0_lowered;
	s4 =	sadd.s32 s4, s6;
	[dreg:$0x0] =	wrdreg $0x0  }
0xa9: {  	s6 =	sshll.u32 s28, $0x1;
	[dreg:$0x2] =	wrdreg s4  }
0xaa: {  	[dreg:$0x3] =	wrdreg s6  }
0xab: {  	[dreg:$0x4] =	wrdreg $0xC0  }
0xac: {  	_ =	task [dreg:s8], $0x5FFFF  }
0xad: {  	[dreg:$0x1] =	wrdreg $0xFFFFFFFF  }
0xae: {  	[dreg:$0x0] =	wrdreg $0x60  }
0xaf: {  	[dreg:$0x2] =	wrdreg s2  }
0xb0: {  	[dreg:$0x3] =	wrdreg s18  }
0xb1: {  	[dreg:$0x4] =	wrdreg s24  }
0xb2: {  	[dreg:$0x5] =	wrdreg $0x9  }
0xb3: {  	_ =	task.clear_ibuf [dreg:s8], $0x6FFFF;
	_ =	strace $0x90000046  }
0xb4: {  	s29 =	simm.s32 $0x9;
	_ =	strace $0x80000048  }
0xb5: {  	_ =	swait.ge [sflag:s29], $0x1  }
0xb6: {  	[sflag:s29] =	ssyncadd.s32 $0xFFFFFFFF  }
0xb7: {  	_ =	strace $0x90000048  }
0xb8: {  	_ =	sfence  }
0xb9: {  	s30 =	sld [smem:$0x0];
	_ =	sdelay $0x2  }
0xba: {  	s31 =	sshll.u32 s1, $0xD;
	s1 =	sshrl.u32 s1, $0x2  }
0xbb: {  	s3 =	sand.u32 $0x4000, s31;
	s1 =	sadd.s32 s1, s30  }
0xbc: {  	s0 =	sor.u32 s3, s0;
	s1 =	sshll.u32 s1, $0x11  }
0xbd: {  	s0 =	sor.u32 s1, s0  }
0xbe: {  	s0 =	sadd.s32 $0x8F2B, s0  }
0xbf: {  	[sflag:s0] =	ssyncadd.remote.s32 $0x1  }
0xc0: {  	_ =	sfence.sel $0xFFFF  }
0xc1: {  	[dreg:$0x0] =	wrdreg $0xFFFFFFFF;
	(pc) =	sbr.abs _section_cstart, $3  }
0xc2: {  	[dreg:$0x1] =	wrdreg $0xFFFFFFFF  }
0xc3: {  	_ =	task.clear_ibuf [dreg:s8], $0x2FFFF;
	_ =	strace $0x9FFFFFFF  }
0xc4: {  	(tm) =	ssettm $0x7FFFFFFF  }
0xc5: {  	_ =	shalt  }
tec
execute0_lowered:
.L_overlay_start_1:
0x0: {  	(tag) =	ssettag $0x1  }
0x1: {  	s10 =	rddreg [dreg:$0x0]  }
0x2: {  	s1 =	srdreg.scid;
	s2 =	rddreg [dreg:$0x1]  }
0x3: {  	s0 =	stileid.u32;
	s12 =	rddreg [dreg:$0x2];
	s3 =	simm.s32 $0x0  }
0x4: {  	s15 =	simm.s32 $0x7A1400;
	s16 =	simm.s32 $0x4000;
	s17 =	simm.s32 $0x3  }
0x5: {  	s4 =	sand.u32 $0x1, s1;
	s30 =	sshll.u32 s0, $0x1;
	s1 =	rddreg [dreg:$0x3]  }
0x6: {  	[smem:$0x7FF] =	sst s3;
	p0 =	sgt.u32 s0, $0x1;
	s18 =	sor.u32 s4, s30  }
0x7: {  	s6 =	ssub.s32 $0x2, s4;
	_ =	strace $0x80000047;
	s5 =	smul.u32 $0xF4, s18  }
0x8: {  	s4 =	sadd.s32 $0x800, s12;
	s31 =	smin.u32 s18, $0x4;
	s7 =	sshrl.u32 s6, $0x1  }
0x9: {  	p1 =	sne.s32 s18, $0x0;
	s18 =	simm.s32 $0x0;
	s8 =	sadd.s32 s31, s5  }
0xa: {  	s13 =	ssub.s32 s6, s7;
	s6 =	sadd.s32 $0xA00, s12;
	s9 =	sshll.u32 s8, $0x7  }
.Ltmp0:
0xb: {  	s5 =	sshll.u32 s8, $0x9;
	s8 =	sadd.s32 $0xF4, s8;
	(pc) =	sbr.rel .LBB2_1-.Ltmp0, $4  }
0xc: {  	s7 =	sadd.s32 $0xC00, s12;
	s11 =	sshll.u32 s8, $0x7;
	s14 =	sshll.u32 s8, $0x9  }
0xd: {  	s8 =	sadd.s32 s10, s9;
	s9 =	sadd.s32 $0xE00, s12;
	s12 =	sadd.s32 $0x3D1000, s12  }
0xe: {  	s13 =	smax.u32 s13, $0x1;
	s11 =	sand.u32 $0x1FFFFF80, s11;
	s14 =	sand.u32 $0x1FFFFE00, s14  }
0xf: {  	s10 =	sadd.s32 s10, s11;
	s11 =	sadd.s32 s4, s14;
	s14 =	simm.s32 $0x1000  }
.LBB2_11:
0x10: {  	_ =	swait.ge [sflag:s17], $0x1000  }
0x11: {  	[sflag:s17] =	ssyncset.done $0x0  }
0x12: {  	[sflag:s17] =	ssyncadd.s32 $0xFFFFF000  }
0x13: {  	_ =	swait.ge [sflag:s17], $0x1000  }
0x14: {  	[sflag:s17] =	ssyncset.done $0x0  }
0x15: {  	[sflag:s17] =	ssyncadd.s32 $0xFFFFF000  }
0x16: {  	_ =	swait.ge [sflag:s17], $0x1000  }
0x17: {  	[sflag:s17] =	ssyncset.done $0x0  }
0x18: {  	[sflag:s17] =	ssyncadd.s32 $0xFFFFF000  }
0x19: {  	_ =	swait.ge [sflag:s17], $0x1000  }
0x1a: {  	[sflag:s17] =	ssyncset.done $0x0  }
0x1b: {  	s19 =	simm.s32 @!p0 $0x0;
	[sflag:s17] =	ssyncadd.s32 $0xFFFFF000  }
0x1c: {  	[tilespmem:s19], [sflag:$0x4] =	stream.linear.gather @!p0 [hbm4b:s10+s19], $0x400, $0x38;
	[tilespmem:$0x8000] =	vst v63  }
0x1d: {  	s20 =	sadd.s32 @!p0 $0xF4280, s10;
	s21 =	simm.s32 @!p0 $0x1000  }
0x1e: {  	[tilespmem:s21], [sflag:$0x4] =	stream.linear.gather @!p0 [hbm4b:s20+s19], $0x400, $0x38;
	[tilespmem:$0x8000] =	vst v63  }
0x1f: {  	s22 =	simm.s32 @!p0 $0x2000;
	s20 =	sadd.s32 @!p0 $0x1E8500, s10  }
0x20: {  	[tilespmem:s22], [sflag:$0x4] =	stream.linear.gather @!p0 [hbm4b:s20+s19], $0x400, $0x38;
	[tilespmem:$0x8000] =	vst v63  }
0x21: {  	s23 =	simm.s32 @!p0 $0x3000;
	s20 =	sadd.s32 @!p0 $0x2DC780, s10  }
0x22: {  	[tilespmem:s23], [sflag:$0x4] =	stream.linear.gather @!p0 [hbm4b:s20+s19], $0x400, $0x38;
	[tilespmem:$0x8000] =	vst v63  }
0x23: {  	s20 =	simm.s32 @!p0 $0x4  }
0x24: {  	_ =	swait.ge @!p0 [sflag:s20], $0x1000  }
0x25: {  	[sflag:s20] =	ssyncset.done @!p0 $0x0  }
0x26: {  	[sflag:s20] =	ssyncadd.s32 @!p0 $0xFFFFF000  }
0x27: {  	[hbm4b:s11+s19] =	stream.linear.scatter @!p0 [tilespmem:s19], [sflag:$0x4], $0x400, $0x38;
	[tilespmem:$0x8000] =	vst v63  }
0x28: {  	s24 =	sadd.s32 @!p0 $0x80, s11  }
0x29: {  	[hbm4b:s24+s19] =	stream.linear.scatter @!p0 [tilespmem:s21], [sflag:$0x4], $0x400, $0x38;
	[tilespmem:$0x8000] =	vst v63  }
0x2a: {  	s21 =	sadd.s32 @!p0 $0x100, s11  }
0x2b: {  	[hbm4b:s21+s19] =	stream.linear.scatter @!p0 [tilespmem:s22], [sflag:$0x4], $0x400, $0x38;
	[tilespmem:$0x8000] =	vst v63  }
0x2c: {  	s21 =	sadd.s32 @!p0 $0x180, s11  }
0x2d: {  	[hbm4b:s21+s19] =	stream.linear.scatter @!p0 [tilespmem:s23], [sflag:$0x4], $0x400, $0x38;
	[tilespmem:$0x8000] =	vst v63  }
0x2e: {  	_ =	swait.ge @!p0 [sflag:s20], $0x1000  }
0x2f: {  	s18 =	sadd.s32 $0x1, s18;
	s19 =	sshll.u32 @!p1 s0, $0x6;
	[sflag:s20] =	ssyncset.done @!p0 $0x0  }
0x30: {  	p2 =	sne.s32 s18, s13;
	s19 =	sor.u32 @!p1 $0x1C04, s19;
	[sflag:s20] =	ssyncadd.s32 @!p0 $0xFFFFF000  }
0x31: {  	[hbm:s12], [sflag:s19] =	dma.local @!p1 [hbm:s2], $0x100  }
.Ltmp1:
0x32: {  	_ = 	snop;
	(pc) =	sbr.rel @!p2 .LBB2_12-.Ltmp1, $4  }
0x33: {  	s19 =	simm.s32 @!p1 $0x4  }
0x34: {  	_ =	swait.ge @!p1 [sflag:s19], $0x100  }
0x35: {  	[sflag:s19] =	ssyncset.done @!p1 $0x0  }
0x36: {  	[sflag:s19] =	ssyncadd.s32 @!p1 $0xFFFFFF00  }
.LBB2_1:
.Ltmp2:
0x37: {  	(pc) =	sbr.rel .LBB2_2-.Ltmp2, $3  }
0x38: {  	_ =	sdelay $0x1  }
0x39: {  	[tilespmem:s3], [sflag:$0x1] =	stream.strided.gather [hbm4b:s8+s14], $0x4000, s15, s14, $0x38;
	[tilespmem:$0x8000] =	vst v63  }
0x3a: {  	s21 =	simm.s32 $0x0  }
.LBB2_6:
0x3b: {  	s19 =	simm.s32 $0x3D;
	s22 =	simm.s32 $0x1  }
.LBB2_10:
0x3c: {  	s21 =	sshll.u32 s21, $0xB  }
0x3d: {  	_ =	swait.ge [sflag:s22], $0x4000;
	s21 =	sadd.s32 s5, s21  }
0x3e: {  	[sflag:s22] =	ssyncset.done $0x0;
	s23 =	sand.u32 $0x1FFFFE00, s21  }
0x3f: {  	s20 =	sshll.u32 s20, $0xE;
	[sflag:s22] =	ssyncadd.s32 $0xFFFFC000;
	s28 =	sadd.s32 s4, s23  }
0x40: {  	[hbm4b:s28+s3] =	stream.linear.scatter [tilespmem:s20], [sflag:$0x3], $0x400, $0x38;
	[tilespmem:$0x8000] =	vst v63  }
0x41: {  	s29 =	sor.u32 $0x1000, s20;
	s24 =	sadd.s32 $0x80, s28  }
0x42: {  	[hbm4b:s24+s3] =	stream.linear.scatter [tilespmem:s29], [sflag:$0x3], $0x400, $0x38;
	[tilespmem:$0x8000] =	vst v63  }
0x43: {  	s30 =	sor.u32 $0x2000, s20;
	s31 =	sadd.s32 $0x100, s28  }
0x44: {  	[hbm4b:s31+s3] =	stream.linear.scatter [tilespmem:s30], [sflag:$0x3], $0x400, $0x38;
	[tilespmem:$0x8000] =	vst v63  }
0x45: {  	s25 =	sor.u32 $0x3000, s20;
	s22 =	sadd.s32 $0x180, s28  }
0x46: {  	[hbm4b:s22+s3] =	stream.linear.scatter [tilespmem:s25], [sflag:$0x3], $0x400, $0x38;
	[tilespmem:$0x8000] =	vst v63  }
0x47: {  	s26 =	sor.u32 $0x400, s20;
	s22 =	sadd.s32 s21, s6  }
0x48: {  	[hbm4b:s22+s3] =	stream.linear.scatter [tilespmem:s26], [sflag:$0x3], $0x400, $0x38;
	[tilespmem:$0x8000] =	vst v63  }
0x49: {  	s28 =	sor.u32 $0x1400, s20;
	s29 =	sadd.s32 $0x80, s22  }
0x4a: {  	[hbm4b:s29+s3] =	stream.linear.scatter [tilespmem:s28], [sflag:$0x3], $0x400, $0x38;
	[tilespmem:$0x8000] =	vst v63  }
0x4b: {  	s30 =	sor.u32 $0x2400, s20;
	s31 =	sadd.s32 $0x100, s22  }
0x4c: {  	[hbm4b:s31+s3] =	stream.linear.scatter [tilespmem:s30], [sflag:$0x3], $0x400, $0x38;
	[tilespmem:$0x8000] =	vst v63  }
0x4d: {  	s25 =	sor.u32 $0x3400, s20;
	s22 =	sadd.s32 $0x180, s22  }
0x4e: {  	[hbm4b:s22+s3] =	stream.linear.scatter [tilespmem:s25], [sflag:$0x3], $0x400, $0x38;
	[tilespmem:$0x8000] =	vst v63  }
0x4f: {  	s26 =	sor.u32 $0x800, s20;
	s22 =	sadd.s32 s21, s7  }
0x50: {  	[hbm4b:s22+s3] =	stream.linear.scatter [tilespmem:s26], [sflag:$0x3], $0x400, $0x38;
	[tilespmem:$0x8000] =	vst v63  }
0x51: {  	s28 =	sor.u32 $0x1800, s20;
	s29 =	sadd.s32 $0x80, s22  }
0x52: {  	[hbm4b:s29+s3] =	stream.linear.scatter [tilespmem:s28], [sflag:$0x3], $0x400, $0x38;
	[tilespmem:$0x8000] =	vst v63  }
0x53: {  	s30 =	sor.u32 $0x2800, s20;
	s31 =	sadd.s32 $0x100, s22  }
0x54: {  	[hbm4b:s31+s3] =	stream.linear.scatter [tilespmem:s30], [sflag:$0x3], $0x400, $0x38;
	[tilespmem:$0x8000] =	vst v63  }
0x55: {  	s25 =	sor.u32 $0x3800, s20;
	s22 =	sadd.s32 $0x180, s22  }
0x56: {  	[hbm4b:s22+s3] =	stream.linear.scatter [tilespmem:s25], [sflag:$0x3], $0x400, $0x38;
	[tilespmem:$0x8000] =	vst v63  }
0x57: {  	s21 =	sadd.s32 s21, s9;
	s26 =	sor.u32 $0xC00, s20  }
0x58: {  	[hbm4b:s21+s3] =	stream.linear.scatter [tilespmem:s26], [sflag:$0x3], $0x400, $0x38;
	[tilespmem:$0x8000] =	vst v63  }
0x59: {  	p2 =	slt.u32 s19, $0x3D;
	s28 =	sor.u32 $0x1C00, s20;
	s29 =	sadd.s32 $0x80, s21  }
0x5a: {  	[hbm4b:s29+s3] =	stream.linear.scatter [tilespmem:s28], [sflag:$0x3], $0x400, $0x38;
	[tilespmem:$0x8000] =	vst v63  }
.Ltmp3:
0x5b: {  	s30 =	sor.u32 $0x2C00, s20;
	s31 =	sadd.s32 $0x100, s21;
	(pc) =	sbr.rel @!p2 .LBB2_11-.Ltmp3, $4  }
0x5c: {  	[hbm4b:s31+s3] =	stream.linear.scatter [tilespmem:s30], [sflag:$0x3], $0x400, $0x38;
	[tilespmem:$0x8000] =	vst v63  }
0x5d: {  	s20 =	sor.u32 $0x3C00, s20;
	s21 =	sadd.s32 $0x180, s21  }
0x5e: {  	[hbm4b:s21+s3] =	stream.linear.scatter [tilespmem:s20], [sflag:$0x3], $0x400, $0x38;
	[tilespmem:$0x8000] =	vst v63  }
0x5f: {  	s21 =	smov.u32 s19  }
.LBB2_2:
0x60: {  	p2 =	seq.s32 s21, $0x0  }
.Ltmp4:
0x61: {  	_ = 	snop;
	(pc) =	sbr.rel @p2 .LBB2_3-.Ltmp4, $2  }
0x62: {  	_ =	sdelay $0x2  }
0x63: {  	s20 =	sand.u32 $0x1, s21  }
0x64: {  	_ =	swait.ge [sflag:s17], $0x1000  }
0x65: {  	[sflag:s17] =	ssyncset.done $0x0  }
0x66: {  	[sflag:s17] =	ssyncadd.s32 $0xFFFFF000  }
0x67: {  	_ =	swait.ge [sflag:s17], $0x1000  }
0x68: {  	[sflag:s17] =	ssyncset.done $0x0  }
0x69: {  	[sflag:s17] =	ssyncadd.s32 $0xFFFFF000  }
0x6a: {  	p2 =	seq.s32 s21, $0x3C;
	_ =	swait.ge [sflag:s17], $0x1000  }
.Ltmp5:
0x6b: {  	[sflag:s17] =	ssyncset.done $0x0;
	(pc) =	sbr.rel @p2 .LBB2_6-.Ltmp5, $4  }
0x6c: {  	[sflag:s17] =	ssyncadd.s32 $0xFFFFF000  }
0x6d: {  	_ =	swait.ge [sflag:s17], $0x1000  }
0x6e: {  	[sflag:s17] =	ssyncset.done $0x0  }
0x6f: {  	[sflag:s17] =	ssyncadd.s32 $0xFFFFF000  }
0x70: {  	p2 =	seq.s32 s20, $0x0  }
.Ltmp6:
0x71: {  	_ = 	snop;
	(pc) =	sbr.rel @p2 .LBB2_4-.Ltmp6, $2  }
0x72: {  	_ =	sdelay $0x2  }
0x73: {  	s19 =	sadd.s32 $0x1, s21  }
.Ltmp7:
0x74: {  	(pc) =	sbr.rel .LBB2_9-.Ltmp7, $4  }
0x75: {  	_ = 	snop  }
0x76: {  	s22 =	sshll.u32 s19, $0x9  }
0x77: {  	s22 =	sadd.s32 s22, s8  }
0x78: {  	[tilespmem:s3], [sflag:$0x1] =	stream.strided.gather [hbm4b:s22+s14], $0x4000, s15, s14, $0x38;
	[tilespmem:$0x8000] =	vst v63  }
.LBB2_3:
0x79: {  	s19 =	simm.s32 $0x1  }
.LBB2_4:
0x7a: {  	s22 =	sshll.u32 s19, $0x9  }
0x7b: {  	s22 =	sadd.s32 s22, s8  }
0x7c: {  	[tilespmem:s16], [sflag:$0x2] =	stream.strided.gather [hbm4b:s22+s14], $0x4000, s15, s14, $0x38;
	[tilespmem:$0x8000] =	vst v63  }
.LBB2_9:
.Ltmp8:
0x7d: {  	(pc) =	sbr.rel .LBB2_10-.Ltmp8, $3  }
0x7e: {  	_ =	sdelay $0x1  }
0x7f: {  	p2 =	seq.s32 s20, $0x1;
	s22 =	simm.s32 $0x2  }
0x80: {  	s22 =	simm.s32 @!p2 $0x1  }
.LBB2_12:
0x81: {  	_ =	sfence.sel $0x180000  }
0x82: {  	[bflag:$0x0] =	sbarrier.arrive $0xFFFF  }
0x83: {  	p0 =	sne.s32 s0, $0x0;
	_ =	strace $0x90000047  }
0x84: {  	s0 =	sadd.s32 @!p0 $0x100000, s1;
	[bflag:$0x2] =	sbarrier.arrive $0xFFFF  }
0x85: {  	[sflag:s0] =	ssyncadd.tile.s32 @!p0 $0x1;
	_ =	shalt  }
.Lfunc_end2:
_tile_overlayer_lowered:
.L_overlay_start_2:
0x86: {  	(tag) =	ssettag $0x2  }
0x87: {  	s0 =	rddreg [dreg:$0x0];
	s2 =	stileid.u32  }
0x88: {  	s1 =	rddreg [dreg:$0x1];
	p0 =	sne.s32 s2, $0x0  }
0x89: {  	s3 =	rddreg [dreg:$0x2];
	[bflag:$0x3] =	sbarrier.arrive $0xFFFF;
	s2 =	simm.s32 @!p0 $0x1C04  }
0x8a: {  	[timem:s3], [sflag:s2] =	dma.local @!p0 [hbm:s0], s1  }
0x8b: {  	s0 =	simm.s32 @!p0 $0x4  }
0x8c: {  	_ =	swait.ge @!p0 [sflag:s0], s1  }
0x8d: {  	s1 =	ssub.s32 @!p0 $0x0, s1;
	[sflag:s0] =	ssyncset.done @!p0 $0x0  }
0x8e: {  	[sflag:s0] =	ssyncadd.s32 @!p0 s1  }
0x8f: {  	[bflag:$0x3] =	sbarrier.arrive $0xFFFF  }
0x90: {  	_ =	shalt  }

// kernel: kernel.7.cloned.1.call-start
scs
__scs_entry_jumppad:
0x0: {  	(pc) =	sbr.rel $0x88, $3  }
0x1: {  	(tag) =	ssettag $0x0;
	lr =	simm.s32 $0x1  }
0x2: {  	[smem:$0x3F9F] =	sst lr;
	_ =	strace $0xD0000000  }
0x3: {  	_ = 	snop  }
0x4: {  	_ = 	snop  }
0x5: {  	_ = 	snop  }
0x6: {  	_ = 	snop  }
0x7: {  	_ = 	snop  }
__scs_overlays_trampoline_lowered:
0x8: {  	[smem:$0x3FAE] =	sst s0  }
0x9: {  	[smem:$0x3FAF] =	sst s1  }
0xa: {  	[smem:$0x3FB0] =	sst s2  }
0xb: {  	[smem:$0x3FB1] =	sst s3  }
0xc: {  	[smem:$0x3FB2] =	sst s4  }
0xd: {  	[smem:$0x3FB3] =	sst s5  }
0xe: {  	[smem:$0x3FB4] =	sst s6  }
0xf: {  	[smem:$0x3FB5] =	sst s7  }
0x10: {  	[smem:$0x3FB6] =	sst s8  }
0x11: {  	[smem:$0x3FB7] =	sst s9;
	s0 =	simm.s32 @!p0 $0x0  }
0x12: {  	s1 =	sld [smem:$0x3F9D];
	s0 =	simm.s32 @p0 $0x1  }
0x13: {  	[smem:$0x3FB8] =	sst s0;
	s0 =	simm.s32 @!p1 $0x0  }
0x14: {  	s2 =	sld [smem:$0x3F9C];
	s0 =	simm.s32 @p1 $0x1  }
0x15: {  	[smem:$0x3FB9] =	sst s0;
	s0 =	simm.s32 @!p2 $0x0  }
0x16: {  	s3 =	sld [smem:$0x3FDB];
	s0 =	simm.s32 @p2 $0x1  }
0x17: {  	s4 =	simm.s32 $0x1BF5;
	[smem:$0x3FBB] =	sst s0  }
0x18: {  	s0 =	sld [smem:$0x3F9E];
	_ =	swait.ge [sflag:s4], $0x0  }
0x19: {  	s7 =	sld [smem:$0x3F9F]  }
0x1a: {  	s8 =	sadd.s32 $0xFFFFE003, lr  }
0x1b: {  	s9 =	sadd.s32 $0xFFFFFEF7, lr;
	s5 =	simm.s32 $0xFFFFFFFF;
	p2 =	slt.u32 s8, $0xFFFFF086  }
0x1c: {  	p1 =	slt.u32 s9, $0xF7A;
	s5 =	simm.s32 @!p2 $0x0  }
0x1d: {  	s5 =	simm.s32 @p1 $0x1;
	p0 =	seq.s32 s7, s2  }
0x1e: {  	s7 =	smul.u32 @!p0 $0xF7A, s2;
	p2 =	seq.s32 @!p0 s5, $0x0  }
0x1f: {  	s9 =	smul.u32 $0xF7A, s1;
	s8 =	simm.s32 @!p0 $0x1BF5;
	p2 =	por !p2, p0  }
0x20: {  	[sflag:s8] =	ssyncset.s32 @!p0 $0xFFFFF086;
	s6 =	sadd.s32 @!p0 s3, s7;
	s7 =	simm.s32 @!p0 $0x108  }
0x21: {  	s3 =	sadd.s32 s3, s9;
	s6 =	sadd.s32 @!p0 $0x88, s6;
	s7 =	simm.s32 @p2 $0x1082  }
0x22: {  	[simem:s7], [sflag:s8] =	dma.local @!p0 [hbm:s6], $0xF7A  }
0x23: {  	s9 =	sor.u32 $0xD0000000, s2;
	s6 =	simm.s32 $0x108;
	_ =	swait.ge @!p0 [sflag:s8], $0x0  }
0x24: {  	s3 =	sadd.s32 $0x88, s3;
	s6 =	simm.s32 @!p1 $0x1082;
	[sflag:s4] =	ssyncset.s32 $0xFFFFF086  }
0x25: {  	[simem:s6], [sflag:s4] =	dma.local [hbm:s3], $0xF7A  }
0x26: {  	[smem:$0x3F9F] =	sst s1;
	(tag) =	ssettag s2;
	_ =	strace s9  }
0x27: {  	s1 =	sld [smem:$0x3FAF]  }
0x28: {  	s2 =	sld [smem:$0x3FB0]  }
0x29: {  	s4 =	sld [smem:$0x3FB2]  }
0x2a: {  	p0 =	seq.s32 s5, $0x0;
	s5 =	sld [smem:$0x3FB3]  }
0x2b: {  	s6 =	sld [smem:$0x3FB4]  }
0x2c: {  	s7 =	sld [smem:$0x3FB5]  }
0x2d: {  	s3 =	simm.s32 $0x108;
	s8 =	sld [smem:$0x3FB6]  }
0x2e: {  	s3 =	simm.s32 @!p0 $0x1082;
	s9 =	sld [smem:$0x3FB7]  }
0x2f: {  	lr =	sadd.s32 s0, s3;
	s0 =	sld [smem:$0x3FAE]  }
0x30: {  	s3 =	sld [smem:$0x3FB1]  }
0x31: {  	[smem:$0x3FBA] =	sst s10  }
0x32: {  	s10 =	sld [smem:$0x3FB8];
	_ =	sdelay $0x3  }
0x33: {  	p0 =	seq.s32 s10, $0x1;
	s10 =	sld [smem:$0x3FBA];
	_ =	sdelay $0x3  }
0x34: {  	[smem:$0x3FBA] =	sst s10  }
0x35: {  	s10 =	sld [smem:$0x3FB9];
	_ =	sdelay $0x3  }
0x36: {  	p1 =	seq.s32 s10, $0x1;
	s10 =	sld [smem:$0x3FBA];
	_ =	sdelay $0x3  }
0x37: {  	[smem:$0x3FBA] =	sst s10  }
0x38: {  	s10 =	sld [smem:$0x3FBB]  }
0x39: {  	_ = 	snop;
	(pc) =	sbr.ind lr, $3  }
0x3a: {  	_ = 	snop  }
0x3b: {  	_ = 	snop  }
0x3c: {  	p2 =	seq.s32 s10, $0x1;
	s10 =	sld [smem:$0x3FBA]  }
0x3d: {  	_ =	shalt  }
0x3e: {  	_ =	shalt  }
0x3f: {  	_ =	shalt  }
0x40: {  	_ =	shalt  }
0x41: {  	_ =	shalt  }
0x42: {  	_ =	shalt  }
0x43: {  	_ =	shalt  }
0x44: {  	_ =	shalt  }
0x45: {  	_ =	shalt  }
0x46: {  	_ =	shalt  }
0x47: {  	_ =	shalt  }
0x48: {  	_ =	shalt  }
0x49: {  	_ =	shalt  }
0x4a: {  	_ =	shalt  }
0x4b: {  	_ =	shalt  }
0x4c: {  	_ =	shalt  }
0x4d: {  	_ =	shalt  }
0x4e: {  	_ =	shalt  }
0x4f: {  	_ =	shalt  }
0x50: {  	_ =	shalt  }
0x51: {  	_ =	shalt  }
0x52: {  	_ =	shalt  }
0x53: {  	_ =	shalt  }
0x54: {  	_ =	shalt  }
0x55: {  	_ =	shalt  }
0x56: {  	_ =	shalt  }
0x57: {  	_ =	shalt  }
0x58: {  	_ =	shalt  }
0x59: {  	_ =	shalt  }
0x5a: {  	_ =	shalt  }
0x5b: {  	_ =	shalt  }
0x5c: {  	_ =	shalt  }
0x5d: {  	_ =	shalt  }
0x5e: {  	_ =	shalt  }
0x5f: {  	_ =	shalt  }
0x60: {  	_ =	shalt  }
0x61: {  	_ =	shalt  }
0x62: {  	_ =	shalt  }
0x63: {  	_ =	shalt  }
0x64: {  	_ =	shalt  }
0x65: {  	_ =	shalt  }
0x66: {  	_ =	shalt  }
0x67: {  	_ =	shalt  }
0x68: {  	_ =	shalt  }
0x69: {  	_ =	shalt  }
0x6a: {  	_ =	shalt  }
0x6b: {  	_ =	shalt  }
0x6c: {  	_ =	shalt  }
0x6d: {  	_ =	shalt  }
0x6e: {  	_ =	shalt  }
0x6f: {  	_ =	shalt  }
0x70: {  	_ =	shalt  }
0x71: {  	_ =	shalt  }
0x72: {  	_ =	shalt  }
0x73: {  	_ =	shalt  }
0x74: {  	_ =	shalt  }
0x75: {  	_ =	shalt  }
0x76: {  	_ =	shalt  }
0x77: {  	_ =	shalt  }
0x78: {  	_ =	shalt  }
0x79: {  	_ =	shalt  }
0x7a: {  	_ =	shalt  }
0x7b: {  	_ =	shalt  }
0x7c: {  	_ =	shalt  }
0x7d: {  	_ =	shalt  }
0x7e: {  	_ =	shalt  }
0x7f: {  	_ =	shalt  }
0x80: {  	_ =	shalt  }
0x81: {  	_ =	shalt  }
0x82: {  	_ =	shalt  }
0x83: {  	_ =	shalt  }
0x84: {  	_ =	shalt  }
0x85: {  	_ =	shalt  }
0x86: {  	_ =	shalt  }
0x87: {  	_ =	shalt  }
.Lfunc_end0:
.L_simem_size_0:
called_computation.1_lowered:
.L_overlay_start_0:
0x88: {  	s2 =	sld [smem:$0x3FD9]  }
0x89: {  	s3 =	sld [smem:$0x3FFE];
	_ =	sdelay $0x1  }
0x8a: {  	s1 =	srdreg.scid  }
0x8b: {  	s0 =	sand.u32 $0x1, s1  }
0x8c: {  	s17 =	sshll.u32 s0, $0xA;
	s2 =	sadd.s32 s3, s2  }
0x8d: {  	s2 =	sadd.s32 s2, s17  }
0x8e: {  	[smem:$0x3FC6] =	sst s2  }
0x8f: {  	_ = 	snop  }
0x90: {  	s2 =	sld [smem:$0x3FC9];
	(tm) =	ssettm $0x1  }
0x91: {  	s18 =	sld [smem:$0x3FFB];
	_ =	sdelay $0x3  }
0x92: {  	_ =	strace s18  }
0x93: {  	s3 =	sld [smem:$0x3FFC];
	_ =	sdelay $0x3  }
0x94: {  	_ =	strace s3  }
0x95: {  	s3 =	sld [smem:$0x3FFD];
	_ =	sdelay $0x3  }
0x96: {  	_ =	strace s3  }
0x97: {  	_ =	strace $0x8FFFFFFF  }
0x98: {  	s19 =	sld [smem:$0x3FDB];
	_ =	sdelay $0x1  }
0x99: {  	s4 =	simm.s32 $_scs_section_size  }
0x9a: {  	s5 =	simm.s32 $_size__tile_overlayer_lowered;
	s6 =	simm.s32 $_tile_overlayer_lowered  }
0x9b: {  	s22 =	simm.s32 $0x1BFF;
	s21 =	sshll.u32 s6, $0x1;
	s3 =	sadd.s32 s4, s19  }
0x9c: {  	s7 =	simm.s32 $0x0;
	s20 =	sshll.u32 s5, $0x1;
	s5 =	sadd.s32 s21, s3  }
0x9d: {  	[timem:s7], [sflag:s22] =	dma.local [hbm:s5], s20  }
0x9e: {  	_ =	swait.ge [sflag:s22], s20  }
0x9f: {  	s4 =	ssub.s32 $0x0, s20;
	[sflag:s22] =	ssyncset.done $0x0  }
0xa0: {  	[sflag:s22] =	ssyncadd.s32 s4;
	_ =	sdelay $0x1  }
0xa1: {  	s23 =	simm.s32 $0x1B8B  }
0xa2: {  	_ =	swait.ge [sflag:s23], $0x1  }
0xa3: {  	[sflag:s23] =	ssyncset.done $0x0  }
0xa4: {  	s25 =	simm.s32 $0x1B8E;
	s24 =	sld [smem:$0x3FFE];
	[sflag:s23] =	ssyncadd.s32 $0xFFFFFFFF  }
0xa5: {  	s26 =	simm.s32 $execute0_lowered;
	[smem:$0x3FD2] =	sst s25  }
0xa6: {  	s5 =	sshll.u32 s26, $0x1;
	_ =	strace $0x80000049;
	[dreg:$0x1] =	wrdreg $0xFFFFFFFF  }
0xa7: {  	s28 =	simm.s32 $_size_execute0_lowered;
	s3 =	sadd.s32 s3, s5;
	[dreg:$0x0] =	wrdreg $0x0  }
0xa8: {  	s5 =	sshll.u32 s28, $0x1;
	[dreg:$0x2] =	wrdreg s3  }
0xa9: {  	[dreg:$0x3] =	wrdreg s5  }
0xaa: {  	[dreg:$0x4] =	wrdreg $0xC0  }
0xab: {  	_ =	task [dreg:s7], $0x5FFFF  }
0xac: {  	[dreg:$0x1] =	wrdreg $0xFFFFFFFF  }
0xad: {  	[dreg:$0x0] =	wrdreg $0x60  }
0xae: {  	[dreg:$0x2] =	wrdreg s2  }
0xaf: {  	[dreg:$0x3] =	wrdreg s24  }
0xb0: {  	[dreg:$0x4] =	wrdreg $0x9  }
0xb1: {  	_ =	task.clear_ibuf [dreg:s7], $0x5FFFF;
	_ =	strace $0x90000049  }
0xb2: {  	s29 =	simm.s32 $0x9;
	_ =	strace $0x8000004B  }
0xb3: {  	_ =	swait.ge [sflag:s29], $0x1  }
0xb4: {  	[sflag:s29] =	ssyncadd.s32 $0xFFFFFFFF  }
0xb5: {  	_ =	strace $0x9000004B  }
0xb6: {  	_ =	sfence  }
0xb7: {  	s30 =	sld [smem:$0x0];
	_ =	sdelay $0x2  }
0xb8: {  	s31 =	sshll.u32 s1, $0xD;
	s1 =	sshrl.u32 s1, $0x2  }
0xb9: {  	s3 =	sand.u32 $0x4000, s31;
	s1 =	sadd.s32 s1, s30  }
0xba: {  	s0 =	sor.u32 s3, s0;
	s1 =	sshll.u32 s1, $0x11  }
0xbb: {  	s0 =	sor.u32 s1, s0  }
0xbc: {  	s0 =	sadd.s32 $0x8F2B, s0  }
0xbd: {  	[sflag:s0] =	ssyncadd.remote.s32 $0x1  }
0xbe: {  	_ =	sfence.sel $0xFFFF  }
0xbf: {  	[dreg:$0x0] =	wrdreg $0xFFFFFFFF;
	(pc) =	sbr.abs _section_cstart, $3  }
0xc0: {  	[dreg:$0x1] =	wrdreg $0xFFFFFFFF  }
0xc1: {  	_ =	task.clear_ibuf [dreg:s7], $0x2FFFF;
	_ =	strace $0x9FFFFFFF  }
0xc2: {  	(tm) =	ssettm $0x7FFFFFFF  }
0xc3: {  	_ =	shalt  }
tec
execute0_lowered:
.L_overlay_start_1:
0x0: {  	(tag) =	ssettag $0x1  }
0x1: {  	s5 =	rddreg [dreg:$0x1];
	s1 =	simm.s32 $0x0  }
0x2: {  	[smem:$0x7FF] =	sst s1;
	s3 =	sadd.s32 $0x3D1A00, s5  }
0x3: {  	s4 =	sadd.s32 $0x3D2200, s5;
	s6 =	sadd.s32 $0x3D2A00, s5  }
0x4: {  	s0 =	rddreg [dreg:$0x0];
	s7 =	sadd.s32 $0x3D3200, s5;
	s8 =	sadd.s32 $0x3D3A00, s5  }
0x5: {  	s2 =	srdreg.scid;
	s10 =	sadd.s32 $0x3D4200, s5;
	s11 =	sadd.s32 $0x3D4A00, s5  }
0x6: {  	s9 =	stileid.u32;
	s13 =	sadd.s32 $0x3D5200, s5;
	s14 =	sadd.s32 $0x3D5A00, s5  }
0x7: {  	s2 =	sand.u32 $0x1, s2;
	s24 =	sadd.s32 $0x3D6200, s5;
	s15 =	sadd.s32 $0x3D6A00, s5  }
0x8: {  	s9 =	sshll.u32 s9, $0x7;
	s16 =	sadd.s32 $0x3D7200, s5;
	s17 =	sadd.s32 $0x3D7A00, s5  }
0x9: {  	s19 =	sadd.s32 $0x3D8200, s5;
	s12 =	sshll.u32 s2, $0x6;
	s2 =	ssub.s32 $0x2, s2  }
0xa: {  	s20 =	sadd.s32 $0x3D8A00, s5;
	s25 =	sadd.s32 $0x3D9200, s5;
	s18 =	sshrl.u32 s2, $0x1  }
0xb: {  	s21 =	sadd.s32 $0x3D9A00, s5;
	s9 =	sor.u32 s12, s9;
	s2 =	ssub.s32 s2, s18  }
0xc: {  	_ =	strace $0x8000004A;
	s0 =	sadd.s32 s0, s9;
	[dreg:$0xf] =	wrdreg s2  }
0xd: {  	s26 =	sadd.s32 $0x3DA200, s5;
	s3 =	sadd.s32 s9, s3;
	[dreg:$0x3] =	wrdreg s0  }
0xe: {  	s22 =	sadd.s32 $0x3DAA00, s5;
	s4 =	sadd.s32 s9, s4;
	[dreg:$0x4] =	wrdreg s3  }
0xf: {  	s12 =	sadd.s32 $0x3E0A00, s5;
	s6 =	sadd.s32 s9, s6;
	[dreg:$0x5] =	wrdreg s4  }
0x10: {  	s7 =	sadd.s32 s9, s7;
	s8 =	sadd.s32 s9, s8;
	[dreg:$0x6] =	wrdreg s6  }
0x11: {  	s10 =	sadd.s32 s9, s10;
	s11 =	sadd.s32 s9, s11;
	[dreg:$0x7] =	wrdreg s7  }
0x12: {  	s13 =	sadd.s32 s9, s13;
	s14 =	sadd.s32 s9, s14;
	[dreg:$0x8] =	wrdreg s8  }
0x13: {  	s18 =	sadd.s32 s9, s24;
	s23 =	sadd.s32 s9, s15;
	[dreg:$0x9] =	wrdreg s10  }
0x14: {  	s15 =	sadd.s32 s9, s16;
	s16 =	sadd.s32 s9, s17;
	[dreg:$0xa] =	wrdreg s11  }
0x15: {  	s17 =	sadd.s32 s9, s19;
	s19 =	sadd.s32 s9, s25;
	[dreg:$0xb] =	wrdreg s13  }
0x16: {  	s22 =	sadd.s32 s9, s22;
	s24 =	sadd.s32 $0x3DB200, s5;
	[dreg:$0xc] =	wrdreg s14  }
0x17: {  	s25 =	sadd.s32 $0x3DBA00, s5;
	[dreg:$0xd] =	wrdreg s18;
	s18 =	sadd.s32 s9, s20  }
0x18: {  	s20 =	sadd.s32 s9, s21;
	s21 =	sadd.s32 s9, s26;
	s26 =	sadd.s32 $0x3DC200, s5  }
0x19: {  	[dreg:$0xe] =	wrdreg s23;
	s2 =	sadd.s32 $0x3DCA00, s5;
	s3 =	sadd.s32 $0x3DD200, s5  }
0x1a: {  	s23 =	sadd.s32 s9, s24;
	s4 =	sadd.s32 $0x3DDA00, s5;
	s6 =	sadd.s32 $0x3DE200, s5  }
0x1b: {  	s24 =	sadd.s32 s9, s25;
	s7 =	sadd.s32 $0x3DEA00, s5;
	s8 =	sadd.s32 $0x3DF200, s5  }
0x1c: {  	s10 =	sadd.s32 $0x3DFA00, s5;
	s11 =	sadd.s32 $0x3E0200, s5;
	s13 =	sadd.s32 s9, s5  }
0x1d: {  	s5 =	sadd.s32 $0x800, s5;
	s25 =	sadd.s32 s9, s26;
	s26 =	sadd.s32 s9, s2  }
0x1e: {  	s28 =	sadd.s32 s9, s3;
	s29 =	sadd.s32 s9, s4;
	s30 =	sadd.s32 s9, s6  }
0x1f: {  	s31 =	sadd.s32 s9, s7;
	s0 =	sadd.s32 s9, s8;
	s2 =	sadd.s32 s9, s10  }
0x20: {  	s3 =	sadd.s32 s9, s11;
	s4 =	sadd.s32 s9, s12;
	s6 =	sadd.s32 $0x3D1200, s13  }
0x21: {  	s14 =	rddreg [dreg:$0xf];
	s8 =	simm.s32 $0x2;
	s9 =	simm.s32 $0x4200  }
0x22: {  	s10 =	simm.s32 $0x1;
	s11 =	simm.s32 $0x0;
	s7 =	smax.u32 s14, $0x1  }
.LBB2_1:
0x23: {  	s12 =	rddreg [dreg:$0x3]  }
0x24: {  	[tilespmem:s1], [sflag:$0x2] =	stream.linear.gather [hbm4b:s12+s1], $0x200, $0x38;
	[tilespmem:$0x8200] =	vst v63  }
0x25: {  	_ =	swait.ge [sflag:s8], $0x200  }
0x26: {  	[sflag:s8] =	ssyncset.done $0x0  }
0x27: {  	s13 =	simm.s32 $0x0;
	[sflag:s8] =	ssyncadd.s32 $0xFFFFFE00  }
0x28: {  	v2 =	vld [tilespmem:s13+$0x0];
	_ =	sdelay $0x4  }
0x29: {  	v0 =	vshll.u32 v2, $0x5  }
0x2a: {  	v3 =	vand.u32 $0x7F, v2;
	vm0 =	vgt.s32 v2, $0xF41FF;
	v1 =	vand.u32 $0xFFFFF000, v0  }
0x2b: {  	v18 =	vor.u32 $0x1, v0;
	v19 =	vor.u32 $0x2, v0;
	v36 =	vor.u32 $0x3, v0  }
0x2c: {  	v2 =	vor.u32 $0x1F, v0;
	v43 =	vor.u32 $0x4, v0;
	v52 =	vor.u32 $0x5, v0  }
0x2d: {  	v53 =	vor.u32 $0x6, v0;
	v54 =	vor.u32 $0x7, v0;
	v55 =	vor.u32 $0x8, v0  }
0x2e: {  	v56 =	vor.u32 $0x9, v0;
	v57 =	vor.u32 $0xA, v0;
	v58 =	vor.u32 $0xB, v0  }
0x2f: {  	v59 =	vor.u32 $0xC, v0;
	v60 =	vor.u32 $0xD, v0;
	v61 =	vor.u32 $0xE, v0  }
0x30: {  	v35 =	vor.u32 $0xF, v0;
	v34 =	vor.u32 $0x10, v0;
	v33 =	vor.u32 $0x11, v0  }
0x31: {  	v32 =	vor.u32 $0x12, v0;
	v31 =	vor.u32 $0x13, v0;
	v30 =	vor.u32 $0x14, v0  }
0x32: {  	v29 =	vor.u32 $0x15, v0;
	v28 =	vor.u32 $0x16, v0;
	v27 =	vor.u32 $0x17, v0  }
0x33: {  	v26 =	vor.u32 $0x18, v0;
	v25 =	vor.u32 $0x19, v0;
	v23 =	vor.u32 $0x1A, v0  }
0x34: {  	v22 =	vor.u32 $0x1B, v0;
	v21 =	vor.u32 $0x1C, v0;
	v1 =	vor.u32 v3, v1  }
0x35: {  	v20 =	vor.u32 $0x1D, v0;
	v3 =	vor.u32 $0xF80, v1;
	v24 =	vor.u32 $0x80, v1  }
0x36: {  	v37 =	vor.u32 $0x100, v1;
	v39 =	vor.u32 $0x180, v1;
	v40 =	vor.u32 $0x200, v1  }
0x37: {  	v41 =	vor.u32 $0x280, v1;
	v42 =	vor.u32 $0x300, v1;
	v44 =	vor.u32 $0x380, v1  }
0x38: {  	v45 =	vor.u32 $0x400, v1;
	v46 =	vor.u32 $0x480, v1;
	v47 =	vor.u32 $0x500, v1  }
0x39: {  	v48 =	vor.u32 $0x580, v1;
	v49 =	vor.u32 $0x600, v1;
	v50 =	vor.u32 $0x680, v1  }
0x3a: {  	v51 =	vor.u32 $0x700, v1;
	v17 =	vor.u32 $0x780, v1;
	v16 =	vor.u32 $0x800, v1  }
0x3b: {  	v15 =	vor.u32 $0x880, v1;
	v14 =	vor.u32 $0x900, v1;
	v13 =	vor.u32 $0x980, v1  }
0x3c: {  	v12 =	vor.u32 $0xA00, v1;
	v11 =	vor.u32 $0xA80, v1;
	v10 =	vor.u32 $0xB00, v1  }
0x3d: {  	v9 =	vor.u32 $0xB80, v1;
	v8 =	vor.u32 $0xC00, v1;
	v7 =	vor.u32 $0xC80, v1  }
0x3e: {  	v6 =	vor.u32 $0xD00, v1;
	v5 =	vor.u32 $0xD80, v1;
	v4 =	vor.u32 $0xF00, v1  }
0x3f: {  	v38 =	vsel vm0, v2, v3;
	v3 =	vor.u32 $0xE00, v1;
	v2 =	vor.u32 $0xE80, v1  }
0x40: {  	v18 =	vsel vm0, v18, v24;
	v19 =	vsel vm0, v19, v37;
	v24 =	vor.u32 $0x1E, v0;
	[tilespmem:s13+$0x4000] =	vst v38  }
0x41: {  	v63 =	vsel vm0, v43, v40;
	v43 =	vsel vm0, v52, v41;
	v42 =	vsel vm0, v53, v42;
	[tilespmem:s13+$0x400] =	vst v18  }
0x42: {  	v41 =	vsel vm0, v54, v44;
	v40 =	vsel vm0, v55, v45;
	v37 =	vsel vm0, v60, v50;
	[tilespmem:s13+$0x600] =	vst v19  }
0x43: {  	v18 =	vsel vm0, v36, v39;
	v39 =	vsel vm0, v57, v47;
	v19 =	vsel vm0, v58, v48;
	[tilespmem:s13+$0xA00] =	vst v63  }
0x44: {  	s14 =	simm.s32 $0x80;
	s12 =	simm.s32 $0x10;
	v38 =	vsel vm0, v59, v49;
	v36 =	vsel vm0, v61, v51;
	[tilespmem:s13+$0x800] =	vst v18;
	v18 =	vsel vm0, v56, v46  }
.LBB2_2:
0x45: {  	p0 =	sne.s32 s14, $0x7C0;
	v44 =	vld [tilespmem:s12+$0x0];
	[tilespmem:s13+$0xC00] =	vst v43;
	v17 =	vsel vm0, v35, v17;
	v16 =	vsel vm0, v34, v16;
	v15 =	vsel vm0, v33, v15  }
0x46: {  	v14 =	vsel vm0, v32, v14;
	v31 =	vsel vm0, v31, v13;
	v30 =	vsel vm0, v30, v12;
	[tilespmem:s13+$0xE00] =	vst v42  }
0x47: {  	v29 =	vsel vm0, v29, v11;
	v28 =	vsel vm0, v28, v10;
	v27 =	vsel vm0, v27, v9;
	[tilespmem:s13+$0x1000] =	vst v41  }
0x48: {  	v26 =	vsel vm0, v26, v8;
	v25 =	vsel vm0, v25, v7;
	v23 =	vsel vm0, v23, v6;
	[tilespmem:s13+$0x1200] =	vst v40  }
0x49: {  	v21 =	vsel vm0, v21, v3;
	v20 =	vsel vm0, v20, v2;
	[tilespmem:s13+$0x1400] =	vst v18;
	v18 =	vsel vm0, v22, v5  }
0x4a: {  	v40 =	vsel vm0, v0, v1;
	v22 =	vsel vm0, v24, v4;
	v0 =	vshll.u32 v44, $0x5;
	[tilespmem:s13+$0x1600] =	vst v39  }
0x4b: {  	v2 =	vand.u32 $0x7F, v44;
	v1 =	vand.u32 $0xFFFFF000, v0;
	v24 =	vor.u32 $0x1, v0;
	[tilespmem:s13+$0x1800] =	vst v19  }
0x4c: {  	v19 =	vor.u32 $0x2, v0;
	v39 =	vor.u32 $0x3, v0;
	v1 =	vor.u32 v2, v1;
	[tilespmem:s13+$0x1A00] =	vst v38  }
0x4d: {  	vm0 =	vgt.s32 v44, $0xF41FF;
	v2 =	vor.u32 $0x1F, v0;
	v3 =	vor.u32 $0xF80, v1;
	[tilespmem:s13+$0x1C00] =	vst v37  }
0x4e: {  	v37 =	vor.u32 $0x80, v1;
	v38 =	vor.u32 $0x100, v1;
	v2 =	vsel vm0, v2, v3;
	[tilespmem:s13+$0x1E00] =	vst v36  }
0x4f: {  	v41 =	vor.u32 $0x200, v1;
	v42 =	vor.u32 $0x280, v1;
	v36 =	vor.u32 $0x180, v1;
	[tilespmem:s12+$0x4000] =	vst v2  }
0x50: {  	v44 =	vor.u32 $0x300, v1;
	v45 =	vor.u32 $0x380, v1;
	v46 =	vor.u32 $0x400, v1;
	[tilespmem:s13+$0x2000] =	vst v17  }
0x51: {  	v47 =	vor.u32 $0x480, v1;
	v48 =	vor.u32 $0x500, v1;
	v49 =	vor.u32 $0x580, v1;
	[tilespmem:s13+$0x2200] =	vst v16  }
0x52: {  	v50 =	vor.u32 $0x600, v1;
	v51 =	vor.u32 $0x680, v1;
	v52 =	vor.u32 $0x700, v1;
	[tilespmem:s13+$0x2400] =	vst v15  }
0x53: {  	v17 =	vor.u32 $0x780, v1;
	v16 =	vor.u32 $0x800, v1;
	v15 =	vor.u32 $0x880, v1;
	[tilespmem:s13+$0x2600] =	vst v14  }
0x54: {  	v13 =	vor.u32 $0x980, v1;
	v12 =	vor.u32 $0xA00, v1;
	v14 =	vor.u32 $0x900, v1;
	[tilespmem:s13+$0x2800] =	vst v31  }
0x55: {  	v11 =	vor.u32 $0xA80, v1;
	v10 =	vor.u32 $0xB00, v1;
	v9 =	vor.u32 $0xB80, v1;
	[tilespmem:s13+$0x2A00] =	vst v30  }
0x56: {  	v8 =	vor.u32 $0xC00, v1;
	v7 =	vor.u32 $0xC80, v1;
	v6 =	vor.u32 $0xD00, v1;
	[tilespmem:s13+$0x2C00] =	vst v29  }
0x57: {  	v5 =	vor.u32 $0xD80, v1;
	v3 =	vor.u32 $0xE00, v1;
	v2 =	vor.u32 $0xE80, v1;
	[tilespmem:s13+$0x2E00] =	vst v28  }
0x58: {  	v43 =	vor.u32 $0x4, v0;
	v53 =	vor.u32 $0x5, v0;
	v4 =	vor.u32 $0xF00, v1;
	[tilespmem:s13+$0x3000] =	vst v27  }
0x59: {  	v54 =	vor.u32 $0x6, v0;
	v55 =	vor.u32 $0x7, v0;
	v56 =	vor.u32 $0x8, v0;
	[tilespmem:s13+$0x3200] =	vst v26  }
0x5a: {  	v57 =	vor.u32 $0x9, v0;
	v58 =	vor.u32 $0xA, v0;
	v59 =	vor.u32 $0xB, v0;
	[tilespmem:s13+$0x3400] =	vst v25  }
0x5b: {  	v60 =	vor.u32 $0xC, v0;
	v61 =	vor.u32 $0xD, v0;
	v62 =	vor.u32 $0xE, v0;
	[tilespmem:s13+$0x3600] =	vst v23  }
0x5c: {  	v35 =	vor.u32 $0xF, v0;
	v34 =	vor.u32 $0x10, v0;
	v33 =	vor.u32 $0x11, v0;
	[tilespmem:s13+$0x3800] =	vst v18  }
0x5d: {  	v32 =	vor.u32 $0x12, v0;
	v31 =	vor.u32 $0x13, v0;
	v30 =	vor.u32 $0x14, v0;
	[tilespmem:s13+$0x3A00] =	vst v21  }
0x5e: {  	v29 =	vor.u32 $0x15, v0;
	v28 =	vor.u32 $0x16, v0;
	v27 =	vor.u32 $0x17, v0;
	[tilespmem:s13+$0x3C00] =	vst v20  }
0x5f: {  	v26 =	vor.u32 $0x18, v0;
	v25 =	vor.u32 $0x19, v0;
	v23 =	vor.u32 $0x1A, v0;
	[tilespmem:s13+$0x3E00] =	vst v22  }
0x60: {  	v21 =	vor.u32 $0x1C, v0;
	v20 =	vor.u32 $0x1D, v0;
	v22 =	vor.u32 $0x1B, v0;
	[tilespmem:s13+$0x200] =	vst v40;
	s13 =	smov.u32 s12  }
.Ltmp0:
0x61: {  	v19 =	vsel vm0, v19, v38;
	v18 =	vsel vm0, v24, v37;
	v24 =	vor.u32 $0x1E, v0;
	(pc) =	sbr.rel @p0 .LBB2_2-.Ltmp0, $4  }
0x62: {  	[tilespmem:s13+$0x400] =	vst v18;
	v18 =	vsel vm0, v39, v36;
	v36 =	vsel vm0, v43, v41;
	v43 =	vsel vm0, v53, v42  }
0x63: {  	v40 =	vsel vm0, v56, v46;
	v42 =	vsel vm0, v54, v44;
	v41 =	vsel vm0, v55, v45;
	[tilespmem:s13+$0x600] =	vst v19  }
0x64: {  	v39 =	vsel vm0, v58, v48;
	v19 =	vsel vm0, v59, v49;
	[tilespmem:s13+$0x800] =	vst v18;
	v18 =	vsel vm0, v57, v47  }
0x65: {  	v38 =	vsel vm0, v60, v50;
	v37 =	vsel vm0, v61, v51;
	s12 =	sshra.s32 s14, $0x2;
	s14 =	sadd.s32 $0x40, s14;
	[tilespmem:s13+$0xA00] =	vst v36;
	v36 =	vsel vm0, v62, v52  }
0x66: {  	v44 =	vld [tilespmem:s12+$0x0];
	[tilespmem:s13+$0xC00] =	vst v43  }
0x67: {  	[tilespmem:s13+$0xE00] =	vst v42  }
0x68: {  	[tilespmem:s13+$0x1000] =	vst v41  }
0x69: {  	[tilespmem:s13+$0x1200] =	vst v40  }
0x6a: {  	[tilespmem:s13+$0x1400] =	vst v18  }
0x6b: {  	[tilespmem:s13+$0x1600] =	vst v39;
	v18 =	vshll.u32 v44, $0x5  }
0x6c: {  	[tilespmem:s13+$0x1800] =	vst v19;
	v52 =	vand.u32 $0x7F, v44;
	v51 =	vand.u32 $0xFFFFF000, v18  }
0x6d: {  	[tilespmem:s13+$0x1A00] =	vst v38;
	v19 =	vor.u32 v52, v51  }
0x6e: {  	[tilespmem:s13+$0x1C00] =	vst v37;
	vm1 =	vgt.s32 v44, $0xF41FF;
	v53 =	vor.u32 $0x1F, v18;
	v39 =	vor.u32 $0xF80, v19  }
0x6f: {  	[tilespmem:s13+$0x1E00] =	vst v36;
	v54 =	vsel vm1, v53, v39  }
0x70: {  	v17 =	vsel vm0, v35, v17;
	[tilespmem:s12+$0x4000] =	vst v54  }
0x71: {  	v16 =	vsel vm0, v34, v16;
	[tilespmem:s13+$0x2000] =	vst v17  }
0x72: {  	v15 =	vsel vm0, v33, v15;
	[tilespmem:s13+$0x2200] =	vst v16  }
0x73: {  	v14 =	vsel vm0, v32, v14;
	[tilespmem:s13+$0x2400] =	vst v15  }
0x74: {  	v13 =	vsel vm0, v31, v13;
	[tilespmem:s13+$0x2600] =	vst v14  }
0x75: {  	v12 =	vsel vm0, v30, v12;
	[tilespmem:s13+$0x2800] =	vst v13  }
0x76: {  	v11 =	vsel vm0, v29, v11;
	[tilespmem:s13+$0x2A00] =	vst v12  }
0x77: {  	v10 =	vsel vm0, v28, v10;
	[tilespmem:s13+$0x2C00] =	vst v11  }
0x78: {  	v9 =	vsel vm0, v27, v9;
	[tilespmem:s13+$0x2E00] =	vst v10  }
0x79: {  	v8 =	vsel vm0, v26, v8;
	[tilespmem:s13+$0x3000] =	vst v9  }
0x7a: {  	v7 =	vsel vm0, v25, v7;
	[tilespmem:s13+$0x3200] =	vst v8  }
0x7b: {  	v6 =	vsel vm0, v23, v6;
	[tilespmem:s13+$0x3400] =	vst v7  }
0x7c: {  	v5 =	vsel vm0, v22, v5;
	[tilespmem:s13+$0x3600] =	vst v6  }
0x7d: {  	v3 =	vsel vm0, v21, v3;
	[tilespmem:s13+$0x3800] =	vst v5  }
0x7e: {  	v2 =	vsel vm0, v20, v2;
	[tilespmem:s13+$0x3A00] =	vst v3  }
0x7f: {  	v55 =	vsel vm0, v24, v4;
	[tilespmem:s13+$0x3C00] =	vst v2  }
0x80: {  	v0 =	vsel vm0, v0, v1;
	v56 =	vor.u32 $0x1, v18;
	v57 =	vor.u32 $0x80, v19;
	[tilespmem:s13+$0x3E00] =	vst v55  }
0x81: {  	v58 =	vor.u32 $0x2, v18;
	v59 =	vor.u32 $0x100, v19;
	v1 =	vsel vm1, v56, v57;
	[tilespmem:s13+$0x200] =	vst v0  }
0x82: {  	v60 =	vor.u32 $0x3, v18;
	v61 =	vor.u32 $0x180, v19;
	v0 =	vsel vm1, v58, v59;
	[tilespmem:s12+$0x400] =	vst v1  }
0x83: {  	v63 =	vor.u32 $0x4, v18;
	v62 =	vor.u32 $0x200, v19;
	v2 =	vsel vm1, v60, v61;
	[tilespmem:s12+$0x600] =	vst v0  }
0x84: {  	v8 =	vor.u32 $0x280, v19;
	v9 =	vor.u32 $0x5, v18;
	v1 =	vsel vm1, v63, v62;
	[tilespmem:s12+$0x800] =	vst v2  }
0x85: {  	v10 =	vor.u32 $0x300, v19;
	v11 =	vor.u32 $0x6, v18;
	v0 =	vsel vm1, v9, v8;
	[tilespmem:s12+$0xA00] =	vst v1  }
0x86: {  	v60 =	vor.u32 $0xF00, v19;
	v61 =	vor.u32 $0x1E, v18;
	v2 =	vsel vm1, v11, v10;
	[tilespmem:s12+$0xC00] =	vst v0  }
0x87: {  	v62 =	vsel vm1, v61, v60;
	[tilespmem:s12+$0xE00] =	vst v2  }
0x88: {  	v12 =	vor.u32 $0x380, v19;
	v13 =	vor.u32 $0x7, v18;
	v63 =	vsel vm1, v18, v19;
	[tilespmem:s12+$0x3E00] =	vst v62  }
0x89: {  	v14 =	vor.u32 $0x400, v19;
	v15 =	vor.u32 $0x8, v18;
	v1 =	vsel vm1, v13, v12;
	[tilespmem:s12+$0x200] =	vst v63  }
0x8a: {  	v16 =	vor.u32 $0x480, v19;
	v17 =	vor.u32 $0x9, v18;
	v0 =	vsel vm1, v15, v14;
	[tilespmem:s12+$0x1000] =	vst v1  }
0x8b: {  	v21 =	vor.u32 $0xA, v18;
	v20 =	vor.u32 $0x500, v19;
	v2 =	vsel vm1, v17, v16;
	[tilespmem:s12+$0x1200] =	vst v0  }
0x8c: {  	v23 =	vor.u32 $0xB, v18;
	v22 =	vor.u32 $0x580, v19;
	v1 =	vsel vm1, v21, v20;
	[tilespmem:s12+$0x1400] =	vst v2  }
0x8d: {  	v25 =	vor.u32 $0xC, v18;
	v24 =	vor.u32 $0x600, v19;
	v0 =	vsel vm1, v23, v22;
	[tilespmem:s12+$0x1600] =	vst v1  }
0x8e: {  	v27 =	vor.u32 $0xD, v18;
	v26 =	vor.u32 $0x680, v19;
	v2 =	vsel vm1, v25, v24;
	[tilespmem:s12+$0x1800] =	vst v0  }
0x8f: {  	v29 =	vor.u32 $0xE, v18;
	v28 =	vor.u32 $0x700, v19;
	v1 =	vsel vm1, v27, v26;
	[tilespmem:s12+$0x1A00] =	vst v2  }
0x90: {  	v31 =	vor.u32 $0xF, v18;
	v30 =	vor.u32 $0x780, v19;
	v0 =	vsel vm1, v29, v28;
	[tilespmem:s12+$0x1C00] =	vst v1  }
0x91: {  	v33 =	vor.u32 $0x10, v18;
	v32 =	vor.u32 $0x800, v19;
	v2 =	vsel vm1, v31, v30;
	[tilespmem:s12+$0x1E00] =	vst v0  }
0x92: {  	v35 =	vor.u32 $0x11, v18;
	v34 =	vor.u32 $0x880, v19;
	v1 =	vsel vm1, v33, v32;
	[tilespmem:s12+$0x2000] =	vst v2  }
0x93: {  	v37 =	vor.u32 $0x12, v18;
	v36 =	vor.u32 $0x900, v19;
	v0 =	vsel vm1, v35, v34;
	[tilespmem:s12+$0x2200] =	vst v1  }
0x94: {  	v38 =	vor.u32 $0x980, v19;
	v39 =	vor.u32 $0x13, v18;
	v2 =	vsel vm1, v37, v36;
	[tilespmem:s12+$0x2400] =	vst v0  }
0x95: {  	v41 =	vor.u32 $0x14, v18;
	v40 =	vor.u32 $0xA00, v19;
	v1 =	vsel vm1, v39, v38;
	[tilespmem:s12+$0x2600] =	vst v2  }
0x96: {  	v43 =	vor.u32 $0x15, v18;
	v42 =	vor.u32 $0xA80, v19;
	v0 =	vsel vm1, v41, v40;
	[tilespmem:s12+$0x2800] =	vst v1  }
0x97: {  	v45 =	vor.u32 $0x16, v18;
	v44 =	vor.u32 $0xB00, v19;
	v2 =	vsel vm1, v43, v42;
	[tilespmem:s12+$0x2A00] =	vst v0  }
0x98: {  	v47 =	vor.u32 $0x17, v18;
	v46 =	vor.u32 $0xB80, v19;
	v1 =	vsel vm1, v45, v44;
	[tilespmem:s12+$0x2C00] =	vst v2  }
0x99: {  	v49 =	vor.u32 $0x18, v18;
	v48 =	vor.u32 $0xC00, v19;
	v0 =	vsel vm1, v47, v46;
	[tilespmem:s12+$0x2E00] =	vst v1  }
0x9a: {  	v51 =	vor.u32 $0x19, v18;
	v50 =	vor.u32 $0xC80, v19;
	v2 =	vsel vm1, v49, v48;
	[tilespmem:s12+$0x3000] =	vst v0  }
0x9b: {  	v52 =	vor.u32 $0xD00, v19;
	v53 =	vor.u32 $0x1A, v18;
	v1 =	vsel vm1, v51, v50;
	[tilespmem:s12+$0x3200] =	vst v2  }
0x9c: {  	v54 =	vor.u32 $0xD80, v19;
	v55 =	vor.u32 $0x1B, v18;
	v0 =	vsel vm1, v53, v52;
	[tilespmem:s12+$0x3400] =	vst v1  }
0x9d: {  	v56 =	vor.u32 $0xE00, v19;
	v57 =	vor.u32 $0x1C, v18;
	v2 =	vsel vm1, v55, v54;
	[tilespmem:s12+$0x3600] =	vst v0  }
0x9e: {  	v58 =	vor.u32 $0xE80, v19;
	v59 =	vor.u32 $0x1D, v18;
	v1 =	vsel vm1, v57, v56;
	[tilespmem:s12+$0x3800] =	vst v2  }
0x9f: {  	v0 =	vsel vm1, v59, v58;
	[tilespmem:s12+$0x3A00] =	vst v1  }
0xa0: {  	s14 =	simm.s32 $0x200;
	s13 =	simm.s32 $0x4000;
	[tilespmem:s12+$0x3C00] =	vst v0  }
0xa1: {  	[tilespmem:s9], [sflag:$0x1] =	stream.indirect.gather [hbm4b:s5+s13], $0x1, s14, s13, $0xb8;
	[tilespmem:$0x8200] =	vst v63  }
0xa2: {  	_ =	swait.ge [sflag:s10], $0x4000  }
0xa3: {  	[sflag:s10] =	ssyncset.done $0x0  }
0xa4: {  	[sflag:s10] =	ssyncadd.s32 $0xFFFFC000  }
0xa5: {  	[hbm4b:s6+s1] =	stream.linear.scatter [tilespmem:s9], [sflag:$0x2], $0x200, $0x38;
	[tilespmem:$0x8200] =	vst v63  }
0xa6: {  	_ =	swait.ge [sflag:s8], $0x200  }
0xa7: {  	[sflag:s8] =	ssyncset.done $0x0  }
0xa8: {  	s14 =	simm.s32 $0x4400;
	s13 =	rddreg [dreg:$0x4];
	[sflag:s8] =	ssyncadd.s32 $0xFFFFFE00  }
0xa9: {  	[hbm4b:s13+s1] =	stream.linear.scatter [tilespmem:s14], [sflag:$0x2], $0x200, $0x38;
	[tilespmem:$0x8200] =	vst v63  }
0xaa: {  	_ =	swait.ge [sflag:s8], $0x200  }
0xab: {  	[sflag:s8] =	ssyncset.done $0x0  }
0xac: {  	s14 =	simm.s32 $0x4600;
	s13 =	rddreg [dreg:$0x5];
	[sflag:s8] =	ssyncadd.s32 $0xFFFFFE00  }
0xad: {  	[hbm4b:s13+s1] =	stream.linear.scatter [tilespmem:s14], [sflag:$0x2], $0x200, $0x38;
	[tilespmem:$0x8200] =	vst v63  }
0xae: {  	_ =	swait.ge [sflag:s8], $0x200  }
0xaf: {  	[sflag:s8] =	ssyncset.done $0x0  }
0xb0: {  	s14 =	simm.s32 $0x4800;
	s13 =	rddreg [dreg:$0x6];
	[sflag:s8] =	ssyncadd.s32 $0xFFFFFE00  }
0xb1: {  	[hbm4b:s13+s1] =	stream.linear.scatter [tilespmem:s14], [sflag:$0x2], $0x200, $0x38;
	[tilespmem:$0x8200] =	vst v63  }
0xb2: {  	_ =	swait.ge [sflag:s8], $0x200  }
0xb3: {  	[sflag:s8] =	ssyncset.done $0x0  }
0xb4: {  	s14 =	simm.s32 $0x4A00;
	s13 =	rddreg [dreg:$0x7];
	[sflag:s8] =	ssyncadd.s32 $0xFFFFFE00  }
0xb5: {  	[hbm4b:s13+s1] =	stream.linear.scatter [tilespmem:s14], [sflag:$0x2], $0x200, $0x38;
	[tilespmem:$0x8200] =	vst v63  }
0xb6: {  	_ =	swait.ge [sflag:s8], $0x200  }
0xb7: {  	[sflag:s8] =	ssyncset.done $0x0  }
0xb8: {  	s14 =	simm.s32 $0x4C00;
	s13 =	rddreg [dreg:$0x8];
	[sflag:s8] =	ssyncadd.s32 $0xFFFFFE00  }
0xb9: {  	[hbm4b:s13+s1] =	stream.linear.scatter [tilespmem:s14], [sflag:$0x2], $0x200, $0x38;
	[tilespmem:$0x8200] =	vst v63  }
0xba: {  	_ =	swait.ge [sflag:s8], $0x200  }
0xbb: {  	[sflag:s8] =	ssyncset.done $0x0  }
0xbc: {  	s14 =	simm.s32 $0x4E00;
	s13 =	rddreg [dreg:$0x9];
	[sflag:s8] =	ssyncadd.s32 $0xFFFFFE00  }
0xbd: {  	[hbm4b:s13+s1] =	stream.linear.scatter [tilespmem:s14], [sflag:$0x2], $0x200, $0x38;
	[tilespmem:$0x8200] =	vst v63  }
0xbe: {  	_ =	swait.ge [sflag:s8], $0x200  }
0xbf: {  	[sflag:s8] =	ssyncset.done $0x0  }
0xc0: {  	s14 =	simm.s32 $0x5000;
	s13 =	rddreg [dreg:$0xa];
	[sflag:s8] =	ssyncadd.s32 $0xFFFFFE00  }
0xc1: {  	[hbm4b:s13+s1] =	stream.linear.scatter [tilespmem:s14], [sflag:$0x2], $0x200, $0x38;
	[tilespmem:$0x8200] =	vst v63  }
0xc2: {  	_ =	swait.ge [sflag:s8], $0x200  }
0xc3: {  	[sflag:s8] =	ssyncset.done $0x0  }
0xc4: {  	s14 =	simm.s32 $0x5200;
	s13 =	rddreg [dreg:$0xb];
	[sflag:s8] =	ssyncadd.s32 $0xFFFFFE00  }
0xc5: {  	[hbm4b:s13+s1] =	stream.linear.scatter [tilespmem:s14], [sflag:$0x2], $0x200, $0x38;
	[tilespmem:$0x8200] =	vst v63  }
0xc6: {  	_ =	swait.ge [sflag:s8], $0x200  }
0xc7: {  	[sflag:s8] =	ssyncset.done $0x0  }
0xc8: {  	s14 =	simm.s32 $0x5400;
	s13 =	rddreg [dreg:$0xc];
	[sflag:s8] =	ssyncadd.s32 $0xFFFFFE00  }
0xc9: {  	[hbm4b:s13+s1] =	stream.linear.scatter [tilespmem:s14], [sflag:$0x2], $0x200, $0x38;
	[tilespmem:$0x8200] =	vst v63  }
0xca: {  	_ =	swait.ge [sflag:s8], $0x200  }
0xcb: {  	[sflag:s8] =	ssyncset.done $0x0  }
0xcc: {  	s14 =	simm.s32 $0x5600;
	s13 =	rddreg [dreg:$0xd];
	[sflag:s8] =	ssyncadd.s32 $0xFFFFFE00  }
0xcd: {  	[hbm4b:s13+s1] =	stream.linear.scatter [tilespmem:s14], [sflag:$0x2], $0x200, $0x38;
	[tilespmem:$0x8200] =	vst v63  }
0xce: {  	_ =	swait.ge [sflag:s8], $0x200  }
0xcf: {  	[sflag:s8] =	ssyncset.done $0x0  }
0xd0: {  	s14 =	simm.s32 $0x5800;
	s13 =	rddreg [dreg:$0xe];
	[sflag:s8] =	ssyncadd.s32 $0xFFFFFE00  }
0xd1: {  	[hbm4b:s13+s1] =	stream.linear.scatter [tilespmem:s14], [sflag:$0x2], $0x200, $0x38;
	[tilespmem:$0x8200] =	vst v63  }
0xd2: {  	_ =	swait.ge [sflag:s8], $0x200  }
0xd3: {  	[sflag:s8] =	ssyncset.done $0x0  }
0xd4: {  	s13 =	simm.s32 $0x5A00;
	[sflag:s8] =	ssyncadd.s32 $0xFFFFFE00  }
0xd5: {  	[hbm4b:s15+s1] =	stream.linear.scatter [tilespmem:s13], [sflag:$0x2], $0x200, $0x38;
	[tilespmem:$0x8200] =	vst v63  }
0xd6: {  	_ =	swait.ge [sflag:s8], $0x200  }
0xd7: {  	[sflag:s8] =	ssyncset.done $0x0  }
0xd8: {  	s14 =	simm.s32 $0x5C00;
	[sflag:s8] =	ssyncadd.s32 $0xFFFFFE00  }
0xd9: {  	[hbm4b:s16+s1] =	stream.linear.scatter [tilespmem:s14], [sflag:$0x2], $0x200, $0x38;
	[tilespmem:$0x8200] =	vst v63  }
0xda: {  	_ =	swait.ge [sflag:s8], $0x200  }
0xdb: {  	[sflag:s8] =	ssyncset.done $0x0  }
0xdc: {  	s13 =	simm.s32 $0x5E00;
	[sflag:s8] =	ssyncadd.s32 $0xFFFFFE00  }
0xdd: {  	[hbm4b:s17+s1] =	stream.linear.scatter [tilespmem:s13], [sflag:$0x2], $0x200, $0x38;
	[tilespmem:$0x8200] =	vst v63  }
0xde: {  	_ =	swait.ge [sflag:s8], $0x200  }
0xdf: {  	[sflag:s8] =	ssyncset.done $0x0  }
0xe0: {  	s14 =	simm.s32 $0x6000;
	[sflag:s8] =	ssyncadd.s32 $0xFFFFFE00  }
0xe1: {  	[hbm4b:s18+s1] =	stream.linear.scatter [tilespmem:s14], [sflag:$0x2], $0x200, $0x38;
	[tilespmem:$0x8200] =	vst v63  }
0xe2: {  	_ =	swait.ge [sflag:s8], $0x200  }
0xe3: {  	[sflag:s8] =	ssyncset.done $0x0  }
0xe4: {  	s13 =	simm.s32 $0x6200;
	[sflag:s8] =	ssyncadd.s32 $0xFFFFFE00  }
0xe5: {  	[hbm4b:s19+s1] =	stream.linear.scatter [tilespmem:s13], [sflag:$0x2], $0x200, $0x38;
	[tilespmem:$0x8200] =	vst v63  }
0xe6: {  	_ =	swait.ge [sflag:s8], $0x200  }
0xe7: {  	[sflag:s8] =	ssyncset.done $0x0  }
0xe8: {  	s14 =	simm.s32 $0x6400;
	[sflag:s8] =	ssyncadd.s32 $0xFFFFFE00  }
0xe9: {  	[hbm4b:s20+s1] =	stream.linear.scatter [tilespmem:s14], [sflag:$0x2], $0x200, $0x38;
	[tilespmem:$0x8200] =	vst v63  }
0xea: {  	_ =	swait.ge [sflag:s8], $0x200  }
0xeb: {  	[sflag:s8] =	ssyncset.done $0x0  }
0xec: {  	s13 =	simm.s32 $0x6600;
	[sflag:s8] =	ssyncadd.s32 $0xFFFFFE00  }
0xed: {  	[hbm4b:s21+s1] =	stream.linear.scatter [tilespmem:s13], [sflag:$0x2], $0x200, $0x38;
	[tilespmem:$0x8200] =	vst v63  }
0xee: {  	_ =	swait.ge [sflag:s8], $0x200  }
0xef: {  	[sflag:s8] =	ssyncset.done $0x0  }
0xf0: {  	s14 =	simm.s32 $0x6800;
	[sflag:s8] =	ssyncadd.s32 $0xFFFFFE00  }
0xf1: {  	[hbm4b:s22+s1] =	stream.linear.scatter [tilespmem:s14], [sflag:$0x2], $0x200, $0x38;
	[tilespmem:$0x8200] =	vst v63  }
0xf2: {  	_ =	swait.ge [sflag:s8], $0x200  }
0xf3: {  	[sflag:s8] =	ssyncset.done $0x0  }
0xf4: {  	s13 =	simm.s32 $0x6A00;
	[sflag:s8] =	ssyncadd.s32 $0xFFFFFE00  }
0xf5: {  	[hbm4b:s23+s1] =	stream.linear.scatter [tilespmem:s13], [sflag:$0x2], $0x200, $0x38;
	[tilespmem:$0x8200] =	vst v63  }
0xf6: {  	_ =	swait.ge [sflag:s8], $0x200  }
0xf7: {  	[sflag:s8] =	ssyncset.done $0x0  }
0xf8: {  	s14 =	simm.s32 $0x6C00;
	[sflag:s8] =	ssyncadd.s32 $0xFFFFFE00  }
0xf9: {  	[hbm4b:s24+s1] =	stream.linear.scatter [tilespmem:s14], [sflag:$0x2], $0x200, $0x38;
	[tilespmem:$0x8200] =	vst v63  }
0xfa: {  	_ =	swait.ge [sflag:s8], $0x200  }
0xfb: {  	[sflag:s8] =	ssyncset.done $0x0  }
0xfc: {  	s13 =	simm.s32 $0x6E00;
	[sflag:s8] =	ssyncadd.s32 $0xFFFFFE00  }
0xfd: {  	[hbm4b:s25+s1] =	stream.linear.scatter [tilespmem:s13], [sflag:$0x2], $0x200, $0x38;
	[tilespmem:$0x8200] =	vst v63  }
0xfe: {  	_ =	swait.ge [sflag:s8], $0x200  }
0xff: {  	[sflag:s8] =	ssyncset.done $0x0  }
0x100: {  	s14 =	simm.s32 $0x7000;
	[sflag:s8] =	ssyncadd.s32 $0xFFFFFE00  }
0x101: {  	[hbm4b:s26+s1] =	stream.linear.scatter [tilespmem:s14], [sflag:$0x2], $0x200, $0x38;
	[tilespmem:$0x8200] =	vst v63  }
0x102: {  	_ =	swait.ge [sflag:s8], $0x200  }
0x103: {  	[sflag:s8] =	ssyncset.done $0x0  }
0x104: {  	s13 =	simm.s32 $0x7200;
	[sflag:s8] =	ssyncadd.s32 $0xFFFFFE00  }
0x105: {  	[hbm4b:s28+s1] =	stream.linear.scatter [tilespmem:s13], [sflag:$0x2], $0x200, $0x38;
	[tilespmem:$0x8200] =	vst v63  }
0x106: {  	_ =	swait.ge [sflag:s8], $0x200  }
0x107: {  	[sflag:s8] =	ssyncset.done $0x0  }
0x108: {  	s14 =	simm.s32 $0x7400;
	[sflag:s8] =	ssyncadd.s32 $0xFFFFFE00  }
0x109: {  	[hbm4b:s29+s1] =	stream.linear.scatter [tilespmem:s14], [sflag:$0x2], $0x200, $0x38;
	[tilespmem:$0x8200] =	vst v63  }
0x10a: {  	_ =	swait.ge [sflag:s8], $0x200  }
0x10b: {  	[sflag:s8] =	ssyncset.done $0x0  }
0x10c: {  	s13 =	simm.s32 $0x7600;
	[sflag:s8] =	ssyncadd.s32 $0xFFFFFE00  }
0x10d: {  	[hbm4b:s30+s1] =	stream.linear.scatter [tilespmem:s13], [sflag:$0x2], $0x200, $0x38;
	[tilespmem:$0x8200] =	vst v63  }
0x10e: {  	_ =	swait.ge [sflag:s8], $0x200  }
0x10f: {  	[sflag:s8] =	ssyncset.done $0x0  }
0x110: {  	s14 =	simm.s32 $0x7800;
	[sflag:s8] =	ssyncadd.s32 $0xFFFFFE00  }
0x111: {  	[hbm4b:s31+s1] =	stream.linear.scatter [tilespmem:s14], [sflag:$0x2], $0x200, $0x38;
	[tilespmem:$0x8200] =	vst v63  }
0x112: {  	_ =	swait.ge [sflag:s8], $0x200  }
0x113: {  	[sflag:s8] =	ssyncset.done $0x0  }
0x114: {  	s13 =	simm.s32 $0x7A00;
	[sflag:s8] =	ssyncadd.s32 $0xFFFFFE00  }
0x115: {  	[hbm4b:s0+s1] =	stream.linear.scatter [tilespmem:s13], [sflag:$0x2], $0x200, $0x38;
	[tilespmem:$0x8200] =	vst v63  }
0x116: {  	_ =	swait.ge [sflag:s8], $0x200  }
0x117: {  	[sflag:s8] =	ssyncset.done $0x0  }
0x118: {  	s14 =	simm.s32 $0x7C00;
	[sflag:s8] =	ssyncadd.s32 $0xFFFFFE00  }
0x119: {  	[hbm4b:s2+s1] =	stream.linear.scatter [tilespmem:s14], [sflag:$0x2], $0x200, $0x38;
	[tilespmem:$0x8200] =	vst v63  }
0x11a: {  	_ =	swait.ge [sflag:s8], $0x200  }
0x11b: {  	[sflag:s8] =	ssyncset.done $0x0  }
0x11c: {  	s13 =	simm.s32 $0x7E00;
	[sflag:s8] =	ssyncadd.s32 $0xFFFFFE00  }
0x11d: {  	[hbm4b:s3+s1] =	stream.linear.scatter [tilespmem:s13], [sflag:$0x2], $0x200, $0x38;
	[tilespmem:$0x8200] =	vst v63  }
0x11e: {  	s11 =	sadd.s32 $0x1, s11;
	_ =	swait.ge [sflag:s8], $0x200  }
0x11f: {  	p0 =	sne.s32 s11, s7;
	[sflag:s8] =	ssyncset.done $0x0  }
.Ltmp1:
0x120: {  	s14 =	simm.s32 $0x8000;
	[sflag:s8] =	ssyncadd.s32 $0xFFFFFE00;
	(pc) =	sbr.rel @p0 .LBB2_1-.Ltmp1, $4  }
0x121: {  	[hbm4b:s4+s1] =	stream.linear.scatter [tilespmem:s14], [sflag:$0x2], $0x200, $0x38;
	[tilespmem:$0x8200] =	vst v63  }
0x122: {  	_ =	swait.ge [sflag:s8], $0x200  }
0x123: {  	[sflag:s8] =	ssyncset.done $0x0  }
0x124: {  	[sflag:s8] =	ssyncadd.s32 $0xFFFFFE00  }
0x125: {  	_ =	sfence.sel $0x180000  }
0x126: {  	[bflag:$0x0] =	sbarrier.arrive $0xFFFF  }
0x127: {  	_ =	strace $0x9000004A  }
0x128: {  	s0 =	stileid.u32;
	[bflag:$0x2] =	sbarrier.arrive $0xFFFF  }
0x129: {  	p0 =	sne.s32 s0, $0x0;
	s0 =	rddreg [dreg:$0x2]  }
0x12a: {  	s0 =	sadd.s32 @!p0 $0x100000, s0  }
0x12b: {  	[sflag:s0] =	ssyncadd.tile.s32 @!p0 $0x1;
	_ =	shalt  }
.Lfunc_end2:
_tile_overlayer_lowered:
.L_overlay_start_2:
0x12c: {  	(tag) =	ssettag $0x2  }
0x12d: {  	s0 =	rddreg [dreg:$0x0];
	s2 =	stileid.u32  }
0x12e: {  	s1 =	rddreg [dreg:$0x1];
	p0 =	sne.s32 s2, $0x0  }
0x12f: {  	s3 =	rddreg [dreg:$0x2];
	[bflag:$0x3] =	sbarrier.arrive $0xFFFF;
	s2 =	simm.s32 @!p0 $0x1C02  }
0x130: {  	[timem:s3], [sflag:s2] =	dma.local @!p0 [hbm:s0], s1  }
0x131: {  	s0 =	simm.s32 @!p0 $0x2  }
0x132: {  	_ =	swait.ge @!p0 [sflag:s0], s1  }
0x133: {  	s1 =	ssub.s32 @!p0 $0x0, s1;
	[sflag:s0] =	ssyncset.done @!p0 $0x0  }
0x134: {  	[sflag:s0] =	ssyncadd.s32 @!p0 s1  }
0x135: {  	[bflag:$0x3] =	sbarrier.arrive $0xFFFF  }
0x136: {  	_ =	shalt  }

</sc_bundles>
